<compile_context>
chip_gen: v7x
topology: tpu7x:2x2x1
jax: 0.10.2.dev20260603
libtpu: 0.0.44.dev20260713+nightly
codegen_flags: <defaults>
</compile_context>

<pallas_src>
import functools

import jax
import jax.numpy as jnp
from jax import lax
from jax.experimental import pallas as pl
from jax.experimental.pallas import tpu as pltpu
from jax.experimental.pallas import tpu_sc as plsc

N = 10000
E = 160000
NP = 10240
EP = 163840
D = 256
EH = 64
H = 256
NL = 3
NC, NS = 2, 16
NW = NC * NS
CH = 128
EPW = EP // NW
EPT = EP // NS
RPT = NP // NS

_F32 = jnp.float32
_BF = jnp.bfloat16


def _dot3(a, b):
    ah = a.astype(_BF)
    al = (a - ah.astype(_F32)).astype(_BF)
    bh = b.astype(_BF)
    bl = (b - bh.astype(_F32)).astype(_BF)
    d = functools.partial(jnp.dot, preferred_element_type=_F32)
    return d(ah, bh) + (d(ah, bl) + d(al, bh))


def _sc_mesh():
    return plsc.VectorSubcoreMesh(
        core_axis_name="c", subcore_axis_name="s",
        num_cores=NC, num_subcores=NS)



_NCHG = (EP // NS) // CH
_EPWT = EP // NS


def _gather_pipeline(table_hbm, idxb_hbm, out_hbm, c, s, idx_all, rows_a,
                     rows_b, gsem_a, gsem_b, ssem_a, ssem_b):
    base = s * _EPWT
    w = c * NS + s
    pltpu.sync_copy(idxb_hbm.at[w], idx_all)

    def idx_row(j):
        return idx_all.at[pl.ds(j * CH, CH)]

    def out_dst(j):
        return out_hbm.at[pl.ds(c * EP + base + j * CH, CH)]

    pltpu.async_copy(table_hbm.at[idx_row(0)], rows_a, gsem_a)

    @pl.loop(0, _NCHG // 2)
    def _sup(t):
        j = t * 2
        @pl.when(j >= 1)
        def _():
            pltpu.make_async_copy(rows_b, out_dst(j - 1), ssem_b).wait()
        pltpu.async_copy(table_hbm.at[idx_row(j + 1)], rows_b, gsem_b)
        pltpu.make_async_copy(table_hbm.at[idx_row(j)], rows_a, gsem_a).wait()
        pltpu.async_copy(rows_a, out_dst(j), ssem_a)
        @pl.when(j + 2 < _NCHG)
        def _():
            pltpu.make_async_copy(rows_a, out_dst(j), ssem_a).wait()
            pltpu.async_copy(table_hbm.at[idx_row(j + 2)], rows_a, gsem_a)
        pltpu.make_async_copy(table_hbm.at[idx_row(j + 1)], rows_b,
                              gsem_b).wait()
        pltpu.async_copy(rows_b, out_dst(j + 1), ssem_b)

    pltpu.make_async_copy(rows_a, out_dst(_NCHG - 2), ssem_a).wait()
    pltpu.make_async_copy(rows_b, out_dst(_NCHG - 1), ssem_b).wait()


_GATHER_SCRATCH = [
    pltpu.VMEM((_NCHG * CH,), jnp.int32),
    pltpu.VMEM((CH, 128), _F32),
    pltpu.VMEM((CH, 128), _F32),
    pltpu.SemaphoreType.DMA,
    pltpu.SemaphoreType.DMA,
    pltpu.SemaphoreType.DMA,
    pltpu.SemaphoreType.DMA,
]


def _sc_gather(table, idxb):

    def body(table_hbm, idxb_hbm, out_hbm, idx_all, rows_a, rows_b,
             gsem_a, gsem_b, ssem_a, ssem_b):
        c = lax.axis_index("c")
        s = lax.axis_index("s")
        _gather_pipeline(table_hbm, idxb_hbm, out_hbm, c, s, idx_all,
                         rows_a, rows_b, gsem_a, gsem_b, ssem_a, ssem_b)

    f = pl.kernel(
        body,
        out_type=jax.ShapeDtypeStruct((2 * EP, 128), _F32),
        mesh=_sc_mesh(),
        scratch_types=_GATHER_SCRATCH,
    )
    return f(table, idxb)


def _sc_gather2(table1, table2, idxb_1, idxb_2):

    def body(t1_hbm, t2_hbm, i1_hbm, i2_hbm, o1_hbm, o2_hbm, idx_all,
             rows_a, rows_b, gsem_a, gsem_b, ssem_a, ssem_b):
        c = lax.axis_index("c")
        s = lax.axis_index("s")
        _gather_pipeline(t1_hbm, i1_hbm, o1_hbm, c, s, idx_all,
                         rows_a, rows_b, gsem_a, gsem_b, ssem_a, ssem_b)
        _gather_pipeline(t2_hbm, i2_hbm, o2_hbm, c, s, idx_all,
                         rows_a, rows_b, gsem_a, gsem_b, ssem_a, ssem_b)

    f = pl.kernel(
        body,
        out_type=[jax.ShapeDtypeStruct((2 * EP, 128), _F32),
                  jax.ShapeDtypeStruct((2 * EP, 128), _F32)],
        mesh=_sc_mesh(),
        scratch_types=_GATHER_SCRATCH,
    )
    return f(table1, table2, idxb_1, idxb_2)


def _sc_scatter_add(m2, dst, zeros_rows):

    NCHS = EPT // CH

    def body(m_hbm, dst3_hbm, z_hbm, out_hbm, idx_all, rows_a, rows_b,
             lsem_a, lsem_b, ssem_a, ssem_b, acc_sh):
        c = lax.axis_index("c")
        s = lax.axis_index("s")
        pltpu.sync_copy(dst3_hbm.at[s], idx_all)
        pltpu.sync_copy(z_hbm, acc_sh.at[pl.ds(s * RPT, RPT)])
        plsc.subcore_barrier()
        ebase = c * EP + s * EPT

        def m_src(j):
            return m_hbm.at[pl.ds(ebase + j * CH, CH)]

        pltpu.async_copy(m_src(0), rows_a, lsem_a)

        @pl.loop(0, NCHS // 2)
        def _sup(t):
            j = t * 2
            @pl.when(j >= 1)
            def _():
                pltpu.make_async_copy(
                    rows_b, acc_sh.at[idx_all.at[j - 1]], ssem_b).wait()
            pltpu.async_copy(m_src(j + 1), rows_b, lsem_b)
            pltpu.make_async_copy(m_src(j), rows_a, lsem_a).wait()
            pltpu.async_copy(rows_a, acc_sh.at[idx_all.at[j]], ssem_a,
                             add=True)
            @pl.when(j + 2 < NCHS)
            def _():
                pltpu.make_async_copy(
                    rows_a, acc_sh.at[idx_all.at[j]], ssem_a).wait()
                pltpu.async_copy(m_src(j + 2), rows_a, lsem_a)
            pltpu.make_async_copy(m_src(j + 1), rows_b, lsem_b).wait()
            pltpu.async_copy(rows_b, acc_sh.at[idx_all.at[j + 1]], ssem_b,
                             add=True)

        pltpu.make_async_copy(
            rows_a, acc_sh.at[idx_all.at[NCHS - 2]], ssem_a).wait()
        pltpu.make_async_copy(
            rows_b, acc_sh.at[idx_all.at[NCHS - 1]], ssem_b).wait()
        plsc.subcore_barrier()
        pltpu.sync_copy(acc_sh.at[pl.ds(s * RPT, RPT)],
                        out_hbm.at[pl.ds(c * NP + s * RPT, RPT)])

    f = pl.kernel(
        body,
        out_type=jax.ShapeDtypeStruct((2 * NP, 128), _F32),
        mesh=_sc_mesh(),
        scratch_types=[
            pltpu.VMEM((EPT // CH, CH), jnp.int32),
            pltpu.VMEM((CH, 128), _F32),
            pltpu.VMEM((CH, 128), _F32),
            pltpu.SemaphoreType.DMA,
            pltpu.SemaphoreType.DMA,
            pltpu.SemaphoreType.DMA,
            pltpu.SemaphoreType.DMA,
            pltpu.VMEM_SHARED((NP, 128), _F32),
        ],
    )
    return f(m2, dst, zeros_rows)



def _tc_embed(x0, x1, elem8, hyb8, w1a0):
    BN = 2048

    def body(x0_ref, x1_ref, e8_ref, h8_ref, w_ref, h_ref, hw_ref):
        io = lax.broadcasted_iota(jnp.int32, (BN, 8), 1)
        oh0 = (x0_ref[...] == io).astype(_F32)
        oh1 = (x1_ref[...] == io).astype(_F32)
        h = jnp.concatenate(
            [_dot3(oh0, e8_ref[...]),
             _dot3(oh1, h8_ref[...])], axis=1)
        h_ref[...] = h
        hw = _dot3(h, w_ref[...])
        hw_ref[0] = hw[:, :128]
        hw_ref[1] = hw[:, 128:]

    return pl.pallas_call(
        body,
        grid=(NP // BN,),
        in_specs=[
            pl.BlockSpec((BN, 1), lambda i: (i, 0)),
            pl.BlockSpec((BN, 1), lambda i: (i, 0)),
            pl.BlockSpec((8, 128), lambda i: (0, 0)),
            pl.BlockSpec((8, 128), lambda i: (0, 0)),
            pl.BlockSpec((D, D), lambda i: (0, 0)),
        ],
        out_specs=[
            pl.BlockSpec((BN, D), lambda i: (i, 0)),
            pl.BlockSpec((2, BN, 128), lambda i: (0, i, 0)),
        ],
        out_shape=[jax.ShapeDtypeStruct((NP, D), _F32),
                   jax.ShapeDtypeStruct((2, NP, 128), _F32)],
    )(x0, x1, elem8, hyb8, w1a0)


def _tc_edgeproj(ea, wep, bep):
    BE = 4096

    def body(a_ref, w_ref, b_ref, o_ref):
        o_ref[...] = jnp.maximum(
            _dot3(a_ref[...], w_ref[...])
            + b_ref[...], 0.0)

    return pl.pallas_call(
        body,
        grid=(EP // BE,),
        in_specs=[
            pl.BlockSpec((BE, 8), lambda i: (i, 0)),
            pl.BlockSpec((8, EH), lambda i: (0, 0)),
            pl.BlockSpec((1, EH), lambda i: (0, 0)),
        ],
        out_specs=pl.BlockSpec((BE, EH), lambda i: (i, 0)),
        out_shape=jax.ShapeDtypeStruct((EP, EH), _F32),
    )(ea, wep, bep)


def _tc_msg(g, e, w1b, b1, w2, b2):
    BE = 1024

    def body(g_ref, e_ref, w1b_ref, b1_ref, w2_ref, b2_ref, o_ref):
        g = jnp.concatenate([g_ref[0], g_ref[1]], axis=1)
        t = (g
             + _dot3(e_ref[...], w1b_ref[...])
             + b1_ref[...])
        t = jnp.maximum(t, 0.0)
        m = _dot3(t, w2_ref[...]) + b2_ref[...]
        o_ref[0] = m[:, :128]
        o_ref[1] = m[:, 128:]

    return pl.pallas_call(
        body,
        grid=(EP // BE,),
        in_specs=[
            pl.BlockSpec((2, BE, 128), lambda i: (0, i, 0)),
            pl.BlockSpec((BE, EH), lambda i: (i, 0)),
            pl.BlockSpec((EH, H), lambda i: (0, 0)),
            pl.BlockSpec((1, H), lambda i: (0, 0)),
            pl.BlockSpec((H, H), lambda i: (0, 0)),
            pl.BlockSpec((1, H), lambda i: (0, 0)),
        ],
        out_specs=pl.BlockSpec((2, BE, 128), lambda i: (0, i, 0)),
        out_shape=jax.ShapeDtypeStruct((2, EP, 128), _F32),
    )(g, e, w1b, b1, w2, b2)


def _tc_gru(aggr2, h, wih_t, whh_t, bih, bhh, wproj_a, wproj_b=None):
    BN = 1024
    two = wproj_b is not None

    def body(a_ref, h_ref, wi_ref, wh_ref, bi_ref, bh_ref, wa_ref, *rest):
        if two:
            wb_ref, ho_ref, pa_ref, pb_ref = rest
        else:
            ho_ref, pa_ref = rest
        a = jnp.concatenate([a_ref[0], a_ref[1]], axis=1)
        hh = h_ref[...]
        gi = _dot3(a, wi_ref[...]) + bi_ref[...]
        gh = _dot3(hh, wh_ref[...]) + bh_ref[...]
        r = jax.nn.sigmoid(gi[:, :D] + gh[:, :D])
        z = jax.nn.sigmoid(gi[:, D:2 * D] + gh[:, D:2 * D])
        n = jnp.tanh(gi[:, 2 * D:] + r * gh[:, 2 * D:])
        ho = hh + (1.0 - z) * n + z * hh
        ho_ref[...] = ho
        pa = _dot3(ho, wa_ref[...])
        pa_ref[0] = pa[:, :128]
        pa_ref[1] = pa[:, 128:]
        if two:
            pb = _dot3(ho, wb_ref[...])
            pb_ref[0] = pb[:, :128]
            pb_ref[1] = pb[:, 128:]

    in_specs = [
        pl.BlockSpec((2, BN, 128), lambda i: (0, i, 0)),
        pl.BlockSpec((BN, D), lambda i: (i, 0)),
        pl.BlockSpec((D, 3 * D), lambda i: (0, 0)),
        pl.BlockSpec((D, 3 * D), lambda i: (0, 0)),
        pl.BlockSpec((1, 3 * D), lambda i: (0, 0)),
        pl.BlockSpec((1, 3 * D), lambda i: (0, 0)),
        pl.BlockSpec((D, D), lambda i: (0, 0)),
    ]
    args = [aggr2, h, wih_t, whh_t, bih, bhh, wproj_a]
    nout = 2
    if two:
        in_specs.append(pl.BlockSpec((D, D), lambda i: (0, 0)))
        args.append(wproj_b)
        nout = 3
    out_specs = [pl.BlockSpec((BN, D), lambda i: (i, 0))]
    out_specs += [pl.BlockSpec((2, BN, 128), lambda i: (0, i, 0))] * (nout - 1)
    out_shape = [jax.ShapeDtypeStruct((NP, D), _F32)]
    out_shape += [jax.ShapeDtypeStruct((2, NP, 128), _F32)] * (nout - 1)
    return pl.pallas_call(
        body,
        grid=(NP // BN,),
        in_specs=in_specs,
        out_specs=out_specs,
        out_shape=out_shape,
    )(*args)


def _tc_head(g1, g2, e, wp1c, bp1, wp2, bp2, wp3r, bp3):
    BE = 2048

    def body(g1_ref, g2_ref, e_ref, wc_ref, b1_ref, w2_ref, b2_ref, w3_ref,
             b3_ref, o_ref):
        g1 = jnp.concatenate([g1_ref[0], g1_ref[1]], axis=1)
        g2 = jnp.concatenate([g2_ref[0], g2_ref[1]], axis=1)
        t = (g1 + g2
             + _dot3(e_ref[...], wc_ref[...])
             + b1_ref[...])
        t = jnp.maximum(t, 0.0)
        t = jnp.maximum(
            _dot3(t, w2_ref[...]) + b2_ref[...],
            0.0)
        o_ref[...] = (jnp.sum(t * w3_ref[...], axis=1, keepdims=True)
                      + b3_ref[...])

    return pl.pallas_call(
        body,
        grid=(EP // BE,),
        in_specs=[
            pl.BlockSpec((2, BE, 128), lambda i: (0, i, 0)),
            pl.BlockSpec((2, BE, 128), lambda i: (0, i, 0)),
            pl.BlockSpec((BE, EH), lambda i: (i, 0)),
            pl.BlockSpec((EH, H), lambda i: (0, 0)),
            pl.BlockSpec((1, H), lambda i: (0, 0)),
            pl.BlockSpec((H, H // 2), lambda i: (0, 0)),
            pl.BlockSpec((1, H // 2), lambda i: (0, 0)),
            pl.BlockSpec((1, H // 2), lambda i: (0, 0)),
            pl.BlockSpec((1, 1), lambda i: (0, 0)),
        ],
        out_specs=pl.BlockSpec((BE, 1), lambda i: (i, 0)),
        out_shape=jax.ShapeDtypeStruct((EP, 1), _F32),
    )(g1, g2, e, wp1c, bp1, wp2, bp2, wp3r, bp3)



def kernel(x, edge_index, edge_attr, elem_emb, hyb_emb, W_ep, b_ep,
           msg_W1, msg_b1, msg_W2, msg_b2,
           gru_Wih, gru_Whh, gru_bih, gru_bhh,
           Wp1, bp1, Wp2, bp2, Wp3, bp3):
    pad_e = EP - E
    src_p = jnp.concatenate(
        [edge_index[0].astype(jnp.int32), jnp.zeros((pad_e,), jnp.int32)])
    dst_p = jnp.concatenate(
        [edge_index[1].astype(jnp.int32), jnp.full((pad_e,), N, jnp.int32)])
    ea_p = jnp.pad(edge_attr, ((0, pad_e), (0, 2)))
    x0 = jnp.pad(x[:, 0:1].astype(jnp.int32), ((0, NP - N), (0, 0)),
                 constant_values=-1)
    x1 = jnp.pad(x[:, 1:2].astype(jnp.int32), ((0, NP - N), (0, 0)),
                 constant_values=-1)
    wep_p = jnp.pad(W_ep, ((0, 2), (0, 0)))
    w1a = msg_W1[:, :D, :]
    w1b = msg_W1[:, D:, :]
    wih_t = jnp.swapaxes(gru_Wih, 1, 2)
    whh_t = jnp.swapaxes(gru_Whh, 1, 2)
    wp1a, wp1b, wp1c = Wp1[:D], Wp1[D:2 * D], Wp1[2 * D:]
    zeros_rows = jnp.zeros((RPT, 128), _F32)
    src_b = jnp.concatenate([src_p, src_p + NP]).reshape(NW, _EPWT)
    dst_b = jnp.concatenate([dst_p, dst_p + NP]).reshape(NW, _EPWT)
    dst_s3 = dst_p.reshape(NS, EPT // CH, CH)

    h = jnp.concatenate(
        [jnp.where(x0 >= 0, 1.0, 0.0) * elem_emb[jnp.maximum(x0[:, 0], 0)],
         jnp.where(x1 >= 0, 1.0, 0.0) * hyb_emb[jnp.maximum(x1[:, 0], 0)]],
        axis=1)
    hwf = h @ w1a[0]
    hw = jnp.stack([hwf[:, :128], hwf[:, 128:]])
    e = jnp.maximum(ea_p @ wep_p + b_ep, 0.0)
    hp1 = hp2 = None
    for l in range(NL):
        g = _sc_gather(hw.reshape(2 * NP, 128), src_b).reshape(2, EP, 128)
        gc = jnp.concatenate([g[0], g[1]], axis=1)
        m = (jnp.maximum(gc + e @ w1b[l] + msg_b1[l], 0.0) @ msg_W2[l]
             + msg_b2[l])
        m2t = jnp.stack([m[:, :128], m[:, 128:]])
        aggr = _sc_scatter_add(m2t.reshape(2 * EP, 128), dst_s3, zeros_rows)
        aggr2 = aggr.reshape(2, NP, 128)
        ac = jnp.concatenate([aggr2[0], aggr2[1]], axis=1)
        gi = ac @ wih_t[l] + gru_bih[l]
        gh = h @ whh_t[l] + gru_bhh[l]
        r = jax.nn.sigmoid(gi[:, :D] + gh[:, :D])
        z = jax.nn.sigmoid(gi[:, D:2 * D] + gh[:, D:2 * D])
        n = jnp.tanh(gi[:, 2 * D:] + r * gh[:, 2 * D:])
        h = h + (1.0 - z) * n + z * h
        _unused5 = _tc_gru
        if l < NL - 1:
            hwf = h @ w1a[l + 1]
            hw = jnp.stack([hwf[:, :128], hwf[:, 128:]]).reshape(2, NP, 128)
        else:
            p1 = h @ wp1a
            hp1 = jnp.stack([p1[:, :128], p1[:, 128:]])
            p2 = h @ wp1b
            hp2 = jnp.stack([p2[:, :128], p2[:, 128:]])
    g1, g2 = _sc_gather2(hp1.reshape(2 * NP, 128), hp2.reshape(2 * NP, 128),
                         src_b, dst_b)
    g1 = g1.reshape(2 * EP, 128)
    g2 = g2.reshape(2 * EP, 128)
    g1c = jnp.concatenate([g1[:EP], g1[EP:]], axis=1)
    g2c = jnp.concatenate([g2[:EP], g2[EP:]], axis=1)
    t = jnp.maximum(g1c + g2c + e @ wp1c + bp1, 0.0)
    t = jnp.maximum(t @ Wp2 + bp2, 0.0)
    out = t @ Wp3 + bp3
    return out[:E, 0]

# --- scband reference (transcript-rebuilt; emitter-appended) ---
"""Pipeline reference for scband-bond-length-gnn-88493506166921 (READ-ONLY COPY).

The authoritative reference and input builder live on the scoring server;
editing this copy changes nothing except your own understanding.
"""

import jax, jax.numpy as jnp
import numpy as np

NUM_ELEM = 100
NUM_HYB = 8
N = 10000
E = 160000
NODE_EMB = 128
NODE_DIM = 2 * NODE_EMB
EDGE_HIDDEN = 64
HIDDEN = 256
RAW_EDGE_DIM = 6
NL = 3


def setup_inputs(seed: int = 0) -> dict:
    key = jax.random.key(seed)
    ks = jax.random.split(key, 32)
    s = 0.05
    inp = {}
    inp["x"] = jax.random.randint(ks[0], (N, 2), 0, 8)
    inp["edge_index"] = jax.random.randint(ks[1], (2, E), 0, N)
    inp["edge_attr"] = jax.random.normal(ks[2], (E, RAW_EDGE_DIM), dtype=jnp.float32)
    # embeddings (padding rows included, unused since indices < 8)
    inp["elem_emb"] = jax.random.normal(ks[3], (NUM_ELEM + 1, NODE_EMB), dtype=jnp.float32) * s
    inp["hyb_emb"] = jax.random.normal(ks[4], (NUM_HYB + 1, NODE_EMB), dtype=jnp.float32) * s
    # edge projection
    inp["W_ep"] = jax.random.normal(ks[5], (RAW_EDGE_DIM, EDGE_HIDDEN), dtype=jnp.float32) * s
    inp["b_ep"] = jnp.zeros((EDGE_HIDDEN,), dtype=jnp.float32)
    # per-layer message MLP params (stacked over layers)
    inp["msg_W1"] = jax.random.normal(ks[6], (NL, NODE_DIM + EDGE_HIDDEN, HIDDEN), dtype=jnp.float32) * s
    inp["msg_b1"] = jnp.zeros((NL, HIDDEN), dtype=jnp.float32)
    inp["msg_W2"] = jax.random.normal(ks[7], (NL, HIDDEN, HIDDEN), dtype=jnp.float32) * s
    inp["msg_b2"] = jnp.zeros((NL, HIDDEN), dtype=jnp.float32)
    # per-layer GRUCell params (torch layout: weight_ih [3*hidden_size, input_size])
    inp["gru_Wih"] = jax.random.normal(ks[8], (NL, 3 * NODE_DIM, HIDDEN), dtype=jnp.float32) * s
    inp["gru_Whh"] = jax.random.normal(ks[9], (NL, 3 * NODE_DIM, NODE_DIM), dtype=jnp.float32) * s
    inp["gru_bih"] = jnp.zeros((NL, 3 * NODE_DIM), dtype=jnp.float32)
    inp["gru_bhh"] = jnp.zeros((NL, 3 * NODE_DIM), dtype=jnp.float32)
    # prediction head
    pred_in = NODE_DIM * 2 + EDGE_HIDDEN
    inp["Wp1"] = jax.random.normal(ks[10], (pred_in, HIDDEN), dtype=jnp.float32) * s
    inp["bp1"] = jnp.zeros((HIDDEN,), dtype=jnp.float32)
    inp["Wp2"] = jax.random.normal(ks[11], (HIDDEN, HIDDEN // 2), dtype=jnp.float32) * s
    inp["bp2"] = jnp.zeros((HIDDEN // 2,), dtype=jnp.float32)
    inp["Wp3"] = jax.random.normal(ks[12], (HIDDEN // 2, 1), dtype=jnp.float32) * s
    inp["bp3"] = jnp.zeros((1,), dtype=jnp.float32)
    return inp


def reference(x, edge_index, edge_attr, elem_emb, hyb_emb, W_ep, b_ep,
              msg_W1, msg_b1, msg_W2, msg_b2,
              gru_Wih, gru_Whh, gru_bih, gru_bhh,
              Wp1, bp1, Wp2, bp2, Wp3, bp3):
    # node embeddings
    h = jnp.concatenate([jnp.take(elem_emb, x[:, 0], axis=0),
                         jnp.take(hyb_emb, x[:, 1], axis=0)], axis=-1)  # [N, NODE_DIM]
    # edge projection
    e = jax.nn.relu(edge_attr @ W_ep + b_ep)  # [E, EDGE_HIDDEN]
    src = edge_index[0]  # j (source)
    dst = edge_index[1]  # i (target)
    for l in range(NL):
        # message: MLP(h_j || e_ij)
        m_in = jnp.concatenate([jnp.take(h, src, axis=0), e], axis=-1)
        m = jax.nn.relu(m_in @ msg_W1[l] + msg_b1[l]) @ msg_W2[l] + msg_b2[l]
        # aggregate: sum over incoming edges at target node i
        aggr = jax.ops.segment_sum(m, dst, num_segments=N)
        # update: GRUCell(aggr, h)
        gi = aggr @ gru_Wih[l].T + gru_bih[l]
        gh = h @ gru_Whh[l].T + gru_bhh[l]
        i_r, i_z, i_n = jnp.split(gi, 3, axis=-1)
        h_r, h_z, h_n = jnp.split(gh, 3, axis=-1)
        r = jax.nn.sigmoid(i_r + h_r)
        z = jax.nn.sigmoid(i_z + h_z)
        n = jnp.tanh(i_n + r * h_n)
        h_new = (1.0 - z) * n + z * h
        # residual
        h = h + h_new
    # per-edge prediction head (dropout in eval mode = identity)
    h_i = jnp.take(h, src, axis=0)
    h_j = jnp.take(h, dst, axis=0)
    p = jnp.concatenate([h_i, h_j, e], axis=-1)
    p = jax.nn.relu(p @ Wp1 + bp1)
    p = jax.nn.relu(p @ Wp2 + bp2)
    pred = (p @ Wp3 + bp3).squeeze(-1)
    return pred

if __name__ == "__main__":
    import jax
    _d = setup_inputs()
    print(jax.jit(kernel)(*tuple(_d.values())))

</pallas_src>

<mosaic_0001>
#map = affine_map<(d0, d1) -> (0, 0)>
#map1 = affine_map<(d0, d1) -> (0, 0, 0)>
module attributes {stable_mosaic.version = 14 : i64} {
  func.func @body(%arg0: i32, %arg1: i32, %arg2: memref<327680x128xf32, #tpu.memory_space<hbm>>, %arg3: memref<16x80x128xi32, #tpu.memory_space<hbm>>, %arg4: memref<640x128xf32, #tpu.memory_space<hbm>>, %arg5: memref<20480x128xf32, #tpu.memory_space<hbm>>, %arg6: memref<80x128xi32, #tpu.memory_space<vmem>>, %arg7: memref<128x128xf32, #tpu.memory_space<vmem>>, %arg8: memref<128x128xf32, #tpu.memory_space<vmem>>, %arg9: memref<!tpu.dma_semaphore, #tpu.memory_space<semaphore_mem>>, %arg10: memref<!tpu.dma_semaphore, #tpu.memory_space<semaphore_mem>>, %arg11: memref<!tpu.dma_semaphore, #tpu.memory_space<semaphore_mem>>, %arg12: memref<!tpu.dma_semaphore, #tpu.memory_space<semaphore_mem>>, %arg13: memref<10240x128xf32, #tpu.memory_space<vmem_shared>>) attributes {dimension_semantics = [#tpu.dimension_semantics<core_parallel>, #tpu.dimension_semantics<subcore_parallel>], iteration_bounds = array<i64: 2, 16>, scalar_prefetch = 0 : i64, scratch_operands = 8 : i64, tpu.core_type = #tpu.core_type<sc_vector_subcore>, window_params = [{transform_indices = #map}, {transform_indices = #map1}, {transform_indices = #map}, {transform_indices = #map}]} {
    "tpu.region"() ({
      %run_scoped3A = tpu.sem_alloc : memref<!tpu.dma_semaphore, #tpu.memory_space<semaphore_mem>>
      %dma_start3A_35 = arith.constant 0 : i32
      %dma_start3A_36 = arith.constant 0 : i32
      %dma_start3A_37 = tpu.memref_slice %arg3[%arg1, %dma_start3A_35, %dma_start3A_36] : memref<16x80x128xi32, #tpu.memory_space<hbm>> -> memref<1x80x128xi32, #tpu.memory_space<hbm>>
      %dma_start3A_38 = tpu.memref_squeeze %dma_start3A_37 : memref<1x80x128xi32, #tpu.memory_space<hbm>> -> memref<80x128xi32, #tpu.memory_space<hbm>>
      %dma_start3A_39 = arith.constant 0 : i32
      %dma_start3A_40 = arith.constant 0 : i32
      %dma_start3A_41 = tpu.memref_slice %arg3[%arg1, %dma_start3A_39, %dma_start3A_40] : memref<16x80x128xi32, #tpu.memory_space<hbm>> -> memref<1x80x128xi32, #tpu.memory_space<hbm>>
      %dma_start3A_42 = tpu.memref_squeeze %dma_start3A_41 : memref<1x80x128xi32, #tpu.memory_space<hbm>> -> memref<80x128xi32, #tpu.memory_space<hbm>>
      tpu.enqueue_dma source(%dma_start3A_42 : memref<80x128xi32, #tpu.memory_space<hbm>>) target(%arg6 : memref<80x128xi32, #tpu.memory_space<vmem>>) target_semaphore(%run_scoped3A : memref<!tpu.dma_semaphore, #tpu.memory_space<semaphore_mem>>)
      %dma_wait3A_43 = arith.constant 0 : i32
      %dma_wait3A_44 = arith.constant 0 : i32
      %dma_wait3A_45 = tpu.memref_slice %arg3[%arg1, %dma_wait3A_43, %dma_wait3A_44] : memref<16x80x128xi32, #tpu.memory_space<hbm>> -> memref<1x80x128xi32, #tpu.memory_space<hbm>>
      %dma_wait3A_46 = tpu.memref_squeeze %dma_wait3A_45 : memref<1x80x128xi32, #tpu.memory_space<hbm>> -> memref<80x128xi32, #tpu.memory_space<hbm>>
      %dma_wait3A_47 = arith.constant 0 : i32
      %dma_wait3A_48 = arith.constant 0 : i32
      %dma_wait3A_49 = tpu.memref_slice %arg3[%arg1, %dma_wait3A_47, %dma_wait3A_48] : memref<16x80x128xi32, #tpu.memory_space<hbm>> -> memref<1x80x128xi32, #tpu.memory_space<hbm>>
      %dma_wait3A_50 = tpu.memref_squeeze %dma_wait3A_49 : memref<1x80x128xi32, #tpu.memory_space<hbm>> -> memref<80x128xi32, #tpu.memory_space<hbm>>
      tpu.wait_dma2 semaphore(%run_scoped3A : memref<!tpu.dma_semaphore, #tpu.memory_space<semaphore_mem>>) src(%dma_wait3A_50 : memref<80x128xi32, #tpu.memory_space<hbm>>) dst(%arg6 : memref<80x128xi32, #tpu.memory_space<vmem>>)
      tpu.yield
    }) : () -> ()
    %mul3A = arith.constant 640 : i32
    %mul3A_0 = arith.muli %arg1, %mul3A : i32
    "tpu.region"() ({
      %run_scoped3A = tpu.sem_alloc : memref<!tpu.dma_semaphore, #tpu.memory_space<semaphore_mem>>
      %dma_start3A_35 = arith.constant 0 : i32
      %dma_start3A_36 = tpu.memref_slice %arg13[%mul3A_0, %dma_start3A_35] : memref<10240x128xf32, #tpu.memory_space<vmem_shared>> -> memref<640x128xf32, #tpu.memory_space<vmem_shared>>
      tpu.enqueue_dma source(%arg4 : memref<640x128xf32, #tpu.memory_space<hbm>>) target(%dma_start3A_36 : memref<640x128xf32, #tpu.memory_space<vmem_shared>>) target_semaphore(%run_scoped3A : memref<!tpu.dma_semaphore, #tpu.memory_space<semaphore_mem>>)
      %dma_wait3A_37 = arith.constant 0 : i32
      %dma_wait3A_38 = tpu.memref_slice %arg13[%mul3A_0, %dma_wait3A_37] : memref<10240x128xf32, #tpu.memory_space<vmem_shared>> -> memref<640x128xf32, #tpu.memory_space<vmem_shared>>
      tpu.wait_dma2 semaphore(%run_scoped3A : memref<!tpu.dma_semaphore, #tpu.memory_space<semaphore_mem>>) src(%arg4 : memref<640x128xf32, #tpu.memory_space<hbm>>) dst(%dma_wait3A_38 : memref<640x128xf32, #tpu.memory_space<vmem_shared>>)
      tpu.yield
    }) : () -> ()
    %barrier3A = arith.constant 0 : index
    tpu.barrier barrier_id(%barrier3A)
    %mul3A_1 = arith.constant 163840 : i32
    %mul3A_2 = arith.muli %arg0, %mul3A_1 : i32
    %mul3A_3 = arith.constant 10240 : i32
    %mul3A_4 = arith.muli %arg1, %mul3A_3 : i32
    %add3A = arith.addi %mul3A_2, %mul3A_4 : i32
    %add3A_5 = arith.constant 0 : i32
    %add3A_6 = arith.addi %add3A, %add3A_5 : i32
    %dma_start3A = arith.constant 0 : i32
    %dma_start3A_7 = tpu.memref_slice %arg2[%add3A_6, %dma_start3A] : memref<327680x128xf32, #tpu.memory_space<hbm>> -> memref<128x128xf32, #tpu.memory_space<hbm>>
    %dma_start3A_8 = arith.constant 0 : i32
    %dma_start3A_9 = tpu.memref_slice %arg2[%add3A_6, %dma_start3A_8] : memref<327680x128xf32, #tpu.memory_space<hbm>> -> memref<128x128xf32, #tpu.memory_space<hbm>>
    tpu.enqueue_dma source(%dma_start3A_9 : memref<128x128xf32, #tpu.memory_space<hbm>>) target(%arg7 : memref<128x128xf32, #tpu.memory_space<vmem>>) target_semaphore(%arg9 : memref<!tpu.dma_semaphore, #tpu.memory_space<semaphore_mem>>)
    %scan3A = arith.constant 0 : i32
    %scan3A_10 = arith.constant 40 : i32
    %scan3A_11 = arith.addi %scan3A, %scan3A_10 : i32
    %scan3A_12 = arith.constant 1 : i32
    scf.for %scan3A_35 = %scan3A to %scan3A_11 step %scan3A_12  : i32 {
      %mul3A_36 = arith.constant 1 : i32
      %mul3A_37 = arith.muli %scan3A_35, %mul3A_36 : i32
      %add3A_38 = arith.constant 0 : i32
      %add3A_39 = arith.addi %add3A_38, %mul3A_37 : i32
      %mul3A_40 = arith.constant 2 : i32
      %mul3A_41 = arith.muli %add3A_39, %mul3A_40 : i32
      %ge3A = arith.constant 1 : i32
      %ge3A_42 = arith.cmpi sge, %mul3A_41, %ge3A : i32
      %convert_element_type3A = arith.extui %ge3A_42 : i1 to i32
      %cond3A = arith.constant 0 : i32
      %cond3A_43 = arith.cmpi ne, %convert_element_type3A, %cond3A : i32
      scf.if %cond3A_43 {
        %sub3A = arith.constant 1 : i32
        %sub3A_89 = arith.subi %mul3A_41, %sub3A : i32
        %dma_wait3A_90 = arith.constant 0 : i32
        %dma_wait3A_91 = tpu.memref_slice %arg6[%sub3A_89, %dma_wait3A_90] : memref<80x128xi32, #tpu.memory_space<vmem>> -> memref<1x128xi32, #tpu.memory_space<vmem>>
        %dma_wait3A_92 = tpu.memref_squeeze %dma_wait3A_91 : memref<1x128xi32, #tpu.memory_space<vmem>> -> memref<128xi32, #tpu.memory_space<vmem>>
        %dma_wait3A_93 = arith.constant 0 : i32
        %dma_wait3A_94 = arith.constant 0 : i32
        %dma_wait3A_95 = tpu.memref_slice %arg13[%dma_wait3A_93, %dma_wait3A_94] : memref<10240x128xf32, #tpu.memory_space<vmem_shared>> -> memref<10240x128xf32, #tpu.memory_space<vmem_shared>>
        tpu.wait_indirect_dma semaphore(%arg12 : memref<!tpu.dma_semaphore, #tpu.memory_space<semaphore_mem>>) src(%arg8 : memref<128x128xf32, #tpu.memory_space<vmem>>) dst(%dma_wait3A_95 : memref<10240x128xf32, #tpu.memory_space<vmem_shared>>)
      } else {
      }
      %add3A_44 = arith.constant 1 : i32
      %add3A_45 = arith.addi %mul3A_41, %add3A_44 : i32
      %mul3A_46 = arith.constant 128 : i32
      %mul3A_47 = arith.muli %add3A_45, %mul3A_46 : i32
      %add3A_48 = arith.addi %add3A, %mul3A_47 : i32
      %dma_start3A_49 = arith.constant 0 : i32
      %dma_start3A_50 = tpu.memref_slice %arg2[%add3A_48, %dma_start3A_49] : memref<327680x128xf32, #tpu.memory_space<hbm>> -> memref<128x128xf32, #tpu.memory_space<hbm>>
      %dma_start3A_51 = arith.constant 0 : i32
      %dma_start3A_52 = tpu.memref_slice %arg2[%add3A_48, %dma_start3A_51] : memref<327680x128xf32, #tpu.memory_space<hbm>> -> memref<128x128xf32, #tpu.memory_space<hbm>>
      tpu.enqueue_dma source(%dma_start3A_52 : memref<128x128xf32, #tpu.memory_space<hbm>>) target(%arg8 : memref<128x128xf32, #tpu.memory_space<vmem>>) target_semaphore(%arg10 : memref<!tpu.dma_semaphore, #tpu.memory_space<semaphore_mem>>)
      %mul3A_53 = arith.constant 128 : i32
      %mul3A_54 = arith.muli %mul3A_41, %mul3A_53 : i32
      %add3A_55 = arith.addi %add3A, %mul3A_54 : i32
      %dma_wait3A_56 = arith.constant 0 : i32
      %dma_wait3A_57 = tpu.memref_slice %arg2[%add3A_55, %dma_wait3A_56] : memref<327680x128xf32, #tpu.memory_space<hbm>> -> memref<128x128xf32, #tpu.memory_space<hbm>>
      %dma_wait3A_58 = arith.constant 0 : i32
      %dma_wait3A_59 = tpu.memref_slice %arg2[%add3A_55, %dma_wait3A_58] : memref<327680x128xf32, #tpu.memory_space<hbm>> -> memref<128x128xf32, #tpu.memory_space<hbm>>
      tpu.wait_dma2 semaphore(%arg9 : memref<!tpu.dma_semaphore, #tpu.memory_space<semaphore_mem>>) src(%dma_wait3A_59 : memref<128x128xf32, #tpu.memory_space<hbm>>) dst(%arg7 : memref<128x128xf32, #tpu.memory_space<vmem>>)
      %dma_start3A_60 = arith.constant 0 : i32
      %dma_start3A_61 = tpu.memref_slice %arg6[%mul3A_41, %dma_start3A_60] : memref<80x128xi32, #tpu.memory_space<vmem>> -> memref<1x128xi32, #tpu.memory_space<vmem>>
      %dma_start3A_62 = tpu.memref_squeeze %dma_start3A_61 : memref<1x128xi32, #tpu.memory_space<vmem>> -> memref<128xi32, #tpu.memory_space<vmem>>
      %dma_start3A_63 = arith.constant 0 : i32
      %dma_start3A_64 = arith.constant 0 : i32
      %dma_start3A_65 = tpu.memref_slice %arg13[%dma_start3A_63, %dma_start3A_64] : memref<10240x128xf32, #tpu.memory_space<vmem_shared>> -> memref<10240x128xf32, #tpu.memory_space<vmem_shared>>
      tpu.enqueue_indirect_dma source(%arg7 : memref<128x128xf32, #tpu.memory_space<vmem>>) target(%dma_start3A_65 : memref<10240x128xf32, #tpu.memory_space<vmem_shared>>) offsets(%dma_start3A_62 : memref<128xi32, #tpu.memory_space<vmem>>) semaphore(%arg11 : memref<!tpu.dma_semaphore, #tpu.memory_space<semaphore_mem>>) {add = true}
      %add3A_66 = arith.constant 2 : i32
      %add3A_67 = arith.addi %mul3A_41, %add3A_66 : i32
      %lt3A = arith.constant 80 : i32
      %lt3A_68 = arith.cmpi slt, %add3A_67, %lt3A : i32
      %convert_element_type3A_69 = arith.extui %lt3A_68 : i1 to i32
      %cond3A_70 = arith.constant 0 : i32
      %cond3A_71 = arith.cmpi ne, %convert_element_type3A_69, %cond3A_70 : i32
      scf.if %cond3A_71 {
        %dma_wait3A_89 = arith.constant 0 : i32
        %dma_wait3A_90 = tpu.memref_slice %arg6[%mul3A_41, %dma_wait3A_89] : memref<80x128xi32, #tpu.memory_space<vmem>> -> memref<1x128xi32, #tpu.memory_space<vmem>>
        %dma_wait3A_91 = tpu.memref_squeeze %dma_wait3A_90 : memref<1x128xi32, #tpu.memory_space<vmem>> -> memref<128xi32, #tpu.memory_space<vmem>>
        %dma_wait3A_92 = arith.constant 0 : i32
        %dma_wait3A_93 = arith.constant 0 : i32
        %dma_wait3A_94 = tpu.memref_slice %arg13[%dma_wait3A_92, %dma_wait3A_93] : memref<10240x128xf32, #tpu.memory_space<vmem_shared>> -> memref<10240x128xf32, #tpu.memory_space<vmem_shared>>
        tpu.wait_indirect_dma semaphore(%arg11 : memref<!tpu.dma_semaphore, #tpu.memory_space<semaphore_mem>>) src(%arg7 : memref<128x128xf32, #tpu.memory_space<vmem>>) dst(%dma_wait3A_94 : memref<10240x128xf32, #tpu.memory_space<vmem_shared>>)
        %add3A_95 = arith.constant 2 : i32
        %add3A_96 = arith.addi %mul3A_41, %add3A_95 : i32
        %mul3A_97 = arith.constant 128 : i32
        %mul3A_98 = arith.muli %add3A_96, %mul3A_97 : i32
        %add3A_99 = arith.addi %add3A, %mul3A_98 : i32
        %dma_start3A_100 = arith.constant 0 : i32
        %dma_start3A_101 = tpu.memref_slice %arg2[%add3A_99, %dma_start3A_100] : memref<327680x128xf32, #tpu.memory_space<hbm>> -> memref<128x128xf32, #tpu.memory_space<hbm>>
        %dma_start3A_102 = arith.constant 0 : i32
        %dma_start3A_103 = tpu.memref_slice %arg2[%add3A_99, %dma_start3A_102] : memref<327680x128xf32, #tpu.memory_space<hbm>> -> memref<128x128xf32, #tpu.memory_space<hbm>>
        tpu.enqueue_dma source(%dma_start3A_103 : memref<128x128xf32, #tpu.memory_space<hbm>>) target(%arg7 : memref<128x128xf32, #tpu.memory_space<vmem>>) target_semaphore(%arg9 : memref<!tpu.dma_semaphore, #tpu.memory_space<semaphore_mem>>)
      } else {
      }
      %add3A_72 = arith.constant 1 : i32
      %add3A_73 = arith.addi %mul3A_41, %add3A_72 : i32
      %mul3A_74 = arith.constant 128 : i32
      %mul3A_75 = arith.muli %add3A_73, %mul3A_74 : i32
      %add3A_76 = arith.addi %add3A, %mul3A_75 : i32
      %dma_wait3A_77 = arith.constant 0 : i32
      %dma_wait3A_78 = tpu.memref_slice %arg2[%add3A_76, %dma_wait3A_77] : memref<327680x128xf32, #tpu.memory_space<hbm>> -> memref<128x128xf32, #tpu.memory_space<hbm>>
      %dma_wait3A_79 = arith.constant 0 : i32
      %dma_wait3A_80 = tpu.memref_slice %arg2[%add3A_76, %dma_wait3A_79] : memref<327680x128xf32, #tpu.memory_space<hbm>> -> memref<128x128xf32, #tpu.memory_space<hbm>>
      tpu.wait_dma2 semaphore(%arg10 : memref<!tpu.dma_semaphore, #tpu.memory_space<semaphore_mem>>) src(%dma_wait3A_80 : memref<128x128xf32, #tpu.memory_space<hbm>>) dst(%arg8 : memref<128x128xf32, #tpu.memory_space<vmem>>)
      %add3A_81 = arith.constant 1 : i32
      %add3A_82 = arith.addi %mul3A_41, %add3A_81 : i32
      %dma_start3A_83 = arith.constant 0 : i32
      %dma_start3A_84 = tpu.memref_slice %arg6[%add3A_82, %dma_start3A_83] : memref<80x128xi32, #tpu.memory_space<vmem>> -> memref<1x128xi32, #tpu.memory_space<vmem>>
      %dma_start3A_85 = tpu.memref_squeeze %dma_start3A_84 : memref<1x128xi32, #tpu.memory_space<vmem>> -> memref<128xi32, #tpu.memory_space<vmem>>
      %dma_start3A_86 = arith.constant 0 : i32
      %dma_start3A_87 = arith.constant 0 : i32
      %dma_start3A_88 = tpu.memref_slice %arg13[%dma_start3A_86, %dma_start3A_87] : memref<10240x128xf32, #tpu.memory_space<vmem_shared>> -> memref<10240x128xf32, #tpu.memory_space<vmem_shared>>
      tpu.enqueue_indirect_dma source(%arg8 : memref<128x128xf32, #tpu.memory_space<vmem>>) target(%dma_start3A_88 : memref<10240x128xf32, #tpu.memory_space<vmem_shared>>) offsets(%dma_start3A_85 : memref<128xi32, #tpu.memory_space<vmem>>) semaphore(%arg12 : memref<!tpu.dma_semaphore, #tpu.memory_space<semaphore_mem>>) {add = true}
    }
    %scan3A_13 = arith.constant 40 : i32
    %dma_wait3A = arith.constant 78 : i32
    %dma_wait3A_14 = arith.constant 0 : i32
    %dma_wait3A_15 = tpu.memref_slice %arg6[%dma_wait3A, %dma_wait3A_14] : memref<80x128xi32, #tpu.memory_space<vmem>> -> memref<1x128xi32, #tpu.memory_space<vmem>>
    %dma_wait3A_16 = tpu.memref_squeeze %dma_wait3A_15 : memref<1x128xi32, #tpu.memory_space<vmem>> -> memref<128xi32, #tpu.memory_space<vmem>>
    %dma_wait3A_17 = arith.constant 0 : i32
    %dma_wait3A_18 = arith.constant 0 : i32
    %dma_wait3A_19 = tpu.memref_slice %arg13[%dma_wait3A_17, %dma_wait3A_18] : memref<10240x128xf32, #tpu.memory_space<vmem_shared>> -> memref<10240x128xf32, #tpu.memory_space<vmem_shared>>
    tpu.wait_indirect_dma semaphore(%arg11 : memref<!tpu.dma_semaphore, #tpu.memory_space<semaphore_mem>>) src(%arg7 : memref<128x128xf32, #tpu.memory_space<vmem>>) dst(%dma_wait3A_19 : memref<10240x128xf32, #tpu.memory_space<vmem_shared>>)
    %dma_wait3A_20 = arith.constant 79 : i32
    %dma_wait3A_21 = arith.constant 0 : i32
    %dma_wait3A_22 = tpu.memref_slice %arg6[%dma_wait3A_20, %dma_wait3A_21] : memref<80x128xi32, #tpu.memory_space<vmem>> -> memref<1x128xi32, #tpu.memory_space<vmem>>
    %dma_wait3A_23 = tpu.memref_squeeze %dma_wait3A_22 : memref<1x128xi32, #tpu.memory_space<vmem>> -> memref<128xi32, #tpu.memory_space<vmem>>
    %dma_wait3A_24 = arith.constant 0 : i32
    %dma_wait3A_25 = arith.constant 0 : i32
    %dma_wait3A_26 = tpu.memref_slice %arg13[%dma_wait3A_24, %dma_wait3A_25] : memref<10240x128xf32, #tpu.memory_space<vmem_shared>> -> memref<10240x128xf32, #tpu.memory_space<vmem_shared>>
    tpu.wait_indirect_dma semaphore(%arg12 : memref<!tpu.dma_semaphore, #tpu.memory_space<semaphore_mem>>) src(%arg8 : memref<128x128xf32, #tpu.memory_space<vmem>>) dst(%dma_wait3A_26 : memref<10240x128xf32, #tpu.memory_space<vmem_shared>>)
    %barrier3A_27 = arith.constant 0 : index
    tpu.barrier barrier_id(%barrier3A_27)
    %mul3A_28 = arith.constant 640 : i32
    %mul3A_29 = arith.muli %arg1, %mul3A_28 : i32
    %mul3A_30 = arith.constant 10240 : i32
    %mul3A_31 = arith.muli %arg0, %mul3A_30 : i32
    %mul3A_32 = arith.constant 640 : i32
    %mul3A_33 = arith.muli %arg1, %mul3A_32 : i32
    %add3A_34 = arith.addi %mul3A_31, %mul3A_33 : i32
    "tpu.region"() ({
      %run_scoped3A = tpu.sem_alloc : memref<!tpu.dma_semaphore, #tpu.memory_space<semaphore_mem>>
      %dma_start3A_35 = arith.constant 0 : i32
      %dma_start3A_36 = tpu.memref_slice %arg5[%add3A_34, %dma_start3A_35] : memref<20480x128xf32, #tpu.memory_space<hbm>> -> memref<640x128xf32, #tpu.memory_space<hbm>>
      %dma_start3A_37 = arith.constant 0 : i32
      %dma_start3A_38 = tpu.memref_slice %arg13[%mul3A_29, %dma_start3A_37] : memref<10240x128xf32, #tpu.memory_space<vmem_shared>> -> memref<640x128xf32, #tpu.memory_space<vmem_shared>>
      tpu.enqueue_dma source(%dma_start3A_38 : memref<640x128xf32, #tpu.memory_space<vmem_shared>>) target(%dma_start3A_36 : memref<640x128xf32, #tpu.memory_space<hbm>>) target_semaphore(%run_scoped3A : memref<!tpu.dma_semaphore, #tpu.memory_space<semaphore_mem>>)
      %dma_wait3A_39 = arith.constant 0 : i32
      %dma_wait3A_40 = tpu.memref_slice %arg5[%add3A_34, %dma_wait3A_39] : memref<20480x128xf32, #tpu.memory_space<hbm>> -> memref<640x128xf32, #tpu.memory_space<hbm>>
      %dma_wait3A_41 = arith.constant 0 : i32
      %dma_wait3A_42 = tpu.memref_slice %arg13[%mul3A_29, %dma_wait3A_41] : memref<10240x128xf32, #tpu.memory_space<vmem_shared>> -> memref<640x128xf32, #tpu.memory_space<vmem_shared>>
      tpu.wait_dma2 semaphore(%run_scoped3A : memref<!tpu.dma_semaphore, #tpu.memory_space<semaphore_mem>>) src(%dma_wait3A_42 : memref<640x128xf32, #tpu.memory_space<vmem_shared>>) dst(%dma_wait3A_40 : memref<640x128xf32, #tpu.memory_space<hbm>>)
      tpu.yield
    }) : () -> ()
    return
  }
}

#map = affine_map<(d0, d1) -> (0, 0)>
module attributes {stable_mosaic.version = 14 : i64} {
  func.func @body(%arg0: i32, %arg1: i32, %arg2: memref<20480x128xf32, #tpu.memory_space<hbm>>, %arg3: memref<32x10240xi32, #tpu.memory_space<hbm>>, %arg4: memref<327680x128xf32, #tpu.memory_space<hbm>>, %arg5: memref<10240xi32, #tpu.memory_space<vmem>>, %arg6: memref<128x128xf32, #tpu.memory_space<vmem>>, %arg7: memref<128x128xf32, #tpu.memory_space<vmem>>, %arg8: memref<!tpu.dma_semaphore, #tpu.memory_space<semaphore_mem>>, %arg9: memref<!tpu.dma_semaphore, #tpu.memory_space<semaphore_mem>>, %arg10: memref<!tpu.dma_semaphore, #tpu.memory_space<semaphore_mem>>, %arg11: memref<!tpu.dma_semaphore, #tpu.memory_space<semaphore_mem>>) attributes {dimension_semantics = [#tpu.dimension_semantics<core_parallel>, #tpu.dimension_semantics<subcore_parallel>], iteration_bounds = array<i64: 2, 16>, scalar_prefetch = 0 : i64, scratch_operands = 7 : i64, tpu.core_type = #tpu.core_type<sc_vector_subcore>, window_params = [{transform_indices = #map}, {transform_indices = #map}, {transform_indices = #map}]} {
    %mul3A = arith.constant 10240 : i32
    %mul3A_0 = arith.muli %arg1, %mul3A : i32
    %mul3A_1 = arith.constant 16 : i32
    %mul3A_2 = arith.muli %arg0, %mul3A_1 : i32
    %add3A = arith.addi %mul3A_2, %arg1 : i32
    "tpu.region"() ({
      %run_scoped3A = tpu.sem_alloc : memref<!tpu.dma_semaphore, #tpu.memory_space<semaphore_mem>>
      %dma_start3A_28 = arith.constant 0 : i32
      %dma_start3A_29 = tpu.memref_slice %arg3[%add3A, %dma_start3A_28] : memref<32x10240xi32, #tpu.memory_space<hbm>> -> memref<1x10240xi32, #tpu.memory_space<hbm>>
      %dma_start3A_30 = tpu.memref_squeeze %dma_start3A_29 : memref<1x10240xi32, #tpu.memory_space<hbm>> -> memref<10240xi32, #tpu.memory_space<hbm>>
      %dma_start3A_31 = arith.constant 0 : i32
      %dma_start3A_32 = tpu.memref_slice %arg3[%add3A, %dma_start3A_31] : memref<32x10240xi32, #tpu.memory_space<hbm>> -> memref<1x10240xi32, #tpu.memory_space<hbm>>
      %dma_start3A_33 = tpu.memref_squeeze %dma_start3A_32 : memref<1x10240xi32, #tpu.memory_space<hbm>> -> memref<10240xi32, #tpu.memory_space<hbm>>
      tpu.enqueue_dma source(%dma_start3A_33 : memref<10240xi32, #tpu.memory_space<hbm>>) target(%arg5 : memref<10240xi32, #tpu.memory_space<vmem>>) target_semaphore(%run_scoped3A : memref<!tpu.dma_semaphore, #tpu.memory_space<semaphore_mem>>)
      %dma_wait3A_34 = arith.constant 0 : i32
      %dma_wait3A_35 = tpu.memref_slice %arg3[%add3A, %dma_wait3A_34] : memref<32x10240xi32, #tpu.memory_space<hbm>> -> memref<1x10240xi32, #tpu.memory_space<hbm>>
      %dma_wait3A_36 = tpu.memref_squeeze %dma_wait3A_35 : memref<1x10240xi32, #tpu.memory_space<hbm>> -> memref<10240xi32, #tpu.memory_space<hbm>>
      %dma_wait3A_37 = arith.constant 0 : i32
      %dma_wait3A_38 = tpu.memref_slice %arg3[%add3A, %dma_wait3A_37] : memref<32x10240xi32, #tpu.memory_space<hbm>> -> memref<1x10240xi32, #tpu.memory_space<hbm>>
      %dma_wait3A_39 = tpu.memref_squeeze %dma_wait3A_38 : memref<1x10240xi32, #tpu.memory_space<hbm>> -> memref<10240xi32, #tpu.memory_space<hbm>>
      tpu.wait_dma2 semaphore(%run_scoped3A : memref<!tpu.dma_semaphore, #tpu.memory_space<semaphore_mem>>) src(%dma_wait3A_39 : memref<10240xi32, #tpu.memory_space<hbm>>) dst(%arg5 : memref<10240xi32, #tpu.memory_space<vmem>>)
      tpu.yield
    }) : () -> ()
    %dma_start3A = arith.constant 0 : i32
    %dma_start3A_3 = tpu.memref_slice %arg5[%dma_start3A] : memref<10240xi32, #tpu.memory_space<vmem>> -> memref<128xi32, #tpu.memory_space<vmem>>
    %dma_start3A_4 = arith.constant 0 : i32
    %dma_start3A_5 = arith.constant 0 : i32
    %dma_start3A_6 = tpu.memref_slice %arg2[%dma_start3A_4, %dma_start3A_5] : memref<20480x128xf32, #tpu.memory_space<hbm>> -> memref<20480x128xf32, #tpu.memory_space<hbm>>
    tpu.enqueue_indirect_dma source(%dma_start3A_6 : memref<20480x128xf32, #tpu.memory_space<hbm>>) target(%arg6 : memref<128x128xf32, #tpu.memory_space<vmem>>) offsets(%dma_start3A_3 : memref<128xi32, #tpu.memory_space<vmem>>) semaphore(%arg8 : memref<!tpu.dma_semaphore, #tpu.memory_space<semaphore_mem>>)
    %scan3A = arith.constant 0 : i32
    %scan3A_7 = arith.constant 40 : i32
    %scan3A_8 = arith.addi %scan3A, %scan3A_7 : i32
    %scan3A_9 = arith.constant 1 : i32
    scf.for %scan3A_28 = %scan3A to %scan3A_8 step %scan3A_9  : i32 {
      %mul3A_29 = arith.constant 1 : i32
      %mul3A_30 = arith.muli %scan3A_28, %mul3A_29 : i32
      %add3A_31 = arith.constant 0 : i32
      %add3A_32 = arith.addi %add3A_31, %mul3A_30 : i32
      %mul3A_33 = arith.constant 2 : i32
      %mul3A_34 = arith.muli %add3A_32, %mul3A_33 : i32
      %ge3A = arith.constant 1 : i32
      %ge3A_35 = arith.cmpi sge, %mul3A_34, %ge3A : i32
      %convert_element_type3A = arith.extui %ge3A_35 : i1 to i32
      %cond3A = arith.constant 0 : i32
      %cond3A_36 = arith.cmpi ne, %convert_element_type3A, %cond3A : i32
      scf.if %cond3A_36 {
        %sub3A = arith.constant 1 : i32
        %sub3A_87 = arith.subi %mul3A_34, %sub3A : i32
        %mul3A_88 = arith.constant 163840 : i32
        %mul3A_89 = arith.muli %arg0, %mul3A_88 : i32
        %add3A_90 = arith.addi %mul3A_89, %mul3A_0 : i32
        %mul3A_91 = arith.constant 128 : i32
        %mul3A_92 = arith.muli %sub3A_87, %mul3A_91 : i32
        %add3A_93 = arith.addi %add3A_90, %mul3A_92 : i32
        %dma_wait3A_94 = arith.constant 0 : i32
        %dma_wait3A_95 = tpu.memref_slice %arg4[%add3A_93, %dma_wait3A_94] : memref<327680x128xf32, #tpu.memory_space<hbm>> -> memref<128x128xf32, #tpu.memory_space<hbm>>
        %dma_wait3A_96 = arith.constant 0 : i32
        %dma_wait3A_97 = tpu.memref_slice %arg4[%add3A_93, %dma_wait3A_96] : memref<327680x128xf32, #tpu.memory_space<hbm>> -> memref<128x128xf32, #tpu.memory_space<hbm>>
        tpu.wait_dma2 semaphore(%arg11 : memref<!tpu.dma_semaphore, #tpu.memory_space<semaphore_mem>>) src(%arg7 : memref<128x128xf32, #tpu.memory_space<vmem>>) dst(%dma_wait3A_97 : memref<128x128xf32, #tpu.memory_space<hbm>>)
      } else {
      }
      %add3A_37 = arith.constant 1 : i32
      %add3A_38 = arith.addi %mul3A_34, %add3A_37 : i32
      %mul3A_39 = arith.constant 128 : i32
      %mul3A_40 = arith.muli %add3A_38, %mul3A_39 : i32
      %dma_start3A_41 = tpu.memref_slice %arg5[%mul3A_40] : memref<10240xi32, #tpu.memory_space<vmem>> -> memref<128xi32, #tpu.memory_space<vmem>>
      %dma_start3A_42 = arith.constant 0 : i32
      %dma_start3A_43 = arith.constant 0 : i32
      %dma_start3A_44 = tpu.memref_slice %arg2[%dma_start3A_42, %dma_start3A_43] : memref<20480x128xf32, #tpu.memory_space<hbm>> -> memref<20480x128xf32, #tpu.memory_space<hbm>>
      tpu.enqueue_indirect_dma source(%dma_start3A_44 : memref<20480x128xf32, #tpu.memory_space<hbm>>) target(%arg7 : memref<128x128xf32, #tpu.memory_space<vmem>>) offsets(%dma_start3A_41 : memref<128xi32, #tpu.memory_space<vmem>>) semaphore(%arg9 : memref<!tpu.dma_semaphore, #tpu.memory_space<semaphore_mem>>)
      %mul3A_45 = arith.constant 128 : i32
      %mul3A_46 = arith.muli %mul3A_34, %mul3A_45 : i32
      %dma_wait3A_47 = tpu.memref_slice %arg5[%mul3A_46] : memref<10240xi32, #tpu.memory_space<vmem>> -> memref<128xi32, #tpu.memory_space<vmem>>
      %dma_wait3A_48 = arith.constant 0 : i32
      %dma_wait3A_49 = arith.constant 0 : i32
      %dma_wait3A_50 = tpu.memref_slice %arg2[%dma_wait3A_48, %dma_wait3A_49] : memref<20480x128xf32, #tpu.memory_space<hbm>> -> memref<20480x128xf32, #tpu.memory_space<hbm>>
      tpu.wait_indirect_dma semaphore(%arg8 : memref<!tpu.dma_semaphore, #tpu.memory_space<semaphore_mem>>) src(%dma_wait3A_50 : memref<20480x128xf32, #tpu.memory_space<hbm>>) dst(%arg6 : memref<128x128xf32, #tpu.memory_space<vmem>>)
      %mul3A_51 = arith.constant 163840 : i32
      %mul3A_52 = arith.muli %arg0, %mul3A_51 : i32
      %add3A_53 = arith.addi %mul3A_52, %mul3A_0 : i32
      %mul3A_54 = arith.constant 128 : i32
      %mul3A_55 = arith.muli %mul3A_34, %mul3A_54 : i32
      %add3A_56 = arith.addi %add3A_53, %mul3A_55 : i32
      %dma_start3A_57 = arith.constant 0 : i32
      %dma_start3A_58 = tpu.memref_slice %arg4[%add3A_56, %dma_start3A_57] : memref<327680x128xf32, #tpu.memory_space<hbm>> -> memref<128x128xf32, #tpu.memory_space<hbm>>
      %dma_start3A_59 = arith.constant 0 : i32
      %dma_start3A_60 = tpu.memref_slice %arg4[%add3A_56, %dma_start3A_59] : memref<327680x128xf32, #tpu.memory_space<hbm>> -> memref<128x128xf32, #tpu.memory_space<hbm>>
      tpu.enqueue_dma source(%arg6 : memref<128x128xf32, #tpu.memory_space<vmem>>) target(%dma_start3A_60 : memref<128x128xf32, #tpu.memory_space<hbm>>) target_semaphore(%arg10 : memref<!tpu.dma_semaphore, #tpu.memory_space<semaphore_mem>>)
      %add3A_61 = arith.constant 2 : i32
      %add3A_62 = arith.addi %mul3A_34, %add3A_61 : i32
      %lt3A = arith.constant 80 : i32
      %lt3A_63 = arith.cmpi slt, %add3A_62, %lt3A : i32
      %convert_element_type3A_64 = arith.extui %lt3A_63 : i1 to i32
      %cond3A_65 = arith.constant 0 : i32
      %cond3A_66 = arith.cmpi ne, %convert_element_type3A_64, %cond3A_65 : i32
      scf.if %cond3A_66 {
        %mul3A_87 = arith.constant 163840 : i32
        %mul3A_88 = arith.muli %arg0, %mul3A_87 : i32
        %add3A_89 = arith.addi %mul3A_88, %mul3A_0 : i32
        %mul3A_90 = arith.constant 128 : i32
        %mul3A_91 = arith.muli %mul3A_34, %mul3A_90 : i32
        %add3A_92 = arith.addi %add3A_89, %mul3A_91 : i32
        %dma_wait3A_93 = arith.constant 0 : i32
        %dma_wait3A_94 = tpu.memref_slice %arg4[%add3A_92, %dma_wait3A_93] : memref<327680x128xf32, #tpu.memory_space<hbm>> -> memref<128x128xf32, #tpu.memory_space<hbm>>
        %dma_wait3A_95 = arith.constant 0 : i32
        %dma_wait3A_96 = tpu.memref_slice %arg4[%add3A_92, %dma_wait3A_95] : memref<327680x128xf32, #tpu.memory_space<hbm>> -> memref<128x128xf32, #tpu.memory_space<hbm>>
        tpu.wait_dma2 semaphore(%arg10 : memref<!tpu.dma_semaphore, #tpu.memory_space<semaphore_mem>>) src(%arg6 : memref<128x128xf32, #tpu.memory_space<vmem>>) dst(%dma_wait3A_96 : memref<128x128xf32, #tpu.memory_space<hbm>>)
        %add3A_97 = arith.constant 2 : i32
        %add3A_98 = arith.addi %mul3A_34, %add3A_97 : i32
        %mul3A_99 = arith.constant 128 : i32
        %mul3A_100 = arith.muli %add3A_98, %mul3A_99 : i32
        %dma_start3A_101 = tpu.memref_slice %arg5[%mul3A_100] : memref<10240xi32, #tpu.memory_space<vmem>> -> memref<128xi32, #tpu.memory_space<vmem>>
        %dma_start3A_102 = arith.constant 0 : i32
        %dma_start3A_103 = arith.constant 0 : i32
        %dma_start3A_104 = tpu.memref_slice %arg2[%dma_start3A_102, %dma_start3A_103] : memref<20480x128xf32, #tpu.memory_space<hbm>> -> memref<20480x128xf32, #tpu.memory_space<hbm>>
        tpu.enqueue_indirect_dma source(%dma_start3A_104 : memref<20480x128xf32, #tpu.memory_space<hbm>>) target(%arg6 : memref<128x128xf32, #tpu.memory_space<vmem>>) offsets(%dma_start3A_101 : memref<128xi32, #tpu.memory_space<vmem>>) semaphore(%arg8 : memref<!tpu.dma_semaphore, #tpu.memory_space<semaphore_mem>>)
      } else {
      }
      %add3A_67 = arith.constant 1 : i32
      %add3A_68 = arith.addi %mul3A_34, %add3A_67 : i32
      %mul3A_69 = arith.constant 128 : i32
      %mul3A_70 = arith.muli %add3A_68, %mul3A_69 : i32
      %dma_wait3A_71 = tpu.memref_slice %arg5[%mul3A_70] : memref<10240xi32, #tpu.memory_space<vmem>> -> memref<128xi32, #tpu.memory_space<vmem>>
      %dma_wait3A_72 = arith.constant 0 : i32
      %dma_wait3A_73 = arith.constant 0 : i32
      %dma_wait3A_74 = tpu.memref_slice %arg2[%dma_wait3A_72, %dma_wait3A_73] : memref<20480x128xf32, #tpu.memory_space<hbm>> -> memref<20480x128xf32, #tpu.memory_space<hbm>>
      tpu.wait_indirect_dma semaphore(%arg9 : memref<!tpu.dma_semaphore, #tpu.memory_space<semaphore_mem>>) src(%dma_wait3A_74 : memref<20480x128xf32, #tpu.memory_space<hbm>>) dst(%arg7 : memref<128x128xf32, #tpu.memory_space<vmem>>)
      %add3A_75 = arith.constant 1 : i32
      %add3A_76 = arith.addi %mul3A_34, %add3A_75 : i32
      %mul3A_77 = arith.constant 163840 : i32
      %mul3A_78 = arith.muli %arg0, %mul3A_77 : i32
      %add3A_79 = arith.addi %mul3A_78, %mul3A_0 : i32
      %mul3A_80 = arith.constant 128 : i32
      %mul3A_81 = arith.muli %add3A_76, %mul3A_80 : i32
      %add3A_82 = arith.addi %add3A_79, %mul3A_81 : i32
      %dma_start3A_83 = arith.constant 0 : i32
      %dma_start3A_84 = tpu.memref_slice %arg4[%add3A_82, %dma_start3A_83] : memref<327680x128xf32, #tpu.memory_space<hbm>> -> memref<128x128xf32, #tpu.memory_space<hbm>>
      %dma_start3A_85 = arith.constant 0 : i32
      %dma_start3A_86 = tpu.memref_slice %arg4[%add3A_82, %dma_start3A_85] : memref<327680x128xf32, #tpu.memory_space<hbm>> -> memref<128x128xf32, #tpu.memory_space<hbm>>
      tpu.enqueue_dma source(%arg7 : memref<128x128xf32, #tpu.memory_space<vmem>>) target(%dma_start3A_86 : memref<128x128xf32, #tpu.memory_space<hbm>>) target_semaphore(%arg11 : memref<!tpu.dma_semaphore, #tpu.memory_space<semaphore_mem>>)
    }
    %scan3A_10 = arith.constant 40 : i32
    %mul3A_11 = arith.constant 163840 : i32
    %mul3A_12 = arith.muli %arg0, %mul3A_11 : i32
    %add3A_13 = arith.addi %mul3A_12, %mul3A_0 : i32
    %add3A_14 = arith.constant 9984 : i32
    %add3A_15 = arith.addi %add3A_13, %add3A_14 : i32
    %dma_wait3A = arith.constant 0 : i32
    %dma_wait3A_16 = tpu.memref_slice %arg4[%add3A_15, %dma_wait3A] : memref<327680x128xf32, #tpu.memory_space<hbm>> -> memref<128x128xf32, #tpu.memory_space<hbm>>
    %dma_wait3A_17 = arith.constant 0 : i32
    %dma_wait3A_18 = tpu.memref_slice %arg4[%add3A_15, %dma_wait3A_17] : memref<327680x128xf32, #tpu.memory_space<hbm>> -> memref<128x128xf32, #tpu.memory_space<hbm>>
    tpu.wait_dma2 semaphore(%arg10 : memref<!tpu.dma_semaphore, #tpu.memory_space<semaphore_mem>>) src(%arg6 : memref<128x128xf32, #tpu.memory_space<vmem>>) dst(%dma_wait3A_18 : memref<128x128xf32, #tpu.memory_space<hbm>>)
    %mul3A_19 = arith.constant 163840 : i32
    %mul3A_20 = arith.muli %arg0, %mul3A_19 : i32
    %add3A_21 = arith.addi %mul3A_20, %mul3A_0 : i32
    %add3A_22 = arith.constant 10112 : i32
    %add3A_23 = arith.addi %add3A_21, %add3A_22 : i32
    %dma_wait3A_24 = arith.constant 0 : i32
    %dma_wait3A_25 = tpu.memref_slice %arg4[%add3A_23, %dma_wait3A_24] : memref<327680x128xf32, #tpu.memory_space<hbm>> -> memref<128x128xf32, #tpu.memory_space<hbm>>
    %dma_wait3A_26 = arith.constant 0 : i32
    %dma_wait3A_27 = tpu.memref_slice %arg4[%add3A_23, %dma_wait3A_26] : memref<327680x128xf32, #tpu.memory_space<hbm>> -> memref<128x128xf32, #tpu.memory_space<hbm>>
    tpu.wait_dma2 semaphore(%arg11 : memref<!tpu.dma_semaphore, #tpu.memory_space<semaphore_mem>>) src(%arg7 : memref<128x128xf32, #tpu.memory_space<vmem>>) dst(%dma_wait3A_27 : memref<128x128xf32, #tpu.memory_space<hbm>>)
    return
  }
}

#map = affine_map<(d0, d1) -> (0, 0)>
#map1 = affine_map<(d0, d1) -> (0, 0, 0)>
module attributes {stable_mosaic.version = 14 : i64} {
  func.func @body(%arg0: i32, %arg1: i32, %arg2: memref<327680x128xf32, #tpu.memory_space<hbm>>, %arg3: memref<16x80x128xi32, #tpu.memory_space<hbm>>, %arg4: memref<640x128xf32, #tpu.memory_space<hbm>>, %arg5: memref<20480x128xf32, #tpu.memory_space<hbm>>, %arg6: memref<80x128xi32, #tpu.memory_space<vmem>>, %arg7: memref<128x128xf32, #tpu.memory_space<vmem>>, %arg8: memref<128x128xf32, #tpu.memory_space<vmem>>, %arg9: memref<!tpu.dma_semaphore, #tpu.memory_space<semaphore_mem>>, %arg10: memref<!tpu.dma_semaphore, #tpu.memory_space<semaphore_mem>>, %arg11: memref<!tpu.dma_semaphore, #tpu.memory_space<semaphore_mem>>, %arg12: memref<!tpu.dma_semaphore, #tpu.memory_space<semaphore_mem>>, %arg13: memref<10240x128xf32, #tpu.memory_space<vmem_shared>>) attributes {dimension_semantics = [#tpu.dimension_semantics<core_parallel>, #tpu.dimension_semantics<subcore_parallel>], iteration_bounds = array<i64: 2, 16>, scalar_prefetch = 0 : i64, scratch_operands = 8 : i64, tpu.core_type = #tpu.core_type<sc_vector_subcore>, window_params = [{transform_indices = #map}, {transform_indices = #map1}, {transform_indices = #map}, {transform_indices = #map}]} {
    "tpu.region"() ({
      %run_scoped3A = tpu.sem_alloc : memref<!tpu.dma_semaphore, #tpu.memory_space<semaphore_mem>>
      %dma_start3A_35 = arith.constant 0 : i32
      %dma_start3A_36 = arith.constant 0 : i32
      %dma_start3A_37 = tpu.memref_slice %arg3[%arg1, %dma_start3A_35, %dma_start3A_36] : memref<16x80x128xi32, #tpu.memory_space<hbm>> -> memref<1x80x128xi32, #tpu.memory_space<hbm>>
      %dma_start3A_38 = tpu.memref_squeeze %dma_start3A_37 : memref<1x80x128xi32, #tpu.memory_space<hbm>> -> memref<80x128xi32, #tpu.memory_space<hbm>>
      %dma_start3A_39 = arith.constant 0 : i32
      %dma_start3A_40 = arith.constant 0 : i32
      %dma_start3A_41 = tpu.memref_slice %arg3[%arg1, %dma_start3A_39, %dma_start3A_40] : memref<16x80x128xi32, #tpu.memory_space<hbm>> -> memref<1x80x128xi32, #tpu.memory_space<hbm>>
      %dma_start3A_42 = tpu.memref_squeeze %dma_start3A_41 : memref<1x80x128xi32, #tpu.memory_space<hbm>> -> memref<80x128xi32, #tpu.memory_space<hbm>>
      tpu.enqueue_dma source(%dma_start3A_42 : memref<80x128xi32, #tpu.memory_space<hbm>>) target(%arg6 : memref<80x128xi32, #tpu.memory_space<vmem>>) target_semaphore(%run_scoped3A : memref<!tpu.dma_semaphore, #tpu.memory_space<semaphore_mem>>)
      %dma_wait3A_43 = arith.constant 0 : i32
      %dma_wait3A_44 = arith.constant 0 : i32
      %dma_wait3A_45 = tpu.memref_slice %arg3[%arg1, %dma_wait3A_43, %dma_wait3A_44] : memref<16x80x128xi32, #tpu.memory_space<hbm>> -> memref<1x80x128xi32, #tpu.memory_space<hbm>>
      %dma_wait3A_46 = tpu.memref_squeeze %dma_wait3A_45 : memref<1x80x128xi32, #tpu.memory_space<hbm>> -> memref<80x128xi32, #tpu.memory_space<hbm>>
      %dma_wait3A_47 = arith.constant 0 : i32
      %dma_wait3A_48 = arith.constant 0 : i32
      %dma_wait3A_49 = tpu.memref_slice %arg3[%arg1, %dma_wait3A_47, %dma_wait3A_48] : memref<16x80x128xi32, #tpu.memory_space<hbm>> -> memref<1x80x128xi32, #tpu.memory_space<hbm>>
      %dma_wait3A_50 = tpu.memref_squeeze %dma_wait3A_49 : memref<1x80x128xi32, #tpu.memory_space<hbm>> -> memref<80x128xi32, #tpu.memory_space<hbm>>
      tpu.wait_dma2 semaphore(%run_scoped3A : memref<!tpu.dma_semaphore, #tpu.memory_space<semaphore_mem>>) src(%dma_wait3A_50 : memref<80x128xi32, #tpu.memory_space<hbm>>) dst(%arg6 : memref<80x128xi32, #tpu.memory_space<vmem>>)
      tpu.yield
    }) : () -> ()
    %mul3A = arith.constant 640 : i32
    %mul3A_0 = arith.muli %arg1, %mul3A : i32
    "tpu.region"() ({
      %run_scoped3A = tpu.sem_alloc : memref<!tpu.dma_semaphore, #tpu.memory_space<semaphore_mem>>
      %dma_start3A_35 = arith.constant 0 : i32
      %dma_start3A_36 = tpu.memref_slice %arg13[%mul3A_0, %dma_start3A_35] : memref<10240x128xf32, #tpu.memory_space<vmem_shared>> -> memref<640x128xf32, #tpu.memory_space<vmem_shared>>
      tpu.enqueue_dma source(%arg4 : memref<640x128xf32, #tpu.memory_space<hbm>>) target(%dma_start3A_36 : memref<640x128xf32, #tpu.memory_space<vmem_shared>>) target_semaphore(%run_scoped3A : memref<!tpu.dma_semaphore, #tpu.memory_space<semaphore_mem>>)
      %dma_wait3A_37 = arith.constant 0 : i32
      %dma_wait3A_38 = tpu.memref_slice %arg13[%mul3A_0, %dma_wait3A_37] : memref<10240x128xf32, #tpu.memory_space<vmem_shared>> -> memref<640x128xf32, #tpu.memory_space<vmem_shared>>
      tpu.wait_dma2 semaphore(%run_scoped3A : memref<!tpu.dma_semaphore, #tpu.memory_space<semaphore_mem>>) src(%arg4 : memref<640x128xf32, #tpu.memory_space<hbm>>) dst(%dma_wait3A_38 : memref<640x128xf32, #tpu.memory_space<vmem_shared>>)
      tpu.yield
    }) : () -> ()
    %barrier3A = arith.constant 0 : index
    tpu.barrier barrier_id(%barrier3A)
    %mul3A_1 = arith.constant 163840 : i32
    %mul3A_2 = arith.muli %arg0, %mul3A_1 : i32
    %mul3A_3 = arith.constant 10240 : i32
    %mul3A_4 = arith.muli %arg1, %mul3A_3 : i32
    %add3A = arith.addi %mul3A_2, %mul3A_4 : i32
    %add3A_5 = arith.constant 0 : i32
    %add3A_6 = arith.addi %add3A, %add3A_5 : i32
    %dma_start3A = arith.constant 0 : i32
    %dma_start3A_7 = tpu.memref_slice %arg2[%add3A_6, %dma_start3A] : memref<327680x128xf32, #tpu.memory_space<hbm>> -> memref<128x128xf32, #tpu.memory_space<hbm>>
    %dma_start3A_8 = arith.constant 0 : i32
    %dma_start3A_9 = tpu.memref_slice %arg2[%add3A_6, %dma_start3A_8] : memref<327680x128xf32, #tpu.memory_space<hbm>> -> memref<128x128xf32, #tpu.memory_space<hbm>>
    tpu.enqueue_dma source(%dma_start3A_9 : memref<128x128xf32, #tpu.memory_space<hbm>>) target(%arg7 : memref<128x128xf32, #tpu.memory_space<vmem>>) target_semaphore(%arg9 : memref<!tpu.dma_semaphore, #tpu.memory_space<semaphore_mem>>)
    %scan3A = arith.constant 0 : i32
    %scan3A_10 = arith.constant 40 : i32
    %scan3A_11 = arith.addi %scan3A, %scan3A_10 : i32
    %scan3A_12 = arith.constant 1 : i32
    scf.for %scan3A_35 = %scan3A to %scan3A_11 step %scan3A_12  : i32 {
      %mul3A_36 = arith.constant 1 : i32
      %mul3A_37 = arith.muli %scan3A_35, %mul3A_36 : i32
      %add3A_38 = arith.constant 0 : i32
      %add3A_39 = arith.addi %add3A_38, %mul3A_37 : i32
      %mul3A_40 = arith.constant 2 : i32
      %mul3A_41 = arith.muli %add3A_39, %mul3A_40 : i32
      %ge3A = arith.constant 1 : i32
      %ge3A_42 = arith.cmpi sge, %mul3A_41, %ge3A : i32
      %convert_element_type3A = arith.extui %ge3A_42 : i1 to i32
      %cond3A = arith.constant 0 : i32
      %cond3A_43 = arith.cmpi ne, %convert_element_type3A, %cond3A : i32
      scf.if %cond3A_43 {
        %sub3A = arith.constant 1 : i32
        %sub3A_89 = arith.subi %mul3A_41, %sub3A : i32
        %dma_wait3A_90 = arith.constant 0 : i32
        %dma_wait3A_91 = tpu.memref_slice %arg6[%sub3A_89, %dma_wait3A_90] : memref<80x128xi32, #tpu.memory_space<vmem>> -> memref<1x128xi32, #tpu.memory_space<vmem>>
        %dma_wait3A_92 = tpu.memref_squeeze %dma_wait3A_91 : memref<1x128xi32, #tpu.memory_space<vmem>> -> memref<128xi32, #tpu.memory_space<vmem>>
        %dma_wait3A_93 = arith.constant 0 : i32
        %dma_wait3A_94 = arith.constant 0 : i32
        %dma_wait3A_95 = tpu.memref_slice %arg13[%dma_wait3A_93, %dma_wait3A_94] : memref<10240x128xf32, #tpu.memory_space<vmem_shared>> -> memref<10240x128xf32, #tpu.memory_space<vmem_shared>>
        tpu.wait_indirect_dma semaphore(%arg12 : memref<!tpu.dma_semaphore, #tpu.memory_space<semaphore_mem>>) src(%arg8 : memref<128x128xf32, #tpu.memory_space<vmem>>) dst(%dma_wait3A_95 : memref<10240x128xf32, #tpu.memory_space<vmem_shared>>)
      } else {
      }
      %add3A_44 = arith.constant 1 : i32
      %add3A_45 = arith.addi %mul3A_41, %add3A_44 : i32
      %mul3A_46 = arith.constant 128 : i32
      %mul3A_47 = arith.muli %add3A_45, %mul3A_46 : i32
      %add3A_48 = arith.addi %add3A, %mul3A_47 : i32
      %dma_start3A_49 = arith.constant 0 : i32
      %dma_start3A_50 = tpu.memref_slice %arg2[%add3A_48, %dma_start3A_49] : memref<327680x128xf32, #tpu.memory_space<hbm>> -> memref<128x128xf32, #tpu.memory_space<hbm>>
      %dma_start3A_51 = arith.constant 0 : i32
      %dma_start3A_52 = tpu.memref_slice %arg2[%add3A_48, %dma_start3A_51] : memref<327680x128xf32, #tpu.memory_space<hbm>> -> memref<128x128xf32, #tpu.memory_space<hbm>>
      tpu.enqueue_dma source(%dma_start3A_52 : memref<128x128xf32, #tpu.memory_space<hbm>>) target(%arg8 : memref<128x128xf32, #tpu.memory_space<vmem>>) target_semaphore(%arg10 : memref<!tpu.dma_semaphore, #tpu.memory_space<semaphore_mem>>)
      %mul3A_53 = arith.constant 128 : i32
      %mul3A_54 = arith.muli %mul3A_41, %mul3A_53 : i32
      %add3A_55 = arith.addi %add3A, %mul3A_54 : i32
      %dma_wait3A_56 = arith.constant 0 : i32
      %dma_wait3A_57 = tpu.memref_slice %arg2[%add3A_55, %dma_wait3A_56] : memref<327680x128xf32, #tpu.memory_space<hbm>> -> memref<128x128xf32, #tpu.memory_space<hbm>>
      %dma_wait3A_58 = arith.constant 0 : i32
      %dma_wait3A_59 = tpu.memref_slice %arg2[%add3A_55, %dma_wait3A_58] : memref<327680x128xf32, #tpu.memory_space<hbm>> -> memref<128x128xf32, #tpu.memory_space<hbm>>
      tpu.wait_dma2 semaphore(%arg9 : memref<!tpu.dma_semaphore, #tpu.memory_space<semaphore_mem>>) src(%dma_wait3A_59 : memref<128x128xf32, #tpu.memory_space<hbm>>) dst(%arg7 : memref<128x128xf32, #tpu.memory_space<vmem>>)
      %dma_start3A_60 = arith.constant 0 : i32
      %dma_start3A_61 = tpu.memref_slice %arg6[%mul3A_41, %dma_start3A_60] : memref<80x128xi32, #tpu.memory_space<vmem>> -> memref<1x128xi32, #tpu.memory_space<vmem>>
      %dma_start3A_62 = tpu.memref_squeeze %dma_start3A_61 : memref<1x128xi32, #tpu.memory_space<vmem>> -> memref<128xi32, #tpu.memory_space<vmem>>
      %dma_start3A_63 = arith.constant 0 : i32
      %dma_start3A_64 = arith.constant 0 : i32
      %dma_start3A_65 = tpu.memref_slice %arg13[%dma_start3A_63, %dma_start3A_64] : memref<10240x128xf32, #tpu.memory_space<vmem_shared>> -> memref<10240x128xf32, #tpu.memory_space<vmem_shared>>
      tpu.enqueue_indirect_dma source(%arg7 : memref<128x128xf32, #tpu.memory_space<vmem>>) target(%dma_start3A_65 : memref<10240x128xf32, #tpu.memory_space<vmem_shared>>) offsets(%dma_start3A_62 : memref<128xi32, #tpu.memory_space<vmem>>) semaphore(%arg11 : memref<!tpu.dma_semaphore, #tpu.memory_space<semaphore_mem>>) {add = true}
      %add3A_66 = arith.constant 2 : i32
      %add3A_67 = arith.addi %mul3A_41, %add3A_66 : i32
      %lt3A = arith.constant 80 : i32
      %lt3A_68 = arith.cmpi slt, %add3A_67, %lt3A : i32
      %convert_element_type3A_69 = arith.extui %lt3A_68 : i1 to i32
      %cond3A_70 = arith.constant 0 : i32
      %cond3A_71 = arith.cmpi ne, %convert_element_type3A_69, %cond3A_70 : i32
      scf.if %cond3A_71 {
        %dma_wait3A_89 = arith.constant 0 : i32
        %dma_wait3A_90 = tpu.memref_slice %arg6[%mul3A_41, %dma_wait3A_89] : memref<80x128xi32, #tpu.memory_space<vmem>> -> memref<1x128xi32, #tpu.memory_space<vmem>>
        %dma_wait3A_91 = tpu.memref_squeeze %dma_wait3A_90 : memref<1x128xi32, #tpu.memory_space<vmem>> -> memref<128xi32, #tpu.memory_space<vmem>>
        %dma_wait3A_92 = arith.constant 0 : i32
        %dma_wait3A_93 = arith.constant 0 : i32
        %dma_wait3A_94 = tpu.memref_slice %arg13[%dma_wait3A_92, %dma_wait3A_93] : memref<10240x128xf32, #tpu.memory_space<vmem_shared>> -> memref<10240x128xf32, #tpu.memory_space<vmem_shared>>
        tpu.wait_indirect_dma semaphore(%arg11 : memref<!tpu.dma_semaphore, #tpu.memory_space<semaphore_mem>>) src(%arg7 : memref<128x128xf32, #tpu.memory_space<vmem>>) dst(%dma_wait3A_94 : memref<10240x128xf32, #tpu.memory_space<vmem_shared>>)
        %add3A_95 = arith.constant 2 : i32
        %add3A_96 = arith.addi %mul3A_41, %add3A_95 : i32
        %mul3A_97 = arith.constant 128 : i32
        %mul3A_98 = arith.muli %add3A_96, %mul3A_97 : i32
        %add3A_99 = arith.addi %add3A, %mul3A_98 : i32
        %dma_start3A_100 = arith.constant 0 : i32
        %dma_start3A_101 = tpu.memref_slice %arg2[%add3A_99, %dma_start3A_100] : memref<327680x128xf32, #tpu.memory_space<hbm>> -> memref<128x128xf32, #tpu.memory_space<hbm>>
        %dma_start3A_102 = arith.constant 0 : i32
        %dma_start3A_103 = tpu.memref_slice %arg2[%add3A_99, %dma_start3A_102] : memref<327680x128xf32, #tpu.memory_space<hbm>> -> memref<128x128xf32, #tpu.memory_space<hbm>>
        tpu.enqueue_dma source(%dma_start3A_103 : memref<128x128xf32, #tpu.memory_space<hbm>>) target(%arg7 : memref<128x128xf32, #tpu.memory_space<vmem>>) target_semaphore(%arg9 : memref<!tpu.dma_semaphore, #tpu.memory_space<semaphore_mem>>)
      } else {
      }
      %add3A_72 = arith.constant 1 : i32
      %add3A_73 = arith.addi %mul3A_41, %add3A_72 : i32
      %mul3A_74 = arith.constant 128 : i32
      %mul3A_75 = arith.muli %add3A_73, %mul3A_74 : i32
      %add3A_76 = arith.addi %add3A, %mul3A_75 : i32
      %dma_wait3A_77 = arith.constant 0 : i32
      %dma_wait3A_78 = tpu.memref_slice %arg2[%add3A_76, %dma_wait3A_77] : memref<327680x128xf32, #tpu.memory_space<hbm>> -> memref<128x128xf32, #tpu.memory_space<hbm>>
      %dma_wait3A_79 = arith.constant 0 : i32
      %dma_wait3A_80 = tpu.memref_slice %arg2[%add3A_76, %dma_wait3A_79] : memref<327680x128xf32, #tpu.memory_space<hbm>> -> memref<128x128xf32, #tpu.memory_space<hbm>>
      tpu.wait_dma2 semaphore(%arg10 : memref<!tpu.dma_semaphore, #tpu.memory_space<semaphore_mem>>) src(%dma_wait3A_80 : memref<128x128xf32, #tpu.memory_space<hbm>>) dst(%arg8 : memref<128x128xf32, #tpu.memory_space<vmem>>)
      %add3A_81 = arith.constant 1 : i32
      %add3A_82 = arith.addi %mul3A_41, %add3A_81 : i32
      %dma_start3A_83 = arith.constant 0 : i32
      %dma_start3A_84 = tpu.memref_slice %arg6[%add3A_82, %dma_start3A_83] : memref<80x128xi32, #tpu.memory_space<vmem>> -> memref<1x128xi32, #tpu.memory_space<vmem>>
      %dma_start3A_85 = tpu.memref_squeeze %dma_start3A_84 : memref<1x128xi32, #tpu.memory_space<vmem>> -> memref<128xi32, #tpu.memory_space<vmem>>
      %dma_start3A_86 = arith.constant 0 : i32
      %dma_start3A_87 = arith.constant 0 : i32
      %dma_start3A_88 = tpu.memref_slice %arg13[%dma_start3A_86, %dma_start3A_87] : memref<10240x128xf32, #tpu.memory_space<vmem_shared>> -> memref<10240x128xf32, #tpu.memory_space<vmem_shared>>
      tpu.enqueue_indirect_dma source(%arg8 : memref<128x128xf32, #tpu.memory_space<vmem>>) target(%dma_start3A_88 : memref<10240x128xf32, #tpu.memory_space<vmem_shared>>) offsets(%dma_start3A_85 : memref<128xi32, #tpu.memory_space<vmem>>) semaphore(%arg12 : memref<!tpu.dma_semaphore, #tpu.memory_space<semaphore_mem>>) {add = true}
    }
    %scan3A_13 = arith.constant 40 : i32
    %dma_wait3A = arith.constant 78 : i32
    %dma_wait3A_14 = arith.constant 0 : i32
    %dma_wait3A_15 = tpu.memref_slice %arg6[%dma_wait3A, %dma_wait3A_14] : memref<80x128xi32, #tpu.memory_space<vmem>> -> memref<1x128xi32, #tpu.memory_space<vmem>>
    %dma_wait3A_16 = tpu.memref_squeeze %dma_wait3A_15 : memref<1x128xi32, #tpu.memory_space<vmem>> -> memref<128xi32, #tpu.memory_space<vmem>>
    %dma_wait3A_17 = arith.constant 0 : i32
    %dma_wait3A_18 = arith.constant 0 : i32
    %dma_wait3A_19 = tpu.memref_slice %arg13[%dma_wait3A_17, %dma_wait3A_18] : memref<10240x128xf32, #tpu.memory_space<vmem_shared>> -> memref<10240x128xf32, #tpu.memory_space<vmem_shared>>
    tpu.wait_indirect_dma semaphore(%arg11 : memref<!tpu.dma_semaphore, #tpu.memory_space<semaphore_mem>>) src(%arg7 : memref<128x128xf32, #tpu.memory_space<vmem>>) dst(%dma_wait3A_19 : memref<10240x128xf32, #tpu.memory_space<vmem_shared>>)
    %dma_wait3A_20 = arith.constant 79 : i32
    %dma_wait3A_21 = arith.constant 0 : i32
    %dma_wait3A_22 = tpu.memref_slice %arg6[%dma_wait3A_20, %dma_wait3A_21] : memref<80x128xi32, #tpu.memory_space<vmem>> -> memref<1x128xi32, #tpu.memory_space<vmem>>
    %dma_wait3A_23 = tpu.memref_squeeze %dma_wait3A_22 : memref<1x128xi32, #tpu.memory_space<vmem>> -> memref<128xi32, #tpu.memory_space<vmem>>
    %dma_wait3A_24 = arith.constant 0 : i32
    %dma_wait3A_25 = arith.constant 0 : i32
    %dma_wait3A_26 = tpu.memref_slice %arg13[%dma_wait3A_24, %dma_wait3A_25] : memref<10240x128xf32, #tpu.memory_space<vmem_shared>> -> memref<10240x128xf32, #tpu.memory_space<vmem_shared>>
    tpu.wait_indirect_dma semaphore(%arg12 : memref<!tpu.dma_semaphore, #tpu.memory_space<semaphore_mem>>) src(%arg8 : memref<128x128xf32, #tpu.memory_space<vmem>>) dst(%dma_wait3A_26 : memref<10240x128xf32, #tpu.memory_space<vmem_shared>>)
    %barrier3A_27 = arith.constant 0 : index
    tpu.barrier barrier_id(%barrier3A_27)
    %mul3A_28 = arith.constant 640 : i32
    %mul3A_29 = arith.muli %arg1, %mul3A_28 : i32
    %mul3A_30 = arith.constant 10240 : i32
    %mul3A_31 = arith.muli %arg0, %mul3A_30 : i32
    %mul3A_32 = arith.constant 640 : i32
    %mul3A_33 = arith.muli %arg1, %mul3A_32 : i32
    %add3A_34 = arith.addi %mul3A_31, %mul3A_33 : i32
    "tpu.region"() ({
      %run_scoped3A = tpu.sem_alloc : memref<!tpu.dma_semaphore, #tpu.memory_space<semaphore_mem>>
      %dma_start3A_35 = arith.constant 0 : i32
      %dma_start3A_36 = tpu.memref_slice %arg5[%add3A_34, %dma_start3A_35] : memref<20480x128xf32, #tpu.memory_space<hbm>> -> memref<640x128xf32, #tpu.memory_space<hbm>>
      %dma_start3A_37 = arith.constant 0 : i32
      %dma_start3A_38 = tpu.memref_slice %arg13[%mul3A_29, %dma_start3A_37] : memref<10240x128xf32, #tpu.memory_space<vmem_shared>> -> memref<640x128xf32, #tpu.memory_space<vmem_shared>>
      tpu.enqueue_dma source(%dma_start3A_38 : memref<640x128xf32, #tpu.memory_space<vmem_shared>>) target(%dma_start3A_36 : memref<640x128xf32, #tpu.memory_space<hbm>>) target_semaphore(%run_scoped3A : memref<!tpu.dma_semaphore, #tpu.memory_space<semaphore_mem>>)
      %dma_wait3A_39 = arith.constant 0 : i32
      %dma_wait3A_40 = tpu.memref_slice %arg5[%add3A_34, %dma_wait3A_39] : memref<20480x128xf32, #tpu.memory_space<hbm>> -> memref<640x128xf32, #tpu.memory_space<hbm>>
      %dma_wait3A_41 = arith.constant 0 : i32
      %dma_wait3A_42 = tpu.memref_slice %arg13[%mul3A_29, %dma_wait3A_41] : memref<10240x128xf32, #tpu.memory_space<vmem_shared>> -> memref<640x128xf32, #tpu.memory_space<vmem_shared>>
      tpu.wait_dma2 semaphore(%run_scoped3A : memref<!tpu.dma_semaphore, #tpu.memory_space<semaphore_mem>>) src(%dma_wait3A_42 : memref<640x128xf32, #tpu.memory_space<vmem_shared>>) dst(%dma_wait3A_40 : memref<640x128xf32, #tpu.memory_space<hbm>>)
      tpu.yield
    }) : () -> ()
    return
  }
}

#map = affine_map<(d0, d1) -> (0, 0)>
module attributes {stable_mosaic.version = 14 : i64} {
  func.func @body(%arg0: i32, %arg1: i32, %arg2: memref<20480x128xf32, #tpu.memory_space<hbm>>, %arg3: memref<32x10240xi32, #tpu.memory_space<hbm>>, %arg4: memref<327680x128xf32, #tpu.memory_space<hbm>>, %arg5: memref<10240xi32, #tpu.memory_space<vmem>>, %arg6: memref<128x128xf32, #tpu.memory_space<vmem>>, %arg7: memref<128x128xf32, #tpu.memory_space<vmem>>, %arg8: memref<!tpu.dma_semaphore, #tpu.memory_space<semaphore_mem>>, %arg9: memref<!tpu.dma_semaphore, #tpu.memory_space<semaphore_mem>>, %arg10: memref<!tpu.dma_semaphore, #tpu.memory_space<semaphore_mem>>, %arg11: memref<!tpu.dma_semaphore, #tpu.memory_space<semaphore_mem>>) attributes {dimension_semantics = [#tpu.dimension_semantics<core_parallel>, #tpu.dimension_semantics<subcore_parallel>], iteration_bounds = array<i64: 2, 16>, scalar_prefetch = 0 : i64, scratch_operands = 7 : i64, tpu.core_type = #tpu.core_type<sc_vector_subcore>, window_params = [{transform_indices = #map}, {transform_indices = #map}, {transform_indices = #map}]} {
    %mul3A = arith.constant 10240 : i32
    %mul3A_0 = arith.muli %arg1, %mul3A : i32
    %mul3A_1 = arith.constant 16 : i32
    %mul3A_2 = arith.muli %arg0, %mul3A_1 : i32
    %add3A = arith.addi %mul3A_2, %arg1 : i32
    "tpu.region"() ({
      %run_scoped3A = tpu.sem_alloc : memref<!tpu.dma_semaphore, #tpu.memory_space<semaphore_mem>>
      %dma_start3A_28 = arith.constant 0 : i32
      %dma_start3A_29 = tpu.memref_slice %arg3[%add3A, %dma_start3A_28] : memref<32x10240xi32, #tpu.memory_space<hbm>> -> memref<1x10240xi32, #tpu.memory_space<hbm>>
      %dma_start3A_30 = tpu.memref_squeeze %dma_start3A_29 : memref<1x10240xi32, #tpu.memory_space<hbm>> -> memref<10240xi32, #tpu.memory_space<hbm>>
      %dma_start3A_31 = arith.constant 0 : i32
      %dma_start3A_32 = tpu.memref_slice %arg3[%add3A, %dma_start3A_31] : memref<32x10240xi32, #tpu.memory_space<hbm>> -> memref<1x10240xi32, #tpu.memory_space<hbm>>
      %dma_start3A_33 = tpu.memref_squeeze %dma_start3A_32 : memref<1x10240xi32, #tpu.memory_space<hbm>> -> memref<10240xi32, #tpu.memory_space<hbm>>
      tpu.enqueue_dma source(%dma_start3A_33 : memref<10240xi32, #tpu.memory_space<hbm>>) target(%arg5 : memref<10240xi32, #tpu.memory_space<vmem>>) target_semaphore(%run_scoped3A : memref<!tpu.dma_semaphore, #tpu.memory_space<semaphore_mem>>)
      %dma_wait3A_34 = arith.constant 0 : i32
      %dma_wait3A_35 = tpu.memref_slice %arg3[%add3A, %dma_wait3A_34] : memref<32x10240xi32, #tpu.memory_space<hbm>> -> memref<1x10240xi32, #tpu.memory_space<hbm>>
      %dma_wait3A_36 = tpu.memref_squeeze %dma_wait3A_35 : memref<1x10240xi32, #tpu.memory_space<hbm>> -> memref<10240xi32, #tpu.memory_space<hbm>>
      %dma_wait3A_37 = arith.constant 0 : i32
      %dma_wait3A_38 = tpu.memref_slice %arg3[%add3A, %dma_wait3A_37] : memref<32x10240xi32, #tpu.memory_space<hbm>> -> memref<1x10240xi32, #tpu.memory_space<hbm>>
      %dma_wait3A_39 = tpu.memref_squeeze %dma_wait3A_38 : memref<1x10240xi32, #tpu.memory_space<hbm>> -> memref<10240xi32, #tpu.memory_space<hbm>>
      tpu.wait_dma2 semaphore(%run_scoped3A : memref<!tpu.dma_semaphore, #tpu.memory_space<semaphore_mem>>) src(%dma_wait3A_39 : memref<10240xi32, #tpu.memory_space<hbm>>) dst(%arg5 : memref<10240xi32, #tpu.memory_space<vmem>>)
      tpu.yield
    }) : () -> ()
    %dma_start3A = arith.constant 0 : i32
    %dma_start3A_3 = tpu.memref_slice %arg5[%dma_start3A] : memref<10240xi32, #tpu.memory_space<vmem>> -> memref<128xi32, #tpu.memory_space<vmem>>
    %dma_start3A_4 = arith.constant 0 : i32
    %dma_start3A_5 = arith.constant 0 : i32
    %dma_start3A_6 = tpu.memref_slice %arg2[%dma_start3A_4, %dma_start3A_5] : memref<20480x128xf32, #tpu.memory_space<hbm>> -> memref<20480x128xf32, #tpu.memory_space<hbm>>
    tpu.enqueue_indirect_dma source(%dma_start3A_6 : memref<20480x128xf32, #tpu.memory_space<hbm>>) target(%arg6 : memref<128x128xf32, #tpu.memory_space<vmem>>) offsets(%dma_start3A_3 : memref<128xi32, #tpu.memory_space<vmem>>) semaphore(%arg8 : memref<!tpu.dma_semaphore, #tpu.memory_space<semaphore_mem>>)
    %scan3A = arith.constant 0 : i32
    %scan3A_7 = arith.constant 40 : i32
    %scan3A_8 = arith.addi %scan3A, %scan3A_7 : i32
    %scan3A_9 = arith.constant 1 : i32
    scf.for %scan3A_28 = %scan3A to %scan3A_8 step %scan3A_9  : i32 {
      %mul3A_29 = arith.constant 1 : i32
      %mul3A_30 = arith.muli %scan3A_28, %mul3A_29 : i32
      %add3A_31 = arith.constant 0 : i32
      %add3A_32 = arith.addi %add3A_31, %mul3A_30 : i32
      %mul3A_33 = arith.constant 2 : i32
      %mul3A_34 = arith.muli %add3A_32, %mul3A_33 : i32
      %ge3A = arith.constant 1 : i32
      %ge3A_35 = arith.cmpi sge, %mul3A_34, %ge3A : i32
      %convert_element_type3A = arith.extui %ge3A_35 : i1 to i32
      %cond3A = arith.constant 0 : i32
      %cond3A_36 = arith.cmpi ne, %convert_element_type3A, %cond3A : i32
      scf.if %cond3A_36 {
        %sub3A = arith.constant 1 : i32
        %sub3A_87 = arith.subi %mul3A_34, %sub3A : i32
        %mul3A_88 = arith.constant 163840 : i32
        %mul3A_89 = arith.muli %arg0, %mul3A_88 : i32
        %add3A_90 = arith.addi %mul3A_89, %mul3A_0 : i32
        %mul3A_91 = arith.constant 128 : i32
        %mul3A_92 = arith.muli %sub3A_87, %mul3A_91 : i32
        %add3A_93 = arith.addi %add3A_90, %mul3A_92 : i32
        %dma_wait3A_94 = arith.constant 0 : i32
        %dma_wait3A_95 = tpu.memref_slice %arg4[%add3A_93, %dma_wait3A_94] : memref<327680x128xf32, #tpu.memory_space<hbm>> -> memref<128x128xf32, #tpu.memory_space<hbm>>
        %dma_wait3A_96 = arith.constant 0 : i32
        %dma_wait3A_97 = tpu.memref_slice %arg4[%add3A_93, %dma_wait3A_96] : memref<327680x128xf32, #tpu.memory_space<hbm>> -> memref<128x128xf32, #tpu.memory_space<hbm>>
        tpu.wait_dma2 semaphore(%arg11 : memref<!tpu.dma_semaphore, #tpu.memory_space<semaphore_mem>>) src(%arg7 : memref<128x128xf32, #tpu.memory_space<vmem>>) dst(%dma_wait3A_97 : memref<128x128xf32, #tpu.memory_space<hbm>>)
      } else {
      }
      %add3A_37 = arith.constant 1 : i32
      %add3A_38 = arith.addi %mul3A_34, %add3A_37 : i32
      %mul3A_39 = arith.constant 128 : i32
      %mul3A_40 = arith.muli %add3A_38, %mul3A_39 : i32
      %dma_start3A_41 = tpu.memref_slice %arg5[%mul3A_40] : memref<10240xi32, #tpu.memory_space<vmem>> -> memref<128xi32, #tpu.memory_space<vmem>>
      %dma_start3A_42 = arith.constant 0 : i32
      %dma_start3A_43 = arith.constant 0 : i32
      %dma_start3A_44 = tpu.memref_slice %arg2[%dma_start3A_42, %dma_start3A_43] : memref<20480x128xf32, #tpu.memory_space<hbm>> -> memref<20480x128xf32, #tpu.memory_space<hbm>>
      tpu.enqueue_indirect_dma source(%dma_start3A_44 : memref<20480x128xf32, #tpu.memory_space<hbm>>) target(%arg7 : memref<128x128xf32, #tpu.memory_space<vmem>>) offsets(%dma_start3A_41 : memref<128xi32, #tpu.memory_space<vmem>>) semaphore(%arg9 : memref<!tpu.dma_semaphore, #tpu.memory_space<semaphore_mem>>)
      %mul3A_45 = arith.constant 128 : i32
      %mul3A_46 = arith.muli %mul3A_34, %mul3A_45 : i32
      %dma_wait3A_47 = tpu.memref_slice %arg5[%mul3A_46] : memref<10240xi32, #tpu.memory_space<vmem>> -> memref<128xi32, #tpu.memory_space<vmem>>
      %dma_wait3A_48 = arith.constant 0 : i32
      %dma_wait3A_49 = arith.constant 0 : i32
      %dma_wait3A_50 = tpu.memref_slice %arg2[%dma_wait3A_48, %dma_wait3A_49] : memref<20480x128xf32, #tpu.memory_space<hbm>> -> memref<20480x128xf32, #tpu.memory_space<hbm>>
      tpu.wait_indirect_dma semaphore(%arg8 : memref<!tpu.dma_semaphore, #tpu.memory_space<semaphore_mem>>) src(%dma_wait3A_50 : memref<20480x128xf32, #tpu.memory_space<hbm>>) dst(%arg6 : memref<128x128xf32, #tpu.memory_space<vmem>>)
      %mul3A_51 = arith.constant 163840 : i32
      %mul3A_52 = arith.muli %arg0, %mul3A_51 : i32
      %add3A_53 = arith.addi %mul3A_52, %mul3A_0 : i32
      %mul3A_54 = arith.constant 128 : i32
      %mul3A_55 = arith.muli %mul3A_34, %mul3A_54 : i32
      %add3A_56 = arith.addi %add3A_53, %mul3A_55 : i32
      %dma_start3A_57 = arith.constant 0 : i32
      %dma_start3A_58 = tpu.memref_slice %arg4[%add3A_56, %dma_start3A_57] : memref<327680x128xf32, #tpu.memory_space<hbm>> -> memref<128x128xf32, #tpu.memory_space<hbm>>
      %dma_start3A_59 = arith.constant 0 : i32
      %dma_start3A_60 = tpu.memref_slice %arg4[%add3A_56, %dma_start3A_59] : memref<327680x128xf32, #tpu.memory_space<hbm>> -> memref<128x128xf32, #tpu.memory_space<hbm>>
      tpu.enqueue_dma source(%arg6 : memref<128x128xf32, #tpu.memory_space<vmem>>) target(%dma_start3A_60 : memref<128x128xf32, #tpu.memory_space<hbm>>) target_semaphore(%arg10 : memref<!tpu.dma_semaphore, #tpu.memory_space<semaphore_mem>>)
      %add3A_61 = arith.constant 2 : i32
      %add3A_62 = arith.addi %mul3A_34, %add3A_61 : i32
      %lt3A = arith.constant 80 : i32
      %lt3A_63 = arith.cmpi slt, %add3A_62, %lt3A : i32
      %convert_element_type3A_64 = arith.extui %lt3A_63 : i1 to i32
      %cond3A_65 = arith.constant 0 : i32
      %cond3A_66 = arith.cmpi ne, %convert_element_type3A_64, %cond3A_65 : i32
      scf.if %cond3A_66 {
        %mul3A_87 = arith.constant 163840 : i32
        %mul3A_88 = arith.muli %arg0, %mul3A_87 : i32
        %add3A_89 = arith.addi %mul3A_88, %mul3A_0 : i32
        %mul3A_90 = arith.constant 128 : i32
        %mul3A_91 = arith.muli %mul3A_34, %mul3A_90 : i32
        %add3A_92 = arith.addi %add3A_89, %mul3A_91 : i32
        %dma_wait3A_93 = arith.constant 0 : i32
        %dma_wait3A_94 = tpu.memref_slice %arg4[%add3A_92, %dma_wait3A_93] : memref<327680x128xf32, #tpu.memory_space<hbm>> -> memref<128x128xf32, #tpu.memory_space<hbm>>
        %dma_wait3A_95 = arith.constant 0 : i32
        %dma_wait3A_96 = tpu.memref_slice %arg4[%add3A_92, %dma_wait3A_95] : memref<327680x128xf32, #tpu.memory_space<hbm>> -> memref<128x128xf32, #tpu.memory_space<hbm>>
        tpu.wait_dma2 semaphore(%arg10 : memref<!tpu.dma_semaphore, #tpu.memory_space<semaphore_mem>>) src(%arg6 : memref<128x128xf32, #tpu.memory_space<vmem>>) dst(%dma_wait3A_96 : memref<128x128xf32, #tpu.memory_space<hbm>>)
        %add3A_97 = arith.constant 2 : i32
        %add3A_98 = arith.addi %mul3A_34, %add3A_97 : i32
        %mul3A_99 = arith.constant 128 : i32
        %mul3A_100 = arith.muli %add3A_98, %mul3A_99 : i32
        %dma_start3A_101 = tpu.memref_slice %arg5[%mul3A_100] : memref<10240xi32, #tpu.memory_space<vmem>> -> memref<128xi32, #tpu.memory_space<vmem>>
        %dma_start3A_102 = arith.constant 0 : i32
        %dma_start3A_103 = arith.constant 0 : i32
        %dma_start3A_104 = tpu.memref_slice %arg2[%dma_start3A_102, %dma_start3A_103] : memref<20480x128xf32, #tpu.memory_space<hbm>> -> memref<20480x128xf32, #tpu.memory_space<hbm>>
        tpu.enqueue_indirect_dma source(%dma_start3A_104 : memref<20480x128xf32, #tpu.memory_space<hbm>>) target(%arg6 : memref<128x128xf32, #tpu.memory_space<vmem>>) offsets(%dma_start3A_101 : memref<128xi32, #tpu.memory_space<vmem>>) semaphore(%arg8 : memref<!tpu.dma_semaphore, #tpu.memory_space<semaphore_mem>>)
      } else {
      }
      %add3A_67 = arith.constant 1 : i32
      %add3A_68 = arith.addi %mul3A_34, %add3A_67 : i32
      %mul3A_69 = arith.constant 128 : i32
      %mul3A_70 = arith.muli %add3A_68, %mul3A_69 : i32
      %dma_wait3A_71 = tpu.memref_slice %arg5[%mul3A_70] : memref<10240xi32, #tpu.memory_space<vmem>> -> memref<128xi32, #tpu.memory_space<vmem>>
      %dma_wait3A_72 = arith.constant 0 : i32
      %dma_wait3A_73 = arith.constant 0 : i32
      %dma_wait3A_74 = tpu.memref_slice %arg2[%dma_wait3A_72, %dma_wait3A_73] : memref<20480x128xf32, #tpu.memory_space<hbm>> -> memref<20480x128xf32, #tpu.memory_space<hbm>>
      tpu.wait_indirect_dma semaphore(%arg9 : memref<!tpu.dma_semaphore, #tpu.memory_space<semaphore_mem>>) src(%dma_wait3A_74 : memref<20480x128xf32, #tpu.memory_space<hbm>>) dst(%arg7 : memref<128x128xf32, #tpu.memory_space<vmem>>)
      %add3A_75 = arith.constant 1 : i32
      %add3A_76 = arith.addi %mul3A_34, %add3A_75 : i32
      %mul3A_77 = arith.constant 163840 : i32
      %mul3A_78 = arith.muli %arg0, %mul3A_77 : i32
      %add3A_79 = arith.addi %mul3A_78, %mul3A_0 : i32
      %mul3A_80 = arith.constant 128 : i32
      %mul3A_81 = arith.muli %add3A_76, %mul3A_80 : i32
      %add3A_82 = arith.addi %add3A_79, %mul3A_81 : i32
      %dma_start3A_83 = arith.constant 0 : i32
      %dma_start3A_84 = tpu.memref_slice %arg4[%add3A_82, %dma_start3A_83] : memref<327680x128xf32, #tpu.memory_space<hbm>> -> memref<128x128xf32, #tpu.memory_space<hbm>>
      %dma_start3A_85 = arith.constant 0 : i32
      %dma_start3A_86 = tpu.memref_slice %arg4[%add3A_82, %dma_start3A_85] : memref<327680x128xf32, #tpu.memory_space<hbm>> -> memref<128x128xf32, #tpu.memory_space<hbm>>
      tpu.enqueue_dma source(%arg7 : memref<128x128xf32, #tpu.memory_space<vmem>>) target(%dma_start3A_86 : memref<128x128xf32, #tpu.memory_space<hbm>>) target_semaphore(%arg11 : memref<!tpu.dma_semaphore, #tpu.memory_space<semaphore_mem>>)
    }
    %scan3A_10 = arith.constant 40 : i32
    %mul3A_11 = arith.constant 163840 : i32
    %mul3A_12 = arith.muli %arg0, %mul3A_11 : i32
    %add3A_13 = arith.addi %mul3A_12, %mul3A_0 : i32
    %add3A_14 = arith.constant 9984 : i32
    %add3A_15 = arith.addi %add3A_13, %add3A_14 : i32
    %dma_wait3A = arith.constant 0 : i32
    %dma_wait3A_16 = tpu.memref_slice %arg4[%add3A_15, %dma_wait3A] : memref<327680x128xf32, #tpu.memory_space<hbm>> -> memref<128x128xf32, #tpu.memory_space<hbm>>
    %dma_wait3A_17 = arith.constant 0 : i32
    %dma_wait3A_18 = tpu.memref_slice %arg4[%add3A_15, %dma_wait3A_17] : memref<327680x128xf32, #tpu.memory_space<hbm>> -> memref<128x128xf32, #tpu.memory_space<hbm>>
    tpu.wait_dma2 semaphore(%arg10 : memref<!tpu.dma_semaphore, #tpu.memory_space<semaphore_mem>>) src(%arg6 : memref<128x128xf32, #tpu.memory_space<vmem>>) dst(%dma_wait3A_18 : memref<128x128xf32, #tpu.memory_space<hbm>>)
    %mul3A_19 = arith.constant 163840 : i32
    %mul3A_20 = arith.muli %arg0, %mul3A_19 : i32
    %add3A_21 = arith.addi %mul3A_20, %mul3A_0 : i32
    %add3A_22 = arith.constant 10112 : i32
    %add3A_23 = arith.addi %add3A_21, %add3A_22 : i32
    %dma_wait3A_24 = arith.constant 0 : i32
    %dma_wait3A_25 = tpu.memref_slice %arg4[%add3A_23, %dma_wait3A_24] : memref<327680x128xf32, #tpu.memory_space<hbm>> -> memref<128x128xf32, #tpu.memory_space<hbm>>
    %dma_wait3A_26 = arith.constant 0 : i32
    %dma_wait3A_27 = tpu.memref_slice %arg4[%add3A_23, %dma_wait3A_26] : memref<327680x128xf32, #tpu.memory_space<hbm>> -> memref<128x128xf32, #tpu.memory_space<hbm>>
    tpu.wait_dma2 semaphore(%arg11 : memref<!tpu.dma_semaphore, #tpu.memory_space<semaphore_mem>>) src(%arg7 : memref<128x128xf32, #tpu.memory_space<vmem>>) dst(%dma_wait3A_27 : memref<128x128xf32, #tpu.memory_space<hbm>>)
    return
  }
}

#map = affine_map<(d0, d1) -> (0, 0)>
module attributes {stable_mosaic.version = 14 : i64} {
  func.func @body(%arg0: i32, %arg1: i32, %arg2: memref<20480x128xf32, #tpu.memory_space<hbm>>, %arg3: memref<32x10240xi32, #tpu.memory_space<hbm>>, %arg4: memref<327680x128xf32, #tpu.memory_space<hbm>>, %arg5: memref<10240xi32, #tpu.memory_space<vmem>>, %arg6: memref<128x128xf32, #tpu.memory_space<vmem>>, %arg7: memref<128x128xf32, #tpu.memory_space<vmem>>, %arg8: memref<!tpu.dma_semaphore, #tpu.memory_space<semaphore_mem>>, %arg9: memref<!tpu.dma_semaphore, #tpu.memory_space<semaphore_mem>>, %arg10: memref<!tpu.dma_semaphore, #tpu.memory_space<semaphore_mem>>, %arg11: memref<!tpu.dma_semaphore, #tpu.memory_space<semaphore_mem>>) attributes {dimension_semantics = [#tpu.dimension_semantics<core_parallel>, #tpu.dimension_semantics<subcore_parallel>], iteration_bounds = array<i64: 2, 16>, scalar_prefetch = 0 : i64, scratch_operands = 7 : i64, tpu.core_type = #tpu.core_type<sc_vector_subcore>, window_params = [{transform_indices = #map}, {transform_indices = #map}, {transform_indices = #map}]} {
    %mul3A = arith.constant 10240 : i32
    %mul3A_0 = arith.muli %arg1, %mul3A : i32
    %mul3A_1 = arith.constant 16 : i32
    %mul3A_2 = arith.muli %arg0, %mul3A_1 : i32
    %add3A = arith.addi %mul3A_2, %arg1 : i32
    "tpu.region"() ({
      %run_scoped3A = tpu.sem_alloc : memref<!tpu.dma_semaphore, #tpu.memory_space<semaphore_mem>>
      %dma_start3A_28 = arith.constant 0 : i32
      %dma_start3A_29 = tpu.memref_slice %arg3[%add3A, %dma_start3A_28] : memref<32x10240xi32, #tpu.memory_space<hbm>> -> memref<1x10240xi32, #tpu.memory_space<hbm>>
      %dma_start3A_30 = tpu.memref_squeeze %dma_start3A_29 : memref<1x10240xi32, #tpu.memory_space<hbm>> -> memref<10240xi32, #tpu.memory_space<hbm>>
      %dma_start3A_31 = arith.constant 0 : i32
      %dma_start3A_32 = tpu.memref_slice %arg3[%add3A, %dma_start3A_31] : memref<32x10240xi32, #tpu.memory_space<hbm>> -> memref<1x10240xi32, #tpu.memory_space<hbm>>
      %dma_start3A_33 = tpu.memref_squeeze %dma_start3A_32 : memref<1x10240xi32, #tpu.memory_space<hbm>> -> memref<10240xi32, #tpu.memory_space<hbm>>
      tpu.enqueue_dma source(%dma_start3A_33 : memref<10240xi32, #tpu.memory_space<hbm>>) target(%arg5 : memref<10240xi32, #tpu.memory_space<vmem>>) target_semaphore(%run_scoped3A : memref<!tpu.dma_semaphore, #tpu.memory_space<semaphore_mem>>)
      %dma_wait3A_34 = arith.constant 0 : i32
      %dma_wait3A_35 = tpu.memref_slice %arg3[%add3A, %dma_wait3A_34] : memref<32x10240xi32, #tpu.memory_space<hbm>> -> memref<1x10240xi32, #tpu.memory_space<hbm>>
      %dma_wait3A_36 = tpu.memref_squeeze %dma_wait3A_35 : memref<1x10240xi32, #tpu.memory_space<hbm>> -> memref<10240xi32, #tpu.memory_space<hbm>>
      %dma_wait3A_37 = arith.constant 0 : i32
      %dma_wait3A_38 = tpu.memref_slice %arg3[%add3A, %dma_wait3A_37] : memref<32x10240xi32, #tpu.memory_space<hbm>> -> memref<1x10240xi32, #tpu.memory_space<hbm>>
      %dma_wait3A_39 = tpu.memref_squeeze %dma_wait3A_38 : memref<1x10240xi32, #tpu.memory_space<hbm>> -> memref<10240xi32, #tpu.memory_space<hbm>>
      tpu.wait_dma2 semaphore(%run_scoped3A : memref<!tpu.dma_semaphore, #tpu.memory_space<semaphore_mem>>) src(%dma_wait3A_39 : memref<10240xi32, #tpu.memory_space<hbm>>) dst(%arg5 : memref<10240xi32, #tpu.memory_space<vmem>>)
      tpu.yield
    }) : () -> ()
    %dma_start3A = arith.constant 0 : i32
    %dma_start3A_3 = tpu.memref_slice %arg5[%dma_start3A] : memref<10240xi32, #tpu.memory_space<vmem>> -> memref<128xi32, #tpu.memory_space<vmem>>
    %dma_start3A_4 = arith.constant 0 : i32
    %dma_start3A_5 = arith.constant 0 : i32
    %dma_start3A_6 = tpu.memref_slice %arg2[%dma_start3A_4, %dma_start3A_5] : memref<20480x128xf32, #tpu.memory_space<hbm>> -> memref<20480x128xf32, #tpu.memory_space<hbm>>
    tpu.enqueue_indirect_dma source(%dma_start3A_6 : memref<20480x128xf32, #tpu.memory_space<hbm>>) target(%arg6 : memref<128x128xf32, #tpu.memory_space<vmem>>) offsets(%dma_start3A_3 : memref<128xi32, #tpu.memory_space<vmem>>) semaphore(%arg8 : memref<!tpu.dma_semaphore, #tpu.memory_space<semaphore_mem>>)
    %scan3A = arith.constant 0 : i32
    %scan3A_7 = arith.constant 40 : i32
    %scan3A_8 = arith.addi %scan3A, %scan3A_7 : i32
    %scan3A_9 = arith.constant 1 : i32
    scf.for %scan3A_28 = %scan3A to %scan3A_8 step %scan3A_9  : i32 {
      %mul3A_29 = arith.constant 1 : i32
      %mul3A_30 = arith.muli %scan3A_28, %mul3A_29 : i32
      %add3A_31 = arith.constant 0 : i32
      %add3A_32 = arith.addi %add3A_31, %mul3A_30 : i32
      %mul3A_33 = arith.constant 2 : i32
      %mul3A_34 = arith.muli %add3A_32, %mul3A_33 : i32
      %ge3A = arith.constant 1 : i32
      %ge3A_35 = arith.cmpi sge, %mul3A_34, %ge3A : i32
      %convert_element_type3A = arith.extui %ge3A_35 : i1 to i32
      %cond3A = arith.constant 0 : i32
      %cond3A_36 = arith.cmpi ne, %convert_element_type3A, %cond3A : i32
      scf.if %cond3A_36 {
        %sub3A = arith.constant 1 : i32
        %sub3A_87 = arith.subi %mul3A_34, %sub3A : i32
        %mul3A_88 = arith.constant 163840 : i32
        %mul3A_89 = arith.muli %arg0, %mul3A_88 : i32
        %add3A_90 = arith.addi %mul3A_89, %mul3A_0 : i32
        %mul3A_91 = arith.constant 128 : i32
        %mul3A_92 = arith.muli %sub3A_87, %mul3A_91 : i32
        %add3A_93 = arith.addi %add3A_90, %mul3A_92 : i32
        %dma_wait3A_94 = arith.constant 0 : i32
        %dma_wait3A_95 = tpu.memref_slice %arg4[%add3A_93, %dma_wait3A_94] : memref<327680x128xf32, #tpu.memory_space<hbm>> -> memref<128x128xf32, #tpu.memory_space<hbm>>
        %dma_wait3A_96 = arith.constant 0 : i32
        %dma_wait3A_97 = tpu.memref_slice %arg4[%add3A_93, %dma_wait3A_96] : memref<327680x128xf32, #tpu.memory_space<hbm>> -> memref<128x128xf32, #tpu.memory_space<hbm>>
        tpu.wait_dma2 semaphore(%arg11 : memref<!tpu.dma_semaphore, #tpu.memory_space<semaphore_mem>>) src(%arg7 : memref<128x128xf32, #tpu.memory_space<vmem>>) dst(%dma_wait3A_97 : memref<128x128xf32, #tpu.memory_space<hbm>>)
      } else {
      }
      %add3A_37 = arith.constant 1 : i32
      %add3A_38 = arith.addi %mul3A_34, %add3A_37 : i32
      %mul3A_39 = arith.constant 128 : i32
      %mul3A_40 = arith.muli %add3A_38, %mul3A_39 : i32
      %dma_start3A_41 = tpu.memref_slice %arg5[%mul3A_40] : memref<10240xi32, #tpu.memory_space<vmem>> -> memref<128xi32, #tpu.memory_space<vmem>>
      %dma_start3A_42 = arith.constant 0 : i32
      %dma_start3A_43 = arith.constant 0 : i32
      %dma_start3A_44 = tpu.memref_slice %arg2[%dma_start3A_42, %dma_start3A_43] : memref<20480x128xf32, #tpu.memory_space<hbm>> -> memref<20480x128xf32, #tpu.memory_space<hbm>>
      tpu.enqueue_indirect_dma source(%dma_start3A_44 : memref<20480x128xf32, #tpu.memory_space<hbm>>) target(%arg7 : memref<128x128xf32, #tpu.memory_space<vmem>>) offsets(%dma_start3A_41 : memref<128xi32, #tpu.memory_space<vmem>>) semaphore(%arg9 : memref<!tpu.dma_semaphore, #tpu.memory_space<semaphore_mem>>)
      %mul3A_45 = arith.constant 128 : i32
      %mul3A_46 = arith.muli %mul3A_34, %mul3A_45 : i32
      %dma_wait3A_47 = tpu.memref_slice %arg5[%mul3A_46] : memref<10240xi32, #tpu.memory_space<vmem>> -> memref<128xi32, #tpu.memory_space<vmem>>
      %dma_wait3A_48 = arith.constant 0 : i32
      %dma_wait3A_49 = arith.constant 0 : i32
      %dma_wait3A_50 = tpu.memref_slice %arg2[%dma_wait3A_48, %dma_wait3A_49] : memref<20480x128xf32, #tpu.memory_space<hbm>> -> memref<20480x128xf32, #tpu.memory_space<hbm>>
      tpu.wait_indirect_dma semaphore(%arg8 : memref<!tpu.dma_semaphore, #tpu.memory_space<semaphore_mem>>) src(%dma_wait3A_50 : memref<20480x128xf32, #tpu.memory_space<hbm>>) dst(%arg6 : memref<128x128xf32, #tpu.memory_space<vmem>>)
      %mul3A_51 = arith.constant 163840 : i32
      %mul3A_52 = arith.muli %arg0, %mul3A_51 : i32
      %add3A_53 = arith.addi %mul3A_52, %mul3A_0 : i32
      %mul3A_54 = arith.constant 128 : i32
      %mul3A_55 = arith.muli %mul3A_34, %mul3A_54 : i32
      %add3A_56 = arith.addi %add3A_53, %mul3A_55 : i32
      %dma_start3A_57 = arith.constant 0 : i32
      %dma_start3A_58 = tpu.memref_slice %arg4[%add3A_56, %dma_start3A_57] : memref<327680x128xf32, #tpu.memory_space<hbm>> -> memref<128x128xf32, #tpu.memory_space<hbm>>
      %dma_start3A_59 = arith.constant 0 : i32
      %dma_start3A_60 = tpu.memref_slice %arg4[%add3A_56, %dma_start3A_59] : memref<327680x128xf32, #tpu.memory_space<hbm>> -> memref<128x128xf32, #tpu.memory_space<hbm>>
      tpu.enqueue_dma source(%arg6 : memref<128x128xf32, #tpu.memory_space<vmem>>) target(%dma_start3A_60 : memref<128x128xf32, #tpu.memory_space<hbm>>) target_semaphore(%arg10 : memref<!tpu.dma_semaphore, #tpu.memory_space<semaphore_mem>>)
      %add3A_61 = arith.constant 2 : i32
      %add3A_62 = arith.addi %mul3A_34, %add3A_61 : i32
      %lt3A = arith.constant 80 : i32
      %lt3A_63 = arith.cmpi slt, %add3A_62, %lt3A : i32
      %convert_element_type3A_64 = arith.extui %lt3A_63 : i1 to i32
      %cond3A_65 = arith.constant 0 : i32
      %cond3A_66 = arith.cmpi ne, %convert_element_type3A_64, %cond3A_65 : i32
      scf.if %cond3A_66 {
        %mul3A_87 = arith.constant 163840 : i32
        %mul3A_88 = arith.muli %arg0, %mul3A_87 : i32
        %add3A_89 = arith.addi %mul3A_88, %mul3A_0 : i32
        %mul3A_90 = arith.constant 128 : i32
        %mul3A_91 = arith.muli %mul3A_34, %mul3A_90 : i32
        %add3A_92 = arith.addi %add3A_89, %mul3A_91 : i32
        %dma_wait3A_93 = arith.constant 0 : i32
        %dma_wait3A_94 = tpu.memref_slice %arg4[%add3A_92, %dma_wait3A_93] : memref<327680x128xf32, #tpu.memory_space<hbm>> -> memref<128x128xf32, #tpu.memory_space<hbm>>
        %dma_wait3A_95 = arith.constant 0 : i32
        %dma_wait3A_96 = tpu.memref_slice %arg4[%add3A_92, %dma_wait3A_95] : memref<327680x128xf32, #tpu.memory_space<hbm>> -> memref<128x128xf32, #tpu.memory_space<hbm>>
        tpu.wait_dma2 semaphore(%arg10 : memref<!tpu.dma_semaphore, #tpu.memory_space<semaphore_mem>>) src(%arg6 : memref<128x128xf32, #tpu.memory_space<vmem>>) dst(%dma_wait3A_96 : memref<128x128xf32, #tpu.memory_space<hbm>>)
        %add3A_97 = arith.constant 2 : i32
        %add3A_98 = arith.addi %mul3A_34, %add3A_97 : i32
        %mul3A_99 = arith.constant 128 : i32
        %mul3A_100 = arith.muli %add3A_98, %mul3A_99 : i32
        %dma_start3A_101 = tpu.memref_slice %arg5[%mul3A_100] : memref<10240xi32, #tpu.memory_space<vmem>> -> memref<128xi32, #tpu.memory_space<vmem>>
        %dma_start3A_102 = arith.constant 0 : i32
        %dma_start3A_103 = arith.constant 0 : i32
        %dma_start3A_104 = tpu.memref_slice %arg2[%dma_start3A_102, %dma_start3A_103] : memref<20480x128xf32, #tpu.memory_space<hbm>> -> memref<20480x128xf32, #tpu.memory_space<hbm>>
        tpu.enqueue_indirect_dma source(%dma_start3A_104 : memref<20480x128xf32, #tpu.memory_space<hbm>>) target(%arg6 : memref<128x128xf32, #tpu.memory_space<vmem>>) offsets(%dma_start3A_101 : memref<128xi32, #tpu.memory_space<vmem>>) semaphore(%arg8 : memref<!tpu.dma_semaphore, #tpu.memory_space<semaphore_mem>>)
      } else {
      }
      %add3A_67 = arith.constant 1 : i32
      %add3A_68 = arith.addi %mul3A_34, %add3A_67 : i32
      %mul3A_69 = arith.constant 128 : i32
      %mul3A_70 = arith.muli %add3A_68, %mul3A_69 : i32
      %dma_wait3A_71 = tpu.memref_slice %arg5[%mul3A_70] : memref<10240xi32, #tpu.memory_space<vmem>> -> memref<128xi32, #tpu.memory_space<vmem>>
      %dma_wait3A_72 = arith.constant 0 : i32
      %dma_wait3A_73 = arith.constant 0 : i32
      %dma_wait3A_74 = tpu.memref_slice %arg2[%dma_wait3A_72, %dma_wait3A_73] : memref<20480x128xf32, #tpu.memory_space<hbm>> -> memref<20480x128xf32, #tpu.memory_space<hbm>>
      tpu.wait_indirect_dma semaphore(%arg9 : memref<!tpu.dma_semaphore, #tpu.memory_space<semaphore_mem>>) src(%dma_wait3A_74 : memref<20480x128xf32, #tpu.memory_space<hbm>>) dst(%arg7 : memref<128x128xf32, #tpu.memory_space<vmem>>)
      %add3A_75 = arith.constant 1 : i32
      %add3A_76 = arith.addi %mul3A_34, %add3A_75 : i32
      %mul3A_77 = arith.constant 163840 : i32
      %mul3A_78 = arith.muli %arg0, %mul3A_77 : i32
      %add3A_79 = arith.addi %mul3A_78, %mul3A_0 : i32
      %mul3A_80 = arith.constant 128 : i32
      %mul3A_81 = arith.muli %add3A_76, %mul3A_80 : i32
      %add3A_82 = arith.addi %add3A_79, %mul3A_81 : i32
      %dma_start3A_83 = arith.constant 0 : i32
      %dma_start3A_84 = tpu.memref_slice %arg4[%add3A_82, %dma_start3A_83] : memref<327680x128xf32, #tpu.memory_space<hbm>> -> memref<128x128xf32, #tpu.memory_space<hbm>>
      %dma_start3A_85 = arith.constant 0 : i32
      %dma_start3A_86 = tpu.memref_slice %arg4[%add3A_82, %dma_start3A_85] : memref<327680x128xf32, #tpu.memory_space<hbm>> -> memref<128x128xf32, #tpu.memory_space<hbm>>
      tpu.enqueue_dma source(%arg7 : memref<128x128xf32, #tpu.memory_space<vmem>>) target(%dma_start3A_86 : memref<128x128xf32, #tpu.memory_space<hbm>>) target_semaphore(%arg11 : memref<!tpu.dma_semaphore, #tpu.memory_space<semaphore_mem>>)
    }
    %scan3A_10 = arith.constant 40 : i32
    %mul3A_11 = arith.constant 163840 : i32
    %mul3A_12 = arith.muli %arg0, %mul3A_11 : i32
    %add3A_13 = arith.addi %mul3A_12, %mul3A_0 : i32
    %add3A_14 = arith.constant 9984 : i32
    %add3A_15 = arith.addi %add3A_13, %add3A_14 : i32
    %dma_wait3A = arith.constant 0 : i32
    %dma_wait3A_16 = tpu.memref_slice %arg4[%add3A_15, %dma_wait3A] : memref<327680x128xf32, #tpu.memory_space<hbm>> -> memref<128x128xf32, #tpu.memory_space<hbm>>
    %dma_wait3A_17 = arith.constant 0 : i32
    %dma_wait3A_18 = tpu.memref_slice %arg4[%add3A_15, %dma_wait3A_17] : memref<327680x128xf32, #tpu.memory_space<hbm>> -> memref<128x128xf32, #tpu.memory_space<hbm>>
    tpu.wait_dma2 semaphore(%arg10 : memref<!tpu.dma_semaphore, #tpu.memory_space<semaphore_mem>>) src(%arg6 : memref<128x128xf32, #tpu.memory_space<vmem>>) dst(%dma_wait3A_18 : memref<128x128xf32, #tpu.memory_space<hbm>>)
    %mul3A_19 = arith.constant 163840 : i32
    %mul3A_20 = arith.muli %arg0, %mul3A_19 : i32
    %add3A_21 = arith.addi %mul3A_20, %mul3A_0 : i32
    %add3A_22 = arith.constant 10112 : i32
    %add3A_23 = arith.addi %add3A_21, %add3A_22 : i32
    %dma_wait3A_24 = arith.constant 0 : i32
    %dma_wait3A_25 = tpu.memref_slice %arg4[%add3A_23, %dma_wait3A_24] : memref<327680x128xf32, #tpu.memory_space<hbm>> -> memref<128x128xf32, #tpu.memory_space<hbm>>
    %dma_wait3A_26 = arith.constant 0 : i32
    %dma_wait3A_27 = tpu.memref_slice %arg4[%add3A_23, %dma_wait3A_26] : memref<327680x128xf32, #tpu.memory_space<hbm>> -> memref<128x128xf32, #tpu.memory_space<hbm>>
    tpu.wait_dma2 semaphore(%arg11 : memref<!tpu.dma_semaphore, #tpu.memory_space<semaphore_mem>>) src(%arg7 : memref<128x128xf32, #tpu.memory_space<vmem>>) dst(%dma_wait3A_27 : memref<128x128xf32, #tpu.memory_space<hbm>>)
    return
  }
}

#map = affine_map<(d0, d1) -> (0, 0)>
#map1 = affine_map<(d0, d1) -> (0, 0, 0)>
module attributes {stable_mosaic.version = 14 : i64} {
  func.func @body(%arg0: i32, %arg1: i32, %arg2: memref<327680x128xf32, #tpu.memory_space<hbm>>, %arg3: memref<16x80x128xi32, #tpu.memory_space<hbm>>, %arg4: memref<640x128xf32, #tpu.memory_space<hbm>>, %arg5: memref<20480x128xf32, #tpu.memory_space<hbm>>, %arg6: memref<80x128xi32, #tpu.memory_space<vmem>>, %arg7: memref<128x128xf32, #tpu.memory_space<vmem>>, %arg8: memref<128x128xf32, #tpu.memory_space<vmem>>, %arg9: memref<!tpu.dma_semaphore, #tpu.memory_space<semaphore_mem>>, %arg10: memref<!tpu.dma_semaphore, #tpu.memory_space<semaphore_mem>>, %arg11: memref<!tpu.dma_semaphore, #tpu.memory_space<semaphore_mem>>, %arg12: memref<!tpu.dma_semaphore, #tpu.memory_space<semaphore_mem>>, %arg13: memref<10240x128xf32, #tpu.memory_space<vmem_shared>>) attributes {dimension_semantics = [#tpu.dimension_semantics<core_parallel>, #tpu.dimension_semantics<subcore_parallel>], iteration_bounds = array<i64: 2, 16>, scalar_prefetch = 0 : i64, scratch_operands = 8 : i64, tpu.core_type = #tpu.core_type<sc_vector_subcore>, window_params = [{transform_indices = #map}, {transform_indices = #map1}, {transform_indices = #map}, {transform_indices = #map}]} {
    "tpu.region"() ({
      %run_scoped3A = tpu.sem_alloc : memref<!tpu.dma_semaphore, #tpu.memory_space<semaphore_mem>>
      %dma_start3A_35 = arith.constant 0 : i32
      %dma_start3A_36 = arith.constant 0 : i32
      %dma_start3A_37 = tpu.memref_slice %arg3[%arg1, %dma_start3A_35, %dma_start3A_36] : memref<16x80x128xi32, #tpu.memory_space<hbm>> -> memref<1x80x128xi32, #tpu.memory_space<hbm>>
      %dma_start3A_38 = tpu.memref_squeeze %dma_start3A_37 : memref<1x80x128xi32, #tpu.memory_space<hbm>> -> memref<80x128xi32, #tpu.memory_space<hbm>>
      %dma_start3A_39 = arith.constant 0 : i32
      %dma_start3A_40 = arith.constant 0 : i32
      %dma_start3A_41 = tpu.memref_slice %arg3[%arg1, %dma_start3A_39, %dma_start3A_40] : memref<16x80x128xi32, #tpu.memory_space<hbm>> -> memref<1x80x128xi32, #tpu.memory_space<hbm>>
      %dma_start3A_42 = tpu.memref_squeeze %dma_start3A_41 : memref<1x80x128xi32, #tpu.memory_space<hbm>> -> memref<80x128xi32, #tpu.memory_space<hbm>>
      tpu.enqueue_dma source(%dma_start3A_42 : memref<80x128xi32, #tpu.memory_space<hbm>>) target(%arg6 : memref<80x128xi32, #tpu.memory_space<vmem>>) target_semaphore(%run_scoped3A : memref<!tpu.dma_semaphore, #tpu.memory_space<semaphore_mem>>)
      %dma_wait3A_43 = arith.constant 0 : i32
      %dma_wait3A_44 = arith.constant 0 : i32
      %dma_wait3A_45 = tpu.memref_slice %arg3[%arg1, %dma_wait3A_43, %dma_wait3A_44] : memref<16x80x128xi32, #tpu.memory_space<hbm>> -> memref<1x80x128xi32, #tpu.memory_space<hbm>>
      %dma_wait3A_46 = tpu.memref_squeeze %dma_wait3A_45 : memref<1x80x128xi32, #tpu.memory_space<hbm>> -> memref<80x128xi32, #tpu.memory_space<hbm>>
      %dma_wait3A_47 = arith.constant 0 : i32
      %dma_wait3A_48 = arith.constant 0 : i32
      %dma_wait3A_49 = tpu.memref_slice %arg3[%arg1, %dma_wait3A_47, %dma_wait3A_48] : memref<16x80x128xi32, #tpu.memory_space<hbm>> -> memref<1x80x128xi32, #tpu.memory_space<hbm>>
      %dma_wait3A_50 = tpu.memref_squeeze %dma_wait3A_49 : memref<1x80x128xi32, #tpu.memory_space<hbm>> -> memref<80x128xi32, #tpu.memory_space<hbm>>
      tpu.wait_dma2 semaphore(%run_scoped3A : memref<!tpu.dma_semaphore, #tpu.memory_space<semaphore_mem>>) src(%dma_wait3A_50 : memref<80x128xi32, #tpu.memory_space<hbm>>) dst(%arg6 : memref<80x128xi32, #tpu.memory_space<vmem>>)
      tpu.yield
    }) : () -> ()
    %mul3A = arith.constant 640 : i32
    %mul3A_0 = arith.muli %arg1, %mul3A : i32
    "tpu.region"() ({
      %run_scoped3A = tpu.sem_alloc : memref<!tpu.dma_semaphore, #tpu.memory_space<semaphore_mem>>
      %dma_start3A_35 = arith.constant 0 : i32
      %dma_start3A_36 = tpu.memref_slice %arg13[%mul3A_0, %dma_start3A_35] : memref<10240x128xf32, #tpu.memory_space<vmem_shared>> -> memref<640x128xf32, #tpu.memory_space<vmem_shared>>
      tpu.enqueue_dma source(%arg4 : memref<640x128xf32, #tpu.memory_space<hbm>>) target(%dma_start3A_36 : memref<640x128xf32, #tpu.memory_space<vmem_shared>>) target_semaphore(%run_scoped3A : memref<!tpu.dma_semaphore, #tpu.memory_space<semaphore_mem>>)
      %dma_wait3A_37 = arith.constant 0 : i32
      %dma_wait3A_38 = tpu.memref_slice %arg13[%mul3A_0, %dma_wait3A_37] : memref<10240x128xf32, #tpu.memory_space<vmem_shared>> -> memref<640x128xf32, #tpu.memory_space<vmem_shared>>
      tpu.wait_dma2 semaphore(%run_scoped3A : memref<!tpu.dma_semaphore, #tpu.memory_space<semaphore_mem>>) src(%arg4 : memref<640x128xf32, #tpu.memory_space<hbm>>) dst(%dma_wait3A_38 : memref<640x128xf32, #tpu.memory_space<vmem_shared>>)
      tpu.yield
    }) : () -> ()
    %barrier3A = arith.constant 0 : index
    tpu.barrier barrier_id(%barrier3A)
    %mul3A_1 = arith.constant 163840 : i32
    %mul3A_2 = arith.muli %arg0, %mul3A_1 : i32
    %mul3A_3 = arith.constant 10240 : i32
    %mul3A_4 = arith.muli %arg1, %mul3A_3 : i32
    %add3A = arith.addi %mul3A_2, %mul3A_4 : i32
    %add3A_5 = arith.constant 0 : i32
    %add3A_6 = arith.addi %add3A, %add3A_5 : i32
    %dma_start3A = arith.constant 0 : i32
    %dma_start3A_7 = tpu.memref_slice %arg2[%add3A_6, %dma_start3A] : memref<327680x128xf32, #tpu.memory_space<hbm>> -> memref<128x128xf32, #tpu.memory_space<hbm>>
    %dma_start3A_8 = arith.constant 0 : i32
    %dma_start3A_9 = tpu.memref_slice %arg2[%add3A_6, %dma_start3A_8] : memref<327680x128xf32, #tpu.memory_space<hbm>> -> memref<128x128xf32, #tpu.memory_space<hbm>>
    tpu.enqueue_dma source(%dma_start3A_9 : memref<128x128xf32, #tpu.memory_space<hbm>>) target(%arg7 : memref<128x128xf32, #tpu.memory_space<vmem>>) target_semaphore(%arg9 : memref<!tpu.dma_semaphore, #tpu.memory_space<semaphore_mem>>)
    %scan3A = arith.constant 0 : i32
    %scan3A_10 = arith.constant 40 : i32
    %scan3A_11 = arith.addi %scan3A, %scan3A_10 : i32
    %scan3A_12 = arith.constant 1 : i32
    scf.for %scan3A_35 = %scan3A to %scan3A_11 step %scan3A_12  : i32 {
      %mul3A_36 = arith.constant 1 : i32
      %mul3A_37 = arith.muli %scan3A_35, %mul3A_36 : i32
      %add3A_38 = arith.constant 0 : i32
      %add3A_39 = arith.addi %add3A_38, %mul3A_37 : i32
      %mul3A_40 = arith.constant 2 : i32
      %mul3A_41 = arith.muli %add3A_39, %mul3A_40 : i32
      %ge3A = arith.constant 1 : i32
      %ge3A_42 = arith.cmpi sge, %mul3A_41, %ge3A : i32
      %convert_element_type3A = arith.extui %ge3A_42 : i1 to i32
      %cond3A = arith.constant 0 : i32
      %cond3A_43 = arith.cmpi ne, %convert_element_type3A, %cond3A : i32
      scf.if %cond3A_43 {
        %sub3A = arith.constant 1 : i32
        %sub3A_89 = arith.subi %mul3A_41, %sub3A : i32
        %dma_wait3A_90 = arith.constant 0 : i32
        %dma_wait3A_91 = tpu.memref_slice %arg6[%sub3A_89, %dma_wait3A_90] : memref<80x128xi32, #tpu.memory_space<vmem>> -> memref<1x128xi32, #tpu.memory_space<vmem>>
        %dma_wait3A_92 = tpu.memref_squeeze %dma_wait3A_91 : memref<1x128xi32, #tpu.memory_space<vmem>> -> memref<128xi32, #tpu.memory_space<vmem>>
        %dma_wait3A_93 = arith.constant 0 : i32
        %dma_wait3A_94 = arith.constant 0 : i32
        %dma_wait3A_95 = tpu.memref_slice %arg13[%dma_wait3A_93, %dma_wait3A_94] : memref<10240x128xf32, #tpu.memory_space<vmem_shared>> -> memref<10240x128xf32, #tpu.memory_space<vmem_shared>>
        tpu.wait_indirect_dma semaphore(%arg12 : memref<!tpu.dma_semaphore, #tpu.memory_space<semaphore_mem>>) src(%arg8 : memref<128x128xf32, #tpu.memory_space<vmem>>) dst(%dma_wait3A_95 : memref<10240x128xf32, #tpu.memory_space<vmem_shared>>)
      } else {
      }
      %add3A_44 = arith.constant 1 : i32
      %add3A_45 = arith.addi %mul3A_41, %add3A_44 : i32
      %mul3A_46 = arith.constant 128 : i32
      %mul3A_47 = arith.muli %add3A_45, %mul3A_46 : i32
      %add3A_48 = arith.addi %add3A, %mul3A_47 : i32
      %dma_start3A_49 = arith.constant 0 : i32
      %dma_start3A_50 = tpu.memref_slice %arg2[%add3A_48, %dma_start3A_49] : memref<327680x128xf32, #tpu.memory_space<hbm>> -> memref<128x128xf32, #tpu.memory_space<hbm>>
      %dma_start3A_51 = arith.constant 0 : i32
      %dma_start3A_52 = tpu.memref_slice %arg2[%add3A_48, %dma_start3A_51] : memref<327680x128xf32, #tpu.memory_space<hbm>> -> memref<128x128xf32, #tpu.memory_space<hbm>>
      tpu.enqueue_dma source(%dma_start3A_52 : memref<128x128xf32, #tpu.memory_space<hbm>>) target(%arg8 : memref<128x128xf32, #tpu.memory_space<vmem>>) target_semaphore(%arg10 : memref<!tpu.dma_semaphore, #tpu.memory_space<semaphore_mem>>)
      %mul3A_53 = arith.constant 128 : i32
      %mul3A_54 = arith.muli %mul3A_41, %mul3A_53 : i32
      %add3A_55 = arith.addi %add3A, %mul3A_54 : i32
      %dma_wait3A_56 = arith.constant 0 : i32
      %dma_wait3A_57 = tpu.memref_slice %arg2[%add3A_55, %dma_wait3A_56] : memref<327680x128xf32, #tpu.memory_space<hbm>> -> memref<128x128xf32, #tpu.memory_space<hbm>>
      %dma_wait3A_58 = arith.constant 0 : i32
      %dma_wait3A_59 = tpu.memref_slice %arg2[%add3A_55, %dma_wait3A_58] : memref<327680x128xf32, #tpu.memory_space<hbm>> -> memref<128x128xf32, #tpu.memory_space<hbm>>
      tpu.wait_dma2 semaphore(%arg9 : memref<!tpu.dma_semaphore, #tpu.memory_space<semaphore_mem>>) src(%dma_wait3A_59 : memref<128x128xf32, #tpu.memory_space<hbm>>) dst(%arg7 : memref<128x128xf32, #tpu.memory_space<vmem>>)
      %dma_start3A_60 = arith.constant 0 : i32
      %dma_start3A_61 = tpu.memref_slice %arg6[%mul3A_41, %dma_start3A_60] : memref<80x128xi32, #tpu.memory_space<vmem>> -> memref<1x128xi32, #tpu.memory_space<vmem>>
      %dma_start3A_62 = tpu.memref_squeeze %dma_start3A_61 : memref<1x128xi32, #tpu.memory_space<vmem>> -> memref<128xi32, #tpu.memory_space<vmem>>
      %dma_start3A_63 = arith.constant 0 : i32
      %dma_start3A_64 = arith.constant 0 : i32
      %dma_start3A_65 = tpu.memref_slice %arg13[%dma_start3A_63, %dma_start3A_64] : memref<10240x128xf32, #tpu.memory_space<vmem_shared>> -> memref<10240x128xf32, #tpu.memory_space<vmem_shared>>
      tpu.enqueue_indirect_dma source(%arg7 : memref<128x128xf32, #tpu.memory_space<vmem>>) target(%dma_start3A_65 : memref<10240x128xf32, #tpu.memory_space<vmem_shared>>) offsets(%dma_start3A_62 : memref<128xi32, #tpu.memory_space<vmem>>) semaphore(%arg11 : memref<!tpu.dma_semaphore, #tpu.memory_space<semaphore_mem>>) {add = true}
      %add3A_66 = arith.constant 2 : i32
      %add3A_67 = arith.addi %mul3A_41, %add3A_66 : i32
      %lt3A = arith.constant 80 : i32
      %lt3A_68 = arith.cmpi slt, %add3A_67, %lt3A : i32
      %convert_element_type3A_69 = arith.extui %lt3A_68 : i1 to i32
      %cond3A_70 = arith.constant 0 : i32
      %cond3A_71 = arith.cmpi ne, %convert_element_type3A_69, %cond3A_70 : i32
      scf.if %cond3A_71 {
        %dma_wait3A_89 = arith.constant 0 : i32
        %dma_wait3A_90 = tpu.memref_slice %arg6[%mul3A_41, %dma_wait3A_89] : memref<80x128xi32, #tpu.memory_space<vmem>> -> memref<1x128xi32, #tpu.memory_space<vmem>>
        %dma_wait3A_91 = tpu.memref_squeeze %dma_wait3A_90 : memref<1x128xi32, #tpu.memory_space<vmem>> -> memref<128xi32, #tpu.memory_space<vmem>>
        %dma_wait3A_92 = arith.constant 0 : i32
        %dma_wait3A_93 = arith.constant 0 : i32
        %dma_wait3A_94 = tpu.memref_slice %arg13[%dma_wait3A_92, %dma_wait3A_93] : memref<10240x128xf32, #tpu.memory_space<vmem_shared>> -> memref<10240x128xf32, #tpu.memory_space<vmem_shared>>
        tpu.wait_indirect_dma semaphore(%arg11 : memref<!tpu.dma_semaphore, #tpu.memory_space<semaphore_mem>>) src(%arg7 : memref<128x128xf32, #tpu.memory_space<vmem>>) dst(%dma_wait3A_94 : memref<10240x128xf32, #tpu.memory_space<vmem_shared>>)
        %add3A_95 = arith.constant 2 : i32
        %add3A_96 = arith.addi %mul3A_41, %add3A_95 : i32
        %mul3A_97 = arith.constant 128 : i32
        %mul3A_98 = arith.muli %add3A_96, %mul3A_97 : i32
        %add3A_99 = arith.addi %add3A, %mul3A_98 : i32
        %dma_start3A_100 = arith.constant 0 : i32
        %dma_start3A_101 = tpu.memref_slice %arg2[%add3A_99, %dma_start3A_100] : memref<327680x128xf32, #tpu.memory_space<hbm>> -> memref<128x128xf32, #tpu.memory_space<hbm>>
        %dma_start3A_102 = arith.constant 0 : i32
        %dma_start3A_103 = tpu.memref_slice %arg2[%add3A_99, %dma_start3A_102] : memref<327680x128xf32, #tpu.memory_space<hbm>> -> memref<128x128xf32, #tpu.memory_space<hbm>>
        tpu.enqueue_dma source(%dma_start3A_103 : memref<128x128xf32, #tpu.memory_space<hbm>>) target(%arg7 : memref<128x128xf32, #tpu.memory_space<vmem>>) target_semaphore(%arg9 : memref<!tpu.dma_semaphore, #tpu.memory_space<semaphore_mem>>)
      } else {
      }
      %add3A_72 = arith.constant 1 : i32
      %add3A_73 = arith.addi %mul3A_41, %add3A_72 : i32
      %mul3A_74 = arith.constant 128 : i32
      %mul3A_75 = arith.muli %add3A_73, %mul3A_74 : i32
      %add3A_76 = arith.addi %add3A, %mul3A_75 : i32
      %dma_wait3A_77 = arith.constant 0 : i32
      %dma_wait3A_78 = tpu.memref_slice %arg2[%add3A_76, %dma_wait3A_77] : memref<327680x128xf32, #tpu.memory_space<hbm>> -> memref<128x128xf32, #tpu.memory_space<hbm>>
      %dma_wait3A_79 = arith.constant 0 : i32
      %dma_wait3A_80 = tpu.memref_slice %arg2[%add3A_76, %dma_wait3A_79] : memref<327680x128xf32, #tpu.memory_space<hbm>> -> memref<128x128xf32, #tpu.memory_space<hbm>>
      tpu.wait_dma2 semaphore(%arg10 : memref<!tpu.dma_semaphore, #tpu.memory_space<semaphore_mem>>) src(%dma_wait3A_80 : memref<128x128xf32, #tpu.memory_space<hbm>>) dst(%arg8 : memref<128x128xf32, #tpu.memory_space<vmem>>)
      %add3A_81 = arith.constant 1 : i32
      %add3A_82 = arith.addi %mul3A_41, %add3A_81 : i32
      %dma_start3A_83 = arith.constant 0 : i32
      %dma_start3A_84 = tpu.memref_slice %arg6[%add3A_82, %dma_start3A_83] : memref<80x128xi32, #tpu.memory_space<vmem>> -> memref<1x128xi32, #tpu.memory_space<vmem>>
      %dma_start3A_85 = tpu.memref_squeeze %dma_start3A_84 : memref<1x128xi32, #tpu.memory_space<vmem>> -> memref<128xi32, #tpu.memory_space<vmem>>
      %dma_start3A_86 = arith.constant 0 : i32
      %dma_start3A_87 = arith.constant 0 : i32
      %dma_start3A_88 = tpu.memref_slice %arg13[%dma_start3A_86, %dma_start3A_87] : memref<10240x128xf32, #tpu.memory_space<vmem_shared>> -> memref<10240x128xf32, #tpu.memory_space<vmem_shared>>
      tpu.enqueue_indirect_dma source(%arg8 : memref<128x128xf32, #tpu.memory_space<vmem>>) target(%dma_start3A_88 : memref<10240x128xf32, #tpu.memory_space<vmem_shared>>) offsets(%dma_start3A_85 : memref<128xi32, #tpu.memory_space<vmem>>) semaphore(%arg12 : memref<!tpu.dma_semaphore, #tpu.memory_space<semaphore_mem>>) {add = true}
    }
    %scan3A_13 = arith.constant 40 : i32
    %dma_wait3A = arith.constant 78 : i32
    %dma_wait3A_14 = arith.constant 0 : i32
    %dma_wait3A_15 = tpu.memref_slice %arg6[%dma_wait3A, %dma_wait3A_14] : memref<80x128xi32, #tpu.memory_space<vmem>> -> memref<1x128xi32, #tpu.memory_space<vmem>>
    %dma_wait3A_16 = tpu.memref_squeeze %dma_wait3A_15 : memref<1x128xi32, #tpu.memory_space<vmem>> -> memref<128xi32, #tpu.memory_space<vmem>>
    %dma_wait3A_17 = arith.constant 0 : i32
    %dma_wait3A_18 = arith.constant 0 : i32
    %dma_wait3A_19 = tpu.memref_slice %arg13[%dma_wait3A_17, %dma_wait3A_18] : memref<10240x128xf32, #tpu.memory_space<vmem_shared>> -> memref<10240x128xf32, #tpu.memory_space<vmem_shared>>
    tpu.wait_indirect_dma semaphore(%arg11 : memref<!tpu.dma_semaphore, #tpu.memory_space<semaphore_mem>>) src(%arg7 : memref<128x128xf32, #tpu.memory_space<vmem>>) dst(%dma_wait3A_19 : memref<10240x128xf32, #tpu.memory_space<vmem_shared>>)
    %dma_wait3A_20 = arith.constant 79 : i32
    %dma_wait3A_21 = arith.constant 0 : i32
    %dma_wait3A_22 = tpu.memref_slice %arg6[%dma_wait3A_20, %dma_wait3A_21] : memref<80x128xi32, #tpu.memory_space<vmem>> -> memref<1x128xi32, #tpu.memory_space<vmem>>
    %dma_wait3A_23 = tpu.memref_squeeze %dma_wait3A_22 : memref<1x128xi32, #tpu.memory_space<vmem>> -> memref<128xi32, #tpu.memory_space<vmem>>
    %dma_wait3A_24 = arith.constant 0 : i32
    %dma_wait3A_25 = arith.constant 0 : i32
    %dma_wait3A_26 = tpu.memref_slice %arg13[%dma_wait3A_24, %dma_wait3A_25] : memref<10240x128xf32, #tpu.memory_space<vmem_shared>> -> memref<10240x128xf32, #tpu.memory_space<vmem_shared>>
    tpu.wait_indirect_dma semaphore(%arg12 : memref<!tpu.dma_semaphore, #tpu.memory_space<semaphore_mem>>) src(%arg8 : memref<128x128xf32, #tpu.memory_space<vmem>>) dst(%dma_wait3A_26 : memref<10240x128xf32, #tpu.memory_space<vmem_shared>>)
    %barrier3A_27 = arith.constant 0 : index
    tpu.barrier barrier_id(%barrier3A_27)
    %mul3A_28 = arith.constant 640 : i32
    %mul3A_29 = arith.muli %arg1, %mul3A_28 : i32
    %mul3A_30 = arith.constant 10240 : i32
    %mul3A_31 = arith.muli %arg0, %mul3A_30 : i32
    %mul3A_32 = arith.constant 640 : i32
    %mul3A_33 = arith.muli %arg1, %mul3A_32 : i32
    %add3A_34 = arith.addi %mul3A_31, %mul3A_33 : i32
    "tpu.region"() ({
      %run_scoped3A = tpu.sem_alloc : memref<!tpu.dma_semaphore, #tpu.memory_space<semaphore_mem>>
      %dma_start3A_35 = arith.constant 0 : i32
      %dma_start3A_36 = tpu.memref_slice %arg5[%add3A_34, %dma_start3A_35] : memref<20480x128xf32, #tpu.memory_space<hbm>> -> memref<640x128xf32, #tpu.memory_space<hbm>>
      %dma_start3A_37 = arith.constant 0 : i32
      %dma_start3A_38 = tpu.memref_slice %arg13[%mul3A_29, %dma_start3A_37] : memref<10240x128xf32, #tpu.memory_space<vmem_shared>> -> memref<640x128xf32, #tpu.memory_space<vmem_shared>>
      tpu.enqueue_dma source(%dma_start3A_38 : memref<640x128xf32, #tpu.memory_space<vmem_shared>>) target(%dma_start3A_36 : memref<640x128xf32, #tpu.memory_space<hbm>>) target_semaphore(%run_scoped3A : memref<!tpu.dma_semaphore, #tpu.memory_space<semaphore_mem>>)
      %dma_wait3A_39 = arith.constant 0 : i32
      %dma_wait3A_40 = tpu.memref_slice %arg5[%add3A_34, %dma_wait3A_39] : memref<20480x128xf32, #tpu.memory_space<hbm>> -> memref<640x128xf32, #tpu.memory_space<hbm>>
      %dma_wait3A_41 = arith.constant 0 : i32
      %dma_wait3A_42 = tpu.memref_slice %arg13[%mul3A_29, %dma_wait3A_41] : memref<10240x128xf32, #tpu.memory_space<vmem_shared>> -> memref<640x128xf32, #tpu.memory_space<vmem_shared>>
      tpu.wait_dma2 semaphore(%run_scoped3A : memref<!tpu.dma_semaphore, #tpu.memory_space<semaphore_mem>>) src(%dma_wait3A_42 : memref<640x128xf32, #tpu.memory_space<vmem_shared>>) dst(%dma_wait3A_40 : memref<640x128xf32, #tpu.memory_space<hbm>>)
      tpu.yield
    }) : () -> ()
    return
  }
}

#map = affine_map<(d0, d1) -> (0, 0)>
module attributes {stable_mosaic.version = 14 : i64} {
  func.func @body(%arg0: i32, %arg1: i32, %arg2: memref<20480x128xf32, #tpu.memory_space<hbm>>, %arg3: memref<20480x128xf32, #tpu.memory_space<hbm>>, %arg4: memref<32x10240xi32, #tpu.memory_space<hbm>>, %arg5: memref<32x10240xi32, #tpu.memory_space<hbm>>, %arg6: memref<327680x128xf32, #tpu.memory_space<hbm>>, %arg7: memref<327680x128xf32, #tpu.memory_space<hbm>>, %arg8: memref<10240xi32, #tpu.memory_space<vmem>>, %arg9: memref<128x128xf32, #tpu.memory_space<vmem>>, %arg10: memref<128x128xf32, #tpu.memory_space<vmem>>, %arg11: memref<!tpu.dma_semaphore, #tpu.memory_space<semaphore_mem>>, %arg12: memref<!tpu.dma_semaphore, #tpu.memory_space<semaphore_mem>>, %arg13: memref<!tpu.dma_semaphore, #tpu.memory_space<semaphore_mem>>, %arg14: memref<!tpu.dma_semaphore, #tpu.memory_space<semaphore_mem>>) attributes {dimension_semantics = [#tpu.dimension_semantics<core_parallel>, #tpu.dimension_semantics<subcore_parallel>], iteration_bounds = array<i64: 2, 16>, scalar_prefetch = 0 : i64, scratch_operands = 7 : i64, tpu.core_type = #tpu.core_type<sc_vector_subcore>, window_params = [{transform_indices = #map}, {transform_indices = #map}, {transform_indices = #map}, {transform_indices = #map}, {transform_indices = #map}, {transform_indices = #map}]} {
    %mul3A = arith.constant 10240 : i32
    %mul3A_0 = arith.muli %arg1, %mul3A : i32
    %mul3A_1 = arith.constant 16 : i32
    %mul3A_2 = arith.muli %arg0, %mul3A_1 : i32
    %add3A = arith.addi %mul3A_2, %arg1 : i32
    "tpu.region"() ({
      %run_scoped3A = tpu.sem_alloc : memref<!tpu.dma_semaphore, #tpu.memory_space<semaphore_mem>>
      %dma_start3A_61 = arith.constant 0 : i32
      %dma_start3A_62 = tpu.memref_slice %arg4[%add3A, %dma_start3A_61] : memref<32x10240xi32, #tpu.memory_space<hbm>> -> memref<1x10240xi32, #tpu.memory_space<hbm>>
      %dma_start3A_63 = tpu.memref_squeeze %dma_start3A_62 : memref<1x10240xi32, #tpu.memory_space<hbm>> -> memref<10240xi32, #tpu.memory_space<hbm>>
      %dma_start3A_64 = arith.constant 0 : i32
      %dma_start3A_65 = tpu.memref_slice %arg4[%add3A, %dma_start3A_64] : memref<32x10240xi32, #tpu.memory_space<hbm>> -> memref<1x10240xi32, #tpu.memory_space<hbm>>
      %dma_start3A_66 = tpu.memref_squeeze %dma_start3A_65 : memref<1x10240xi32, #tpu.memory_space<hbm>> -> memref<10240xi32, #tpu.memory_space<hbm>>
      tpu.enqueue_dma source(%dma_start3A_66 : memref<10240xi32, #tpu.memory_space<hbm>>) target(%arg8 : memref<10240xi32, #tpu.memory_space<vmem>>) target_semaphore(%run_scoped3A : memref<!tpu.dma_semaphore, #tpu.memory_space<semaphore_mem>>)
      %dma_wait3A_67 = arith.constant 0 : i32
      %dma_wait3A_68 = tpu.memref_slice %arg4[%add3A, %dma_wait3A_67] : memref<32x10240xi32, #tpu.memory_space<hbm>> -> memref<1x10240xi32, #tpu.memory_space<hbm>>
      %dma_wait3A_69 = tpu.memref_squeeze %dma_wait3A_68 : memref<1x10240xi32, #tpu.memory_space<hbm>> -> memref<10240xi32, #tpu.memory_space<hbm>>
      %dma_wait3A_70 = arith.constant 0 : i32
      %dma_wait3A_71 = tpu.memref_slice %arg4[%add3A, %dma_wait3A_70] : memref<32x10240xi32, #tpu.memory_space<hbm>> -> memref<1x10240xi32, #tpu.memory_space<hbm>>
      %dma_wait3A_72 = tpu.memref_squeeze %dma_wait3A_71 : memref<1x10240xi32, #tpu.memory_space<hbm>> -> memref<10240xi32, #tpu.memory_space<hbm>>
      tpu.wait_dma2 semaphore(%run_scoped3A : memref<!tpu.dma_semaphore, #tpu.memory_space<semaphore_mem>>) src(%dma_wait3A_72 : memref<10240xi32, #tpu.memory_space<hbm>>) dst(%arg8 : memref<10240xi32, #tpu.memory_space<vmem>>)
      tpu.yield
    }) : () -> ()
    %dma_start3A = arith.constant 0 : i32
    %dma_start3A_3 = tpu.memref_slice %arg8[%dma_start3A] : memref<10240xi32, #tpu.memory_space<vmem>> -> memref<128xi32, #tpu.memory_space<vmem>>
    %dma_start3A_4 = arith.constant 0 : i32
    %dma_start3A_5 = arith.constant 0 : i32
    %dma_start3A_6 = tpu.memref_slice %arg2[%dma_start3A_4, %dma_start3A_5] : memref<20480x128xf32, #tpu.memory_space<hbm>> -> memref<20480x128xf32, #tpu.memory_space<hbm>>
    tpu.enqueue_indirect_dma source(%dma_start3A_6 : memref<20480x128xf32, #tpu.memory_space<hbm>>) target(%arg9 : memref<128x128xf32, #tpu.memory_space<vmem>>) offsets(%dma_start3A_3 : memref<128xi32, #tpu.memory_space<vmem>>) semaphore(%arg11 : memref<!tpu.dma_semaphore, #tpu.memory_space<semaphore_mem>>)
    %scan3A = arith.constant 0 : i32
    %scan3A_7 = arith.constant 40 : i32
    %scan3A_8 = arith.addi %scan3A, %scan3A_7 : i32
    %scan3A_9 = arith.constant 1 : i32
    scf.for %scan3A_61 = %scan3A to %scan3A_8 step %scan3A_9  : i32 {
      %mul3A_62 = arith.constant 1 : i32
      %mul3A_63 = arith.muli %scan3A_61, %mul3A_62 : i32
      %add3A_64 = arith.constant 0 : i32
      %add3A_65 = arith.addi %add3A_64, %mul3A_63 : i32
      %mul3A_66 = arith.constant 2 : i32
      %mul3A_67 = arith.muli %add3A_65, %mul3A_66 : i32
      %ge3A = arith.constant 1 : i32
      %ge3A_68 = arith.cmpi sge, %mul3A_67, %ge3A : i32
      %convert_element_type3A = arith.extui %ge3A_68 : i1 to i32
      %cond3A = arith.constant 0 : i32
      %cond3A_69 = arith.cmpi ne, %convert_element_type3A, %cond3A : i32
      scf.if %cond3A_69 {
        %sub3A = arith.constant 1 : i32
        %sub3A_120 = arith.subi %mul3A_67, %sub3A : i32
        %mul3A_121 = arith.constant 163840 : i32
        %mul3A_122 = arith.muli %arg0, %mul3A_121 : i32
        %add3A_123 = arith.addi %mul3A_122, %mul3A_0 : i32
        %mul3A_124 = arith.constant 128 : i32
        %mul3A_125 = arith.muli %sub3A_120, %mul3A_124 : i32
        %add3A_126 = arith.addi %add3A_123, %mul3A_125 : i32
        %dma_wait3A_127 = arith.constant 0 : i32
        %dma_wait3A_128 = tpu.memref_slice %arg6[%add3A_126, %dma_wait3A_127] : memref<327680x128xf32, #tpu.memory_space<hbm>> -> memref<128x128xf32, #tpu.memory_space<hbm>>
        %dma_wait3A_129 = arith.constant 0 : i32
        %dma_wait3A_130 = tpu.memref_slice %arg6[%add3A_126, %dma_wait3A_129] : memref<327680x128xf32, #tpu.memory_space<hbm>> -> memref<128x128xf32, #tpu.memory_space<hbm>>
        tpu.wait_dma2 semaphore(%arg14 : memref<!tpu.dma_semaphore, #tpu.memory_space<semaphore_mem>>) src(%arg10 : memref<128x128xf32, #tpu.memory_space<vmem>>) dst(%dma_wait3A_130 : memref<128x128xf32, #tpu.memory_space<hbm>>)
      } else {
      }
      %add3A_70 = arith.constant 1 : i32
      %add3A_71 = arith.addi %mul3A_67, %add3A_70 : i32
      %mul3A_72 = arith.constant 128 : i32
      %mul3A_73 = arith.muli %add3A_71, %mul3A_72 : i32
      %dma_start3A_74 = tpu.memref_slice %arg8[%mul3A_73] : memref<10240xi32, #tpu.memory_space<vmem>> -> memref<128xi32, #tpu.memory_space<vmem>>
      %dma_start3A_75 = arith.constant 0 : i32
      %dma_start3A_76 = arith.constant 0 : i32
      %dma_start3A_77 = tpu.memref_slice %arg2[%dma_start3A_75, %dma_start3A_76] : memref<20480x128xf32, #tpu.memory_space<hbm>> -> memref<20480x128xf32, #tpu.memory_space<hbm>>
      tpu.enqueue_indirect_dma source(%dma_start3A_77 : memref<20480x128xf32, #tpu.memory_space<hbm>>) target(%arg10 : memref<128x128xf32, #tpu.memory_space<vmem>>) offsets(%dma_start3A_74 : memref<128xi32, #tpu.memory_space<vmem>>) semaphore(%arg12 : memref<!tpu.dma_semaphore, #tpu.memory_space<semaphore_mem>>)
      %mul3A_78 = arith.constant 128 : i32
      %mul3A_79 = arith.muli %mul3A_67, %mul3A_78 : i32
      %dma_wait3A_80 = tpu.memref_slice %arg8[%mul3A_79] : memref<10240xi32, #tpu.memory_space<vmem>> -> memref<128xi32, #tpu.memory_space<vmem>>
      %dma_wait3A_81 = arith.constant 0 : i32
      %dma_wait3A_82 = arith.constant 0 : i32
      %dma_wait3A_83 = tpu.memref_slice %arg2[%dma_wait3A_81, %dma_wait3A_82] : memref<20480x128xf32, #tpu.memory_space<hbm>> -> memref<20480x128xf32, #tpu.memory_space<hbm>>
      tpu.wait_indirect_dma semaphore(%arg11 : memref<!tpu.dma_semaphore, #tpu.memory_space<semaphore_mem>>) src(%dma_wait3A_83 : memref<20480x128xf32, #tpu.memory_space<hbm>>) dst(%arg9 : memref<128x128xf32, #tpu.memory_space<vmem>>)
      %mul3A_84 = arith.constant 163840 : i32
      %mul3A_85 = arith.muli %arg0, %mul3A_84 : i32
      %add3A_86 = arith.addi %mul3A_85, %mul3A_0 : i32
      %mul3A_87 = arith.constant 128 : i32
      %mul3A_88 = arith.muli %mul3A_67, %mul3A_87 : i32
      %add3A_89 = arith.addi %add3A_86, %mul3A_88 : i32
      %dma_start3A_90 = arith.constant 0 : i32
      %dma_start3A_91 = tpu.memref_slice %arg6[%add3A_89, %dma_start3A_90] : memref<327680x128xf32, #tpu.memory_space<hbm>> -> memref<128x128xf32, #tpu.memory_space<hbm>>
      %dma_start3A_92 = arith.constant 0 : i32
      %dma_start3A_93 = tpu.memref_slice %arg6[%add3A_89, %dma_start3A_92] : memref<327680x128xf32, #tpu.memory_space<hbm>> -> memref<128x128xf32, #tpu.memory_space<hbm>>
      tpu.enqueue_dma source(%arg9 : memref<128x128xf32, #tpu.memory_space<vmem>>) target(%dma_start3A_93 : memref<128x128xf32, #tpu.memory_space<hbm>>) target_semaphore(%arg13 : memref<!tpu.dma_semaphore, #tpu.memory_space<semaphore_mem>>)
      %add3A_94 = arith.constant 2 : i32
      %add3A_95 = arith.addi %mul3A_67, %add3A_94 : i32
      %lt3A = arith.constant 80 : i32
      %lt3A_96 = arith.cmpi slt, %add3A_95, %lt3A : i32
      %convert_element_type3A_97 = arith.extui %lt3A_96 : i1 to i32
      %cond3A_98 = arith.constant 0 : i32
      %cond3A_99 = arith.cmpi ne, %convert_element_type3A_97, %cond3A_98 : i32
      scf.if %cond3A_99 {
        %mul3A_120 = arith.constant 163840 : i32
        %mul3A_121 = arith.muli %arg0, %mul3A_120 : i32
        %add3A_122 = arith.addi %mul3A_121, %mul3A_0 : i32
        %mul3A_123 = arith.constant 128 : i32
        %mul3A_124 = arith.muli %mul3A_67, %mul3A_123 : i32
        %add3A_125 = arith.addi %add3A_122, %mul3A_124 : i32
        %dma_wait3A_126 = arith.constant 0 : i32
        %dma_wait3A_127 = tpu.memref_slice %arg6[%add3A_125, %dma_wait3A_126] : memref<327680x128xf32, #tpu.memory_space<hbm>> -> memref<128x128xf32, #tpu.memory_space<hbm>>
        %dma_wait3A_128 = arith.constant 0 : i32
        %dma_wait3A_129 = tpu.memref_slice %arg6[%add3A_125, %dma_wait3A_128] : memref<327680x128xf32, #tpu.memory_space<hbm>> -> memref<128x128xf32, #tpu.memory_space<hbm>>
        tpu.wait_dma2 semaphore(%arg13 : memref<!tpu.dma_semaphore, #tpu.memory_space<semaphore_mem>>) src(%arg9 : memref<128x128xf32, #tpu.memory_space<vmem>>) dst(%dma_wait3A_129 : memref<128x128xf32, #tpu.memory_space<hbm>>)
        %add3A_130 = arith.constant 2 : i32
        %add3A_131 = arith.addi %mul3A_67, %add3A_130 : i32
        %mul3A_132 = arith.constant 128 : i32
        %mul3A_133 = arith.muli %add3A_131, %mul3A_132 : i32
        %dma_start3A_134 = tpu.memref_slice %arg8[%mul3A_133] : memref<10240xi32, #tpu.memory_space<vmem>> -> memref<128xi32, #tpu.memory_space<vmem>>
        %dma_start3A_135 = arith.constant 0 : i32
        %dma_start3A_136 = arith.constant 0 : i32
        %dma_start3A_137 = tpu.memref_slice %arg2[%dma_start3A_135, %dma_start3A_136] : memref<20480x128xf32, #tpu.memory_space<hbm>> -> memref<20480x128xf32, #tpu.memory_space<hbm>>
        tpu.enqueue_indirect_dma source(%dma_start3A_137 : memref<20480x128xf32, #tpu.memory_space<hbm>>) target(%arg9 : memref<128x128xf32, #tpu.memory_space<vmem>>) offsets(%dma_start3A_134 : memref<128xi32, #tpu.memory_space<vmem>>) semaphore(%arg11 : memref<!tpu.dma_semaphore, #tpu.memory_space<semaphore_mem>>)
      } else {
      }
      %add3A_100 = arith.constant 1 : i32
      %add3A_101 = arith.addi %mul3A_67, %add3A_100 : i32
      %mul3A_102 = arith.constant 128 : i32
      %mul3A_103 = arith.muli %add3A_101, %mul3A_102 : i32
      %dma_wait3A_104 = tpu.memref_slice %arg8[%mul3A_103] : memref<10240xi32, #tpu.memory_space<vmem>> -> memref<128xi32, #tpu.memory_space<vmem>>
      %dma_wait3A_105 = arith.constant 0 : i32
      %dma_wait3A_106 = arith.constant 0 : i32
      %dma_wait3A_107 = tpu.memref_slice %arg2[%dma_wait3A_105, %dma_wait3A_106] : memref<20480x128xf32, #tpu.memory_space<hbm>> -> memref<20480x128xf32, #tpu.memory_space<hbm>>
      tpu.wait_indirect_dma semaphore(%arg12 : memref<!tpu.dma_semaphore, #tpu.memory_space<semaphore_mem>>) src(%dma_wait3A_107 : memref<20480x128xf32, #tpu.memory_space<hbm>>) dst(%arg10 : memref<128x128xf32, #tpu.memory_space<vmem>>)
      %add3A_108 = arith.constant 1 : i32
      %add3A_109 = arith.addi %mul3A_67, %add3A_108 : i32
      %mul3A_110 = arith.constant 163840 : i32
      %mul3A_111 = arith.muli %arg0, %mul3A_110 : i32
      %add3A_112 = arith.addi %mul3A_111, %mul3A_0 : i32
      %mul3A_113 = arith.constant 128 : i32
      %mul3A_114 = arith.muli %add3A_109, %mul3A_113 : i32
      %add3A_115 = arith.addi %add3A_112, %mul3A_114 : i32
      %dma_start3A_116 = arith.constant 0 : i32
      %dma_start3A_117 = tpu.memref_slice %arg6[%add3A_115, %dma_start3A_116] : memref<327680x128xf32, #tpu.memory_space<hbm>> -> memref<128x128xf32, #tpu.memory_space<hbm>>
      %dma_start3A_118 = arith.constant 0 : i32
      %dma_start3A_119 = tpu.memref_slice %arg6[%add3A_115, %dma_start3A_118] : memref<327680x128xf32, #tpu.memory_space<hbm>> -> memref<128x128xf32, #tpu.memory_space<hbm>>
      tpu.enqueue_dma source(%arg10 : memref<128x128xf32, #tpu.memory_space<vmem>>) target(%dma_start3A_119 : memref<128x128xf32, #tpu.memory_space<hbm>>) target_semaphore(%arg14 : memref<!tpu.dma_semaphore, #tpu.memory_space<semaphore_mem>>)
    }
    %scan3A_10 = arith.constant 40 : i32
    %mul3A_11 = arith.constant 163840 : i32
    %mul3A_12 = arith.muli %arg0, %mul3A_11 : i32
    %add3A_13 = arith.addi %mul3A_12, %mul3A_0 : i32
    %add3A_14 = arith.constant 9984 : i32
    %add3A_15 = arith.addi %add3A_13, %add3A_14 : i32
    %dma_wait3A = arith.constant 0 : i32
    %dma_wait3A_16 = tpu.memref_slice %arg6[%add3A_15, %dma_wait3A] : memref<327680x128xf32, #tpu.memory_space<hbm>> -> memref<128x128xf32, #tpu.memory_space<hbm>>
    %dma_wait3A_17 = arith.constant 0 : i32
    %dma_wait3A_18 = tpu.memref_slice %arg6[%add3A_15, %dma_wait3A_17] : memref<327680x128xf32, #tpu.memory_space<hbm>> -> memref<128x128xf32, #tpu.memory_space<hbm>>
    tpu.wait_dma2 semaphore(%arg13 : memref<!tpu.dma_semaphore, #tpu.memory_space<semaphore_mem>>) src(%arg9 : memref<128x128xf32, #tpu.memory_space<vmem>>) dst(%dma_wait3A_18 : memref<128x128xf32, #tpu.memory_space<hbm>>)
    %mul3A_19 = arith.constant 163840 : i32
    %mul3A_20 = arith.muli %arg0, %mul3A_19 : i32
    %add3A_21 = arith.addi %mul3A_20, %mul3A_0 : i32
    %add3A_22 = arith.constant 10112 : i32
    %add3A_23 = arith.addi %add3A_21, %add3A_22 : i32
    %dma_wait3A_24 = arith.constant 0 : i32
    %dma_wait3A_25 = tpu.memref_slice %arg6[%add3A_23, %dma_wait3A_24] : memref<327680x128xf32, #tpu.memory_space<hbm>> -> memref<128x128xf32, #tpu.memory_space<hbm>>
    %dma_wait3A_26 = arith.constant 0 : i32
    %dma_wait3A_27 = tpu.memref_slice %arg6[%add3A_23, %dma_wait3A_26] : memref<327680x128xf32, #tpu.memory_space<hbm>> -> memref<128x128xf32, #tpu.memory_space<hbm>>
    tpu.wait_dma2 semaphore(%arg14 : memref<!tpu.dma_semaphore, #tpu.memory_space<semaphore_mem>>) src(%arg10 : memref<128x128xf32, #tpu.memory_space<vmem>>) dst(%dma_wait3A_27 : memref<128x128xf32, #tpu.memory_space<hbm>>)
    %mul3A_28 = arith.constant 10240 : i32
    %mul3A_29 = arith.muli %arg1, %mul3A_28 : i32
    %mul3A_30 = arith.constant 16 : i32
    %mul3A_31 = arith.muli %arg0, %mul3A_30 : i32
    %add3A_32 = arith.addi %mul3A_31, %arg1 : i32
    "tpu.region"() ({
      %run_scoped3A = tpu.sem_alloc : memref<!tpu.dma_semaphore, #tpu.memory_space<semaphore_mem>>
      %dma_start3A_61 = arith.constant 0 : i32
      %dma_start3A_62 = tpu.memref_slice %arg5[%add3A_32, %dma_start3A_61] : memref<32x10240xi32, #tpu.memory_space<hbm>> -> memref<1x10240xi32, #tpu.memory_space<hbm>>
      %dma_start3A_63 = tpu.memref_squeeze %dma_start3A_62 : memref<1x10240xi32, #tpu.memory_space<hbm>> -> memref<10240xi32, #tpu.memory_space<hbm>>
      %dma_start3A_64 = arith.constant 0 : i32
      %dma_start3A_65 = tpu.memref_slice %arg5[%add3A_32, %dma_start3A_64] : memref<32x10240xi32, #tpu.memory_space<hbm>> -> memref<1x10240xi32, #tpu.memory_space<hbm>>
      %dma_start3A_66 = tpu.memref_squeeze %dma_start3A_65 : memref<1x10240xi32, #tpu.memory_space<hbm>> -> memref<10240xi32, #tpu.memory_space<hbm>>
      tpu.enqueue_dma source(%dma_start3A_66 : memref<10240xi32, #tpu.memory_space<hbm>>) target(%arg8 : memref<10240xi32, #tpu.memory_space<vmem>>) target_semaphore(%run_scoped3A : memref<!tpu.dma_semaphore, #tpu.memory_space<semaphore_mem>>)
      %dma_wait3A_67 = arith.constant 0 : i32
      %dma_wait3A_68 = tpu.memref_slice %arg5[%add3A_32, %dma_wait3A_67] : memref<32x10240xi32, #tpu.memory_space<hbm>> -> memref<1x10240xi32, #tpu.memory_space<hbm>>
      %dma_wait3A_69 = tpu.memref_squeeze %dma_wait3A_68 : memref<1x10240xi32, #tpu.memory_space<hbm>> -> memref<10240xi32, #tpu.memory_space<hbm>>
      %dma_wait3A_70 = arith.constant 0 : i32
      %dma_wait3A_71 = tpu.memref_slice %arg5[%add3A_32, %dma_wait3A_70] : memref<32x10240xi32, #tpu.memory_space<hbm>> -> memref<1x10240xi32, #tpu.memory_space<hbm>>
      %dma_wait3A_72 = tpu.memref_squeeze %dma_wait3A_71 : memref<1x10240xi32, #tpu.memory_space<hbm>> -> memref<10240xi32, #tpu.memory_space<hbm>>
      tpu.wait_dma2 semaphore(%run_scoped3A : memref<!tpu.dma_semaphore, #tpu.memory_space<semaphore_mem>>) src(%dma_wait3A_72 : memref<10240xi32, #tpu.memory_space<hbm>>) dst(%arg8 : memref<10240xi32, #tpu.memory_space<vmem>>)
      tpu.yield
    }) : () -> ()
    %dma_start3A_33 = arith.constant 0 : i32
    %dma_start3A_34 = tpu.memref_slice %arg8[%dma_start3A_33] : memref<10240xi32, #tpu.memory_space<vmem>> -> memref<128xi32, #tpu.memory_space<vmem>>
    %dma_start3A_35 = arith.constant 0 : i32
    %dma_start3A_36 = arith.constant 0 : i32
    %dma_start3A_37 = tpu.memref_slice %arg3[%dma_start3A_35, %dma_start3A_36] : memref<20480x128xf32, #tpu.memory_space<hbm>> -> memref<20480x128xf32, #tpu.memory_space<hbm>>
    tpu.enqueue_indirect_dma source(%dma_start3A_37 : memref<20480x128xf32, #tpu.memory_space<hbm>>) target(%arg9 : memref<128x128xf32, #tpu.memory_space<vmem>>) offsets(%dma_start3A_34 : memref<128xi32, #tpu.memory_space<vmem>>) semaphore(%arg11 : memref<!tpu.dma_semaphore, #tpu.memory_space<semaphore_mem>>)
    %scan3A_38 = arith.constant 0 : i32
    %scan3A_39 = arith.constant 40 : i32
    %scan3A_40 = arith.addi %scan3A_38, %scan3A_39 : i32
    %scan3A_41 = arith.constant 1 : i32
    scf.for %scan3A_61 = %scan3A_38 to %scan3A_40 step %scan3A_41  : i32 {
      %mul3A_62 = arith.constant 1 : i32
      %mul3A_63 = arith.muli %scan3A_61, %mul3A_62 : i32
      %add3A_64 = arith.constant 0 : i32
      %add3A_65 = arith.addi %add3A_64, %mul3A_63 : i32
      %mul3A_66 = arith.constant 2 : i32
      %mul3A_67 = arith.muli %add3A_65, %mul3A_66 : i32
      %ge3A = arith.constant 1 : i32
      %ge3A_68 = arith.cmpi sge, %mul3A_67, %ge3A : i32
      %convert_element_type3A = arith.extui %ge3A_68 : i1 to i32
      %cond3A = arith.constant 0 : i32
      %cond3A_69 = arith.cmpi ne, %convert_element_type3A, %cond3A : i32
      scf.if %cond3A_69 {
        %sub3A = arith.constant 1 : i32
        %sub3A_120 = arith.subi %mul3A_67, %sub3A : i32
        %mul3A_121 = arith.constant 163840 : i32
        %mul3A_122 = arith.muli %arg0, %mul3A_121 : i32
        %add3A_123 = arith.addi %mul3A_122, %mul3A_29 : i32
        %mul3A_124 = arith.constant 128 : i32
        %mul3A_125 = arith.muli %sub3A_120, %mul3A_124 : i32
        %add3A_126 = arith.addi %add3A_123, %mul3A_125 : i32
        %dma_wait3A_127 = arith.constant 0 : i32
        %dma_wait3A_128 = tpu.memref_slice %arg7[%add3A_126, %dma_wait3A_127] : memref<327680x128xf32, #tpu.memory_space<hbm>> -> memref<128x128xf32, #tpu.memory_space<hbm>>
        %dma_wait3A_129 = arith.constant 0 : i32
        %dma_wait3A_130 = tpu.memref_slice %arg7[%add3A_126, %dma_wait3A_129] : memref<327680x128xf32, #tpu.memory_space<hbm>> -> memref<128x128xf32, #tpu.memory_space<hbm>>
        tpu.wait_dma2 semaphore(%arg14 : memref<!tpu.dma_semaphore, #tpu.memory_space<semaphore_mem>>) src(%arg10 : memref<128x128xf32, #tpu.memory_space<vmem>>) dst(%dma_wait3A_130 : memref<128x128xf32, #tpu.memory_space<hbm>>)
      } else {
      }
      %add3A_70 = arith.constant 1 : i32
      %add3A_71 = arith.addi %mul3A_67, %add3A_70 : i32
      %mul3A_72 = arith.constant 128 : i32
      %mul3A_73 = arith.muli %add3A_71, %mul3A_72 : i32
      %dma_start3A_74 = tpu.memref_slice %arg8[%mul3A_73] : memref<10240xi32, #tpu.memory_space<vmem>> -> memref<128xi32, #tpu.memory_space<vmem>>
      %dma_start3A_75 = arith.constant 0 : i32
      %dma_start3A_76 = arith.constant 0 : i32
      %dma_start3A_77 = tpu.memref_slice %arg3[%dma_start3A_75, %dma_start3A_76] : memref<20480x128xf32, #tpu.memory_space<hbm>> -> memref<20480x128xf32, #tpu.memory_space<hbm>>
      tpu.enqueue_indirect_dma source(%dma_start3A_77 : memref<20480x128xf32, #tpu.memory_space<hbm>>) target(%arg10 : memref<128x128xf32, #tpu.memory_space<vmem>>) offsets(%dma_start3A_74 : memref<128xi32, #tpu.memory_space<vmem>>) semaphore(%arg12 : memref<!tpu.dma_semaphore, #tpu.memory_space<semaphore_mem>>)
      %mul3A_78 = arith.constant 128 : i32
      %mul3A_79 = arith.muli %mul3A_67, %mul3A_78 : i32
      %dma_wait3A_80 = tpu.memref_slice %arg8[%mul3A_79] : memref<10240xi32, #tpu.memory_space<vmem>> -> memref<128xi32, #tpu.memory_space<vmem>>
      %dma_wait3A_81 = arith.constant 0 : i32
      %dma_wait3A_82 = arith.constant 0 : i32
      %dma_wait3A_83 = tpu.memref_slice %arg3[%dma_wait3A_81, %dma_wait3A_82] : memref<20480x128xf32, #tpu.memory_space<hbm>> -> memref<20480x128xf32, #tpu.memory_space<hbm>>
      tpu.wait_indirect_dma semaphore(%arg11 : memref<!tpu.dma_semaphore, #tpu.memory_space<semaphore_mem>>) src(%dma_wait3A_83 : memref<20480x128xf32, #tpu.memory_space<hbm>>) dst(%arg9 : memref<128x128xf32, #tpu.memory_space<vmem>>)
      %mul3A_84 = arith.constant 163840 : i32
      %mul3A_85 = arith.muli %arg0, %mul3A_84 : i32
      %add3A_86 = arith.addi %mul3A_85, %mul3A_29 : i32
      %mul3A_87 = arith.constant 128 : i32
      %mul3A_88 = arith.muli %mul3A_67, %mul3A_87 : i32
      %add3A_89 = arith.addi %add3A_86, %mul3A_88 : i32
      %dma_start3A_90 = arith.constant 0 : i32
      %dma_start3A_91 = tpu.memref_slice %arg7[%add3A_89, %dma_start3A_90] : memref<327680x128xf32, #tpu.memory_space<hbm>> -> memref<128x128xf32, #tpu.memory_space<hbm>>
      %dma_start3A_92 = arith.constant 0 : i32
      %dma_start3A_93 = tpu.memref_slice %arg7[%add3A_89, %dma_start3A_92] : memref<327680x128xf32, #tpu.memory_space<hbm>> -> memref<128x128xf32, #tpu.memory_space<hbm>>
      tpu.enqueue_dma source(%arg9 : memref<128x128xf32, #tpu.memory_space<vmem>>) target(%dma_start3A_93 : memref<128x128xf32, #tpu.memory_space<hbm>>) target_semaphore(%arg13 : memref<!tpu.dma_semaphore, #tpu.memory_space<semaphore_mem>>)
      %add3A_94 = arith.constant 2 : i32
      %add3A_95 = arith.addi %mul3A_67, %add3A_94 : i32
      %lt3A = arith.constant 80 : i32
      %lt3A_96 = arith.cmpi slt, %add3A_95, %lt3A : i32
      %convert_element_type3A_97 = arith.extui %lt3A_96 : i1 to i32
      %cond3A_98 = arith.constant 0 : i32
      %cond3A_99 = arith.cmpi ne, %convert_element_type3A_97, %cond3A_98 : i32
      scf.if %cond3A_99 {
        %mul3A_120 = arith.constant 163840 : i32
        %mul3A_121 = arith.muli %arg0, %mul3A_120 : i32
        %add3A_122 = arith.addi %mul3A_121, %mul3A_29 : i32
        %mul3A_123 = arith.constant 128 : i32
        %mul3A_124 = arith.muli %mul3A_67, %mul3A_123 : i32
        %add3A_125 = arith.addi %add3A_122, %mul3A_124 : i32
        %dma_wait3A_126 = arith.constant 0 : i32
        %dma_wait3A_127 = tpu.memref_slice %arg7[%add3A_125, %dma_wait3A_126] : memref<327680x128xf32, #tpu.memory_space<hbm>> -> memref<128x128xf32, #tpu.memory_space<hbm>>
        %dma_wait3A_128 = arith.constant 0 : i32
        %dma_wait3A_129 = tpu.memref_slice %arg7[%add3A_125, %dma_wait3A_128] : memref<327680x128xf32, #tpu.memory_space<hbm>> -> memref<128x128xf32, #tpu.memory_space<hbm>>
        tpu.wait_dma2 semaphore(%arg13 : memref<!tpu.dma_semaphore, #tpu.memory_space<semaphore_mem>>) src(%arg9 : memref<128x128xf32, #tpu.memory_space<vmem>>) dst(%dma_wait3A_129 : memref<128x128xf32, #tpu.memory_space<hbm>>)
        %add3A_130 = arith.constant 2 : i32
        %add3A_131 = arith.addi %mul3A_67, %add3A_130 : i32
        %mul3A_132 = arith.constant 128 : i32
        %mul3A_133 = arith.muli %add3A_131, %mul3A_132 : i32
        %dma_start3A_134 = tpu.memref_slice %arg8[%mul3A_133] : memref<10240xi32, #tpu.memory_space<vmem>> -> memref<128xi32, #tpu.memory_space<vmem>>
        %dma_start3A_135 = arith.constant 0 : i32
        %dma_start3A_136 = arith.constant 0 : i32
        %dma_start3A_137 = tpu.memref_slice %arg3[%dma_start3A_135, %dma_start3A_136] : memref<20480x128xf32, #tpu.memory_space<hbm>> -> memref<20480x128xf32, #tpu.memory_space<hbm>>
        tpu.enqueue_indirect_dma source(%dma_start3A_137 : memref<20480x128xf32, #tpu.memory_space<hbm>>) target(%arg9 : memref<128x128xf32, #tpu.memory_space<vmem>>) offsets(%dma_start3A_134 : memref<128xi32, #tpu.memory_space<vmem>>) semaphore(%arg11 : memref<!tpu.dma_semaphore, #tpu.memory_space<semaphore_mem>>)
      } else {
      }
      %add3A_100 = arith.constant 1 : i32
      %add3A_101 = arith.addi %mul3A_67, %add3A_100 : i32
      %mul3A_102 = arith.constant 128 : i32
      %mul3A_103 = arith.muli %add3A_101, %mul3A_102 : i32
      %dma_wait3A_104 = tpu.memref_slice %arg8[%mul3A_103] : memref<10240xi32, #tpu.memory_space<vmem>> -> memref<128xi32, #tpu.memory_space<vmem>>
      %dma_wait3A_105 = arith.constant 0 : i32
      %dma_wait3A_106 = arith.constant 0 : i32
      %dma_wait3A_107 = tpu.memref_slice %arg3[%dma_wait3A_105, %dma_wait3A_106] : memref<20480x128xf32, #tpu.memory_space<hbm>> -> memref<20480x128xf32, #tpu.memory_space<hbm>>
      tpu.wait_indirect_dma semaphore(%arg12 : memref<!tpu.dma_semaphore, #tpu.memory_space<semaphore_mem>>) src(%dma_wait3A_107 : memref<20480x128xf32, #tpu.memory_space<hbm>>) dst(%arg10 : memref<128x128xf32, #tpu.memory_space<vmem>>)
      %add3A_108 = arith.constant 1 : i32
      %add3A_109 = arith.addi %mul3A_67, %add3A_108 : i32
      %mul3A_110 = arith.constant 163840 : i32
      %mul3A_111 = arith.muli %arg0, %mul3A_110 : i32
      %add3A_112 = arith.addi %mul3A_111, %mul3A_29 : i32
      %mul3A_113 = arith.constant 128 : i32
      %mul3A_114 = arith.muli %add3A_109, %mul3A_113 : i32
      %add3A_115 = arith.addi %add3A_112, %mul3A_114 : i32
      %dma_start3A_116 = arith.constant 0 : i32
      %dma_start3A_117 = tpu.memref_slice %arg7[%add3A_115, %dma_start3A_116] : memref<327680x128xf32, #tpu.memory_space<hbm>> -> memref<128x128xf32, #tpu.memory_space<hbm>>
      %dma_start3A_118 = arith.constant 0 : i32
      %dma_start3A_119 = tpu.memref_slice %arg7[%add3A_115, %dma_start3A_118] : memref<327680x128xf32, #tpu.memory_space<hbm>> -> memref<128x128xf32, #tpu.memory_space<hbm>>
      tpu.enqueue_dma source(%arg10 : memref<128x128xf32, #tpu.memory_space<vmem>>) target(%dma_start3A_119 : memref<128x128xf32, #tpu.memory_space<hbm>>) target_semaphore(%arg14 : memref<!tpu.dma_semaphore, #tpu.memory_space<semaphore_mem>>)
    }
    %scan3A_42 = arith.constant 40 : i32
    %mul3A_43 = arith.constant 163840 : i32
    %mul3A_44 = arith.muli %arg0, %mul3A_43 : i32
    %add3A_45 = arith.addi %mul3A_44, %mul3A_29 : i32
    %add3A_46 = arith.constant 9984 : i32
    %add3A_47 = arith.addi %add3A_45, %add3A_46 : i32
    %dma_wait3A_48 = arith.constant 0 : i32
    %dma_wait3A_49 = tpu.memref_slice %arg7[%add3A_47, %dma_wait3A_48] : memref<327680x128xf32, #tpu.memory_space<hbm>> -> memref<128x128xf32, #tpu.memory_space<hbm>>
    %dma_wait3A_50 = arith.constant 0 : i32
    %dma_wait3A_51 = tpu.memref_slice %arg7[%add3A_47, %dma_wait3A_50] : memref<327680x128xf32, #tpu.memory_space<hbm>> -> memref<128x128xf32, #tpu.memory_space<hbm>>
    tpu.wait_dma2 semaphore(%arg13 : memref<!tpu.dma_semaphore, #tpu.memory_space<semaphore_mem>>) src(%arg9 : memref<128x128xf32, #tpu.memory_space<vmem>>) dst(%dma_wait3A_51 : memref<128x128xf32, #tpu.memory_space<hbm>>)
    %mul3A_52 = arith.constant 163840 : i32
    %mul3A_53 = arith.muli %arg0, %mul3A_52 : i32
    %add3A_54 = arith.addi %mul3A_53, %mul3A_29 : i32
    %add3A_55 = arith.constant 10112 : i32
    %add3A_56 = arith.addi %add3A_54, %add3A_55 : i32
    %dma_wait3A_57 = arith.constant 0 : i32
    %dma_wait3A_58 = tpu.memref_slice %arg7[%add3A_56, %dma_wait3A_57] : memref<327680x128xf32, #tpu.memory_space<hbm>> -> memref<128x128xf32, #tpu.memory_space<hbm>>
    %dma_wait3A_59 = arith.constant 0 : i32
    %dma_wait3A_60 = tpu.memref_slice %arg7[%add3A_56, %dma_wait3A_59] : memref<327680x128xf32, #tpu.memory_space<hbm>> -> memref<128x128xf32, #tpu.memory_space<hbm>>
    tpu.wait_dma2 semaphore(%arg14 : memref<!tpu.dma_semaphore, #tpu.memory_space<semaphore_mem>>) src(%arg10 : memref<128x128xf32, #tpu.memory_space<vmem>>) dst(%dma_wait3A_60 : memref<128x128xf32, #tpu.memory_space<hbm>>)
    return
  }
}

</mosaic_0001>

<sc_bundles>
// kernel: kernel.12.cloned.1.call-start
scs
__scs_entry_jumppad:
0x0: {  	(pc) =	sbr.rel $0x88, $3  }
0x1: {  	(tag) =	ssettag $0x0;
	lr =	simm.s32 $0x1  }
0x2: {  	[smem:$0x3F8C] =	sst lr;
	_ =	strace $0xD0000000  }
0x3: {  	_ = 	snop  }
0x4: {  	_ = 	snop  }
0x5: {  	_ = 	snop  }
0x6: {  	_ = 	snop  }
0x7: {  	_ = 	snop  }
__scs_overlays_trampoline_lowered:
0x8: {  	[smem:$0x3F9B] =	sst s0  }
0x9: {  	[smem:$0x3F9C] =	sst s1  }
0xa: {  	[smem:$0x3F9D] =	sst s2  }
0xb: {  	[smem:$0x3F9E] =	sst s3  }
0xc: {  	[smem:$0x3F9F] =	sst s4  }
0xd: {  	[smem:$0x3FA0] =	sst s5  }
0xe: {  	[smem:$0x3FA1] =	sst s6  }
0xf: {  	[smem:$0x3FA2] =	sst s7  }
0x10: {  	[smem:$0x3FA3] =	sst s8  }
0x11: {  	[smem:$0x3FA4] =	sst s9;
	s0 =	simm.s32 @!p0 $0x0  }
0x12: {  	s1 =	sld [smem:$0x3F8A];
	s0 =	simm.s32 @p0 $0x1  }
0x13: {  	[smem:$0x3FA5] =	sst s0;
	s0 =	simm.s32 @!p1 $0x0  }
0x14: {  	s2 =	sld [smem:$0x3F89];
	s0 =	simm.s32 @p1 $0x1  }
0x15: {  	[smem:$0x3FA6] =	sst s0;
	s0 =	simm.s32 @!p2 $0x0  }
0x16: {  	s3 =	sld [smem:$0x3FDB];
	s0 =	simm.s32 @p2 $0x1  }
0x17: {  	s4 =	simm.s32 $0x1BF5;
	[smem:$0x3FA8] =	sst s0  }
0x18: {  	s0 =	sld [smem:$0x3F8B];
	_ =	swait.ge [sflag:s4], $0x0  }
0x19: {  	s7 =	sld [smem:$0x3F8C]  }
0x1a: {  	s8 =	sadd.s32 $0xFFFFE003, lr  }
0x1b: {  	s9 =	sadd.s32 $0xFFFFFEF7, lr;
	s5 =	simm.s32 $0xFFFFFFFF;
	p2 =	slt.u32 s8, $0xFFFFF086  }
0x1c: {  	p1 =	slt.u32 s9, $0xF7A;
	s5 =	simm.s32 @!p2 $0x0  }
0x1d: {  	s5 =	simm.s32 @p1 $0x1;
	p0 =	seq.s32 s7, s2  }
0x1e: {  	s7 =	smul.u32 @!p0 $0xF7A, s2;
	p2 =	seq.s32 @!p0 s5, $0x0  }
0x1f: {  	s9 =	smul.u32 $0xF7A, s1;
	s8 =	simm.s32 @!p0 $0x1BF5;
	p2 =	por !p2, p0  }
0x20: {  	[sflag:s8] =	ssyncset.s32 @!p0 $0xFFFFF086;
	s6 =	sadd.s32 @!p0 s3, s7;
	s7 =	simm.s32 @!p0 $0x108  }
0x21: {  	s3 =	sadd.s32 s3, s9;
	s6 =	sadd.s32 @!p0 $0x88, s6;
	s7 =	simm.s32 @p2 $0x1082  }
0x22: {  	[simem:s7], [sflag:s8] =	dma.local @!p0 [hbm:s6], $0xF7A  }
0x23: {  	s9 =	sor.u32 $0xD0000000, s2;
	s6 =	simm.s32 $0x108;
	_ =	swait.ge @!p0 [sflag:s8], $0x0  }
0x24: {  	s3 =	sadd.s32 $0x88, s3;
	s6 =	simm.s32 @!p1 $0x1082;
	[sflag:s4] =	ssyncset.s32 $0xFFFFF086  }
0x25: {  	[simem:s6], [sflag:s4] =	dma.local [hbm:s3], $0xF7A  }
0x26: {  	[smem:$0x3F8C] =	sst s1;
	(tag) =	ssettag s2;
	_ =	strace s9  }
0x27: {  	s1 =	sld [smem:$0x3F9C]  }
0x28: {  	s2 =	sld [smem:$0x3F9D]  }
0x29: {  	s4 =	sld [smem:$0x3F9F]  }
0x2a: {  	p0 =	seq.s32 s5, $0x0;
	s5 =	sld [smem:$0x3FA0]  }
0x2b: {  	s6 =	sld [smem:$0x3FA1]  }
0x2c: {  	s7 =	sld [smem:$0x3FA2]  }
0x2d: {  	s3 =	simm.s32 $0x108;
	s8 =	sld [smem:$0x3FA3]  }
0x2e: {  	s3 =	simm.s32 @!p0 $0x1082;
	s9 =	sld [smem:$0x3FA4]  }
0x2f: {  	lr =	sadd.s32 s0, s3;
	s0 =	sld [smem:$0x3F9B]  }
0x30: {  	s3 =	sld [smem:$0x3F9E]  }
0x31: {  	[smem:$0x3FA7] =	sst s10  }
0x32: {  	s10 =	sld [smem:$0x3FA5];
	_ =	sdelay $0x3  }
0x33: {  	p0 =	seq.s32 s10, $0x1;
	s10 =	sld [smem:$0x3FA7];
	_ =	sdelay $0x3  }
0x34: {  	[smem:$0x3FA7] =	sst s10  }
0x35: {  	s10 =	sld [smem:$0x3FA6];
	_ =	sdelay $0x3  }
0x36: {  	p1 =	seq.s32 s10, $0x1;
	s10 =	sld [smem:$0x3FA7];
	_ =	sdelay $0x3  }
0x37: {  	[smem:$0x3FA7] =	sst s10  }
0x38: {  	s10 =	sld [smem:$0x3FA8]  }
0x39: {  	_ = 	snop;
	(pc) =	sbr.ind lr, $3  }
0x3a: {  	_ = 	snop  }
0x3b: {  	_ = 	snop  }
0x3c: {  	p2 =	seq.s32 s10, $0x1;
	s10 =	sld [smem:$0x3FA7]  }
0x3d: {  	_ =	shalt  }
0x3e: {  	_ =	shalt  }
0x3f: {  	_ =	shalt  }
0x40: {  	_ =	shalt  }
0x41: {  	_ =	shalt  }
0x42: {  	_ =	shalt  }
0x43: {  	_ =	shalt  }
0x44: {  	_ =	shalt  }
0x45: {  	_ =	shalt  }
0x46: {  	_ =	shalt  }
0x47: {  	_ =	shalt  }
0x48: {  	_ =	shalt  }
0x49: {  	_ =	shalt  }
0x4a: {  	_ =	shalt  }
0x4b: {  	_ =	shalt  }
0x4c: {  	_ =	shalt  }
0x4d: {  	_ =	shalt  }
0x4e: {  	_ =	shalt  }
0x4f: {  	_ =	shalt  }
0x50: {  	_ =	shalt  }
0x51: {  	_ =	shalt  }
0x52: {  	_ =	shalt  }
0x53: {  	_ =	shalt  }
0x54: {  	_ =	shalt  }
0x55: {  	_ =	shalt  }
0x56: {  	_ =	shalt  }
0x57: {  	_ =	shalt  }
0x58: {  	_ =	shalt  }
0x59: {  	_ =	shalt  }
0x5a: {  	_ =	shalt  }
0x5b: {  	_ =	shalt  }
0x5c: {  	_ =	shalt  }
0x5d: {  	_ =	shalt  }
0x5e: {  	_ =	shalt  }
0x5f: {  	_ =	shalt  }
0x60: {  	_ =	shalt  }
0x61: {  	_ =	shalt  }
0x62: {  	_ =	shalt  }
0x63: {  	_ =	shalt  }
0x64: {  	_ =	shalt  }
0x65: {  	_ =	shalt  }
0x66: {  	_ =	shalt  }
0x67: {  	_ =	shalt  }
0x68: {  	_ =	shalt  }
0x69: {  	_ =	shalt  }
0x6a: {  	_ =	shalt  }
0x6b: {  	_ =	shalt  }
0x6c: {  	_ =	shalt  }
0x6d: {  	_ =	shalt  }
0x6e: {  	_ =	shalt  }
0x6f: {  	_ =	shalt  }
0x70: {  	_ =	shalt  }
0x71: {  	_ =	shalt  }
0x72: {  	_ =	shalt  }
0x73: {  	_ =	shalt  }
0x74: {  	_ =	shalt  }
0x75: {  	_ =	shalt  }
0x76: {  	_ =	shalt  }
0x77: {  	_ =	shalt  }
0x78: {  	_ =	shalt  }
0x79: {  	_ =	shalt  }
0x7a: {  	_ =	shalt  }
0x7b: {  	_ =	shalt  }
0x7c: {  	_ =	shalt  }
0x7d: {  	_ =	shalt  }
0x7e: {  	_ =	shalt  }
0x7f: {  	_ =	shalt  }
0x80: {  	_ =	shalt  }
0x81: {  	_ =	shalt  }
0x82: {  	_ =	shalt  }
0x83: {  	_ =	shalt  }
0x84: {  	_ =	shalt  }
0x85: {  	_ =	shalt  }
0x86: {  	_ =	shalt  }
0x87: {  	_ =	shalt  }
.Lfunc_end0:
.L_simem_size_0:
called_computation.1_lowered:
.L_overlay_start_0:
0x88: {  	s2 =	sld [smem:$0x3FD9]  }
0x89: {  	s3 =	sld [smem:$0x3FFE];
	_ =	sdelay $0x1  }
0x8a: {  	s1 =	srdreg.scid  }
0x8b: {  	s0 =	sand.u32 $0x1, s1  }
0x8c: {  	s17 =	sshll.u32 s0, $0xA;
	s2 =	sadd.s32 s3, s2  }
0x8d: {  	s2 =	sadd.s32 s2, s17  }
0x8e: {  	[smem:$0x3FB3] =	sst s2  }
0x8f: {  	_ = 	snop  }
0x90: {  	s2 =	sld [smem:$0x3FD0];
	(tm) =	ssettm $0x1  }
0x91: {  	s18 =	sld [smem:$0x3FFB];
	_ =	sdelay $0x3  }
0x92: {  	_ =	strace s18  }
0x93: {  	s3 =	sld [smem:$0x3FFC];
	_ =	sdelay $0x3  }
0x94: {  	_ =	strace s3  }
0x95: {  	s3 =	sld [smem:$0x3FFD];
	_ =	sdelay $0x3  }
0x96: {  	_ =	strace s3  }
0x97: {  	_ =	strace $0x8FFFFFFF  }
0x98: {  	s19 =	sld [smem:$0x3FDB];
	_ =	sdelay $0x1  }
0x99: {  	s4 =	simm.s32 $_scs_section_size  }
0x9a: {  	s5 =	simm.s32 $_size__tile_overlayer_lowered;
	s6 =	simm.s32 $_tile_overlayer_lowered  }
0x9b: {  	s22 =	simm.s32 $0x1BFF;
	s21 =	sshll.u32 s6, $0x1;
	s3 =	sadd.s32 s4, s19  }
0x9c: {  	s7 =	simm.s32 $0x0;
	s20 =	sshll.u32 s5, $0x1;
	s5 =	sadd.s32 s21, s3  }
0x9d: {  	[timem:s7], [sflag:s22] =	dma.local [hbm:s5], s20  }
0x9e: {  	_ =	swait.ge [sflag:s22], s20  }
0x9f: {  	s4 =	ssub.s32 $0x0, s20;
	[sflag:s22] =	ssyncset.done $0x0  }
0xa0: {  	[sflag:s22] =	ssyncadd.s32 s4;
	_ =	sdelay $0x1  }
0xa1: {  	s23 =	simm.s32 $0x1B8B  }
0xa2: {  	_ =	swait.ge [sflag:s23], $0x1  }
0xa3: {  	[sflag:s23] =	ssyncset.done $0x0  }
0xa4: {  	s25 =	simm.s32 $0x1B8E;
	s24 =	sld [smem:$0x3FFE];
	[sflag:s23] =	ssyncadd.s32 $0xFFFFFFFF  }
0xa5: {  	s26 =	simm.s32 $execute0_lowered;
	[smem:$0x3FD2] =	sst s25  }
0xa6: {  	s5 =	sshll.u32 s26, $0x1;
	_ =	strace $0x80000049;
	[dreg:$0x1] =	wrdreg $0xFFFFFFFF  }
0xa7: {  	s28 =	simm.s32 $_size_execute0_lowered;
	s3 =	sadd.s32 s3, s5;
	[dreg:$0x0] =	wrdreg $0x0  }
0xa8: {  	s5 =	sshll.u32 s28, $0x1;
	[dreg:$0x2] =	wrdreg s3  }
0xa9: {  	[dreg:$0x3] =	wrdreg s5  }
0xaa: {  	[dreg:$0x4] =	wrdreg $0xC0  }
0xab: {  	_ =	task [dreg:s7], $0x5FFFF  }
0xac: {  	[dreg:$0x1] =	wrdreg $0xFFFFFFFF  }
0xad: {  	[dreg:$0x0] =	wrdreg $0x60  }
0xae: {  	[dreg:$0x2] =	wrdreg s24  }
0xaf: {  	[dreg:$0x3] =	wrdreg s2  }
0xb0: {  	[dreg:$0x4] =	wrdreg $0xA8000  }
0xb1: {  	[dreg:$0x5] =	wrdreg $0x9  }
0xb2: {  	_ =	task.clear_ibuf [dreg:s7], $0x6FFFF;
	_ =	strace $0x90000049  }
0xb3: {  	s29 =	simm.s32 $0x9;
	_ =	strace $0x8000004B  }
0xb4: {  	_ =	swait.ge [sflag:s29], $0x1  }
0xb5: {  	[sflag:s29] =	ssyncadd.s32 $0xFFFFFFFF  }
0xb6: {  	_ =	strace $0x9000004B  }
0xb7: {  	_ =	sfence  }
0xb8: {  	s30 =	sld [smem:$0x0];
	_ =	sdelay $0x2  }
0xb9: {  	s31 =	sshll.u32 s1, $0xD;
	s1 =	sshrl.u32 s1, $0x2  }
0xba: {  	s3 =	sand.u32 $0x4000, s31;
	s1 =	sadd.s32 s1, s30  }
0xbb: {  	s0 =	sor.u32 s3, s0;
	s1 =	sshll.u32 s1, $0x11  }
0xbc: {  	s0 =	sor.u32 s1, s0  }
0xbd: {  	s0 =	sadd.s32 $0x8F2B, s0  }
0xbe: {  	[sflag:s0] =	ssyncadd.remote.s32 $0x1  }
0xbf: {  	_ =	sfence.sel $0xFFFF  }
0xc0: {  	[dreg:$0x0] =	wrdreg $0xFFFFFFFF;
	(pc) =	sbr.abs _section_cstart, $3  }
0xc1: {  	[dreg:$0x1] =	wrdreg $0xFFFFFFFF  }
0xc2: {  	_ =	task.clear_ibuf [dreg:s7], $0x2FFFF;
	_ =	strace $0x9FFFFFFF  }
0xc3: {  	(tm) =	ssettm $0x7FFFFFFF  }
tec
execute0_lowered:
.L_overlay_start_1:
0x0: {  	(tag) =	ssettag $0x1  }
0x1: {  	s5 =	rddreg [dreg:$0x0]  }
0x2: {  	s2 =	rddreg [dreg:$0x1]  }
0x3: {  	s3 =	rddreg [dreg:$0x2]  }
0x4: {  	s0 =	rddreg [dreg:$0x3]  }
0x5: {  	s1 =	stileid.u32;
	s4 =	simm.s32 $0x0;
	s7 =	srdreg.scid  }
0x6: {  	s16 =	simm.s32 $0x2800;
	s17 =	simm.s32 $0x6800;
	s18 =	simm.s32 $0x1  }
0x7: {  	s19 =	simm.s32 $0x80;
	s20 =	simm.s32 $0x3;
	s21 =	simm.s32 $0x2  }
0x8: {  	s22 =	simm.s32 $0x4;
	s23 =	simm.s32 $0x2700;
	s6 =	smul.u32 $0x2800, s1  }
0x9: {  	s24 =	simm.s32 $0x2780;
	s25 =	simm.s32 $0x0;
	s11 =	smul.u32 $0x50000, s1  }
0xa: {  	[smem:$0x7FF] =	sst s4;
	s8 =	sand.u32 $0x1, s7;
	s30 =	smul.u32 $0x28000, s1  }
0xb: {  	s12 =	sadd.s32 $0x72800, s5;
	s31 =	sshll.u32 s1, $0x6;
	s9 =	smul.u32 $0x28000, s8  }
0xc: {  	_ =	strace $0x8000004A;
	s10 =	ssub.s32 $0x2, s8;
	s14 =	smul.u32 $0x280000, s8  }
0xd: {  	s26 =	sshrl.u32 s6, $0x3;
	s28 =	sshrl.u32 s10, $0x1;
	s29 =	sshrl.u32 s11, $0x2  }
0xe: {  	s7 =	sadd.s32 s26, s5;
	s6 =	sadd.s32 s6, s9;
	s9 =	ssub.s32 s10, s28  }
0xf: {  	s15 =	sadd.s32 s29, s3;
	s13 =	sadd.s32 s6, s5;
	s6 =	sshll.u32 s6, $0x4  }
0x10: {  	s5 =	sadd.s32 $0x59800, s7;
	s9 =	smax.u32 s9, $0x1;
	s15 =	sshrl.u32 s15, $0x3  }
0x11: {  	s6 =	sadd.s32 s12, s6;
	s8 =	sadd.s32 $0x572800, s13;
	s12 =	sadd.s32 s14, s12  }
0x12: {  	s13 =	simm.s32 $0x5;
	s14 =	sor.u32 $0x1C05, s31;
	s7 =	sadd.s32 $0x1000, s6  }
0x13: {  	s10 =	sadd.s32 $0x800, s6;
	s11 =	sadd.s32 $0x27800, s6;
	s12 =	sadd.s32 s30, s12  }
.LBB2_1:
0x14: {  	[tilespmem:s4], [sflag:$0x5] =	stream.linear.gather [hbm4b:s5+s4], $0x2800, $0x38;
	[tilespmem:$0x1E800] =	vst v63  }
0x15: {  	_ =	swait.ge [sflag:s13], $0x2800  }
0x16: {  	[sflag:s13] =	ssyncset.done $0x0  }
0x17: {  	[sflag:s13] =	ssyncadd.s32 $0xFFFFD800  }
0x18: {  	[spmem:s15], [sflag:s14] =	dma.local [hbm:s2], $0x2800  }
0x19: {  	_ =	swait.ge [sflag:s13], $0x2800  }
0x1a: {  	[sflag:s13] =	ssyncset.done $0x0  }
0x1b: {  	[sflag:s13] =	ssyncadd.s32 $0xFFFFD800  }
0x1c: {  	[bflag:$0x0] =	sbarrier.arrive $0xFFFF  }
0x1d: {  	[tilespmem:s16], [sflag:$0x1] =	stream.linear.gather [hbm4b:s6+s4], $0x4000, $0x38;
	[tilespmem:$0x1E800] =	vst v63  }
0x1e: {  	_ = 	snop  }
0x1f: {  	[tilespmem:s17], [sflag:$0x2] =	stream.linear.gather [hbm4b:s10+s4], $0x4000, $0x38;
	[tilespmem:$0x1E800] =	vst v63  }
0x20: {  	_ =	swait.ge [sflag:s18], $0x4000  }
0x21: {  	[sflag:s18] =	ssyncset.done $0x0  }
0x22: {  	[sflag:s18] =	ssyncadd.s32 $0xFFFFC000  }
0x23: {  	[spmem:s3] =	stream.indirect.scatter.add.f32 [tilespmem:s16], [sflag:$0x3], $0x80, s4, s19, $0xb8;
	[tilespmem:$0x1E800] =	vst v63  }
0x24: {  	_ =	swait.ge [sflag:s20], $0x4000  }
0x25: {  	[sflag:s20] =	ssyncset.done $0x0  }
0x26: {  	[sflag:s20] =	ssyncadd.s32 $0xFFFFC000  }
0x27: {  	[tilespmem:s16], [sflag:$0x1] =	stream.linear.gather [hbm4b:s7+s4], $0x4000, $0x38;
	[tilespmem:$0x1E800] =	vst v63  }
0x28: {  	_ =	swait.ge [sflag:s21], $0x4000  }
0x29: {  	[sflag:s21] =	ssyncset.done $0x0  }
0x2a: {  	[sflag:s21] =	ssyncadd.s32 $0xFFFFC000  }
0x2b: {  	[spmem:s3] =	stream.indirect.scatter.add.f32 [tilespmem:s17], [sflag:$0x4], $0x80, s19, s19, $0xb8;
	[tilespmem:$0x1E800] =	vst v63  }
0x2c: {  	_ =	swait.ge [sflag:s22], $0x4000  }
0x2d: {  	s26 =	sadd.s32 $0x0, s12;
	[sflag:s22] =	ssyncset.done $0x0  }
0x2e: {  	s28 =	sadd.s32 $0x1800, s26;
	[sflag:s22] =	ssyncadd.s32 $0xFFFFC000  }
0x2f: {  	[tilespmem:s17], [sflag:$0x2] =	stream.linear.gather [hbm4b:s28+s4], $0x4000, $0x38;
	[tilespmem:$0x1E800] =	vst v63  }
0x30: {  	_ =	swait.ge [sflag:s18], $0x4000  }
0x31: {  	[sflag:s18] =	ssyncset.done $0x0  }
0x32: {  	s28 =	simm.s32 $0x100;
	[sflag:s18] =	ssyncadd.s32 $0xFFFFC000  }
0x33: {  	[spmem:s3] =	stream.indirect.scatter.add.f32 [tilespmem:s16], [sflag:$0x3], $0x80, s28, s19, $0xb8;
	[tilespmem:$0x1E800] =	vst v63  }
0x34: {  	_ =	swait.ge [sflag:s20], $0x4000  }
0x35: {  	[sflag:s20] =	ssyncset.done $0x0  }
0x36: {  	s26 =	sadd.s32 $0x2000, s26;
	[sflag:s20] =	ssyncadd.s32 $0xFFFFC000  }
0x37: {  	[tilespmem:s16], [sflag:$0x1] =	stream.linear.gather [hbm4b:s26+s4], $0x4000, $0x38;
	[tilespmem:$0x1E800] =	vst v63  }
0x38: {  	_ =	swait.ge [sflag:s21], $0x4000  }
0x39: {  	s29 =	simm.s32 $0x180;
	[sflag:s21] =	ssyncset.done $0x0  }
0x3a: {  	s28 =	simm.s32 $0x200;
	s26 =	simm.s32 $0x1000;
	[sflag:s21] =	ssyncadd.s32 $0xFFFFC000  }
.LBB2_2:
0x3b: {  	[spmem:s3] =	stream.indirect.scatter.add.f32 [tilespmem:s17], [sflag:$0x4], $0x80, s29, s19, $0xb8;
	[tilespmem:$0x1E800] =	vst v63  }
0x3c: {  	s29 =	smov.u32 s26  }
0x3d: {  	p0 =	sne.s32 s26, $0x25000;
	s26 =	sadd.s32 $0x1000, s26;
	_ =	swait.ge [sflag:s22], $0x4000  }
0x3e: {  	s29 =	sadd.s32 s29, s12;
	[sflag:s22] =	ssyncset.done $0x0  }
0x3f: {  	s30 =	sadd.s32 $0x1800, s29;
	[sflag:s22] =	ssyncadd.s32 $0xFFFFC000  }
0x40: {  	[tilespmem:s17], [sflag:$0x2] =	stream.linear.gather [hbm4b:s30+s4], $0x4000, $0x38;
	[tilespmem:$0x1E800] =	vst v63  }
0x41: {  	_ =	swait.ge [sflag:s18], $0x4000  }
0x42: {  	[sflag:s18] =	ssyncset.done $0x0  }
0x43: {  	[sflag:s18] =	ssyncadd.s32 $0xFFFFC000  }
0x44: {  	[spmem:s3] =	stream.indirect.scatter.add.f32 [tilespmem:s16], [sflag:$0x3], $0x80, s28, s19, $0xb8;
	[tilespmem:$0x1E800] =	vst v63  }
0x45: {  	_ =	swait.ge [sflag:s20], $0x4000  }
0x46: {  	[sflag:s20] =	ssyncset.done $0x0  }
.Ltmp0:
0x47: {  	s29 =	sadd.s32 $0x2000, s29;
	[sflag:s20] =	ssyncadd.s32 $0xFFFFC000;
	(pc) =	sbr.rel @p0 .LBB2_2-.Ltmp0, $4  }
0x48: {  	[tilespmem:s16], [sflag:$0x1] =	stream.linear.gather [hbm4b:s29+s4], $0x4000, $0x38;
	[tilespmem:$0x1E800] =	vst v63  }
0x49: {  	_ =	swait.ge [sflag:s21], $0x4000  }
0x4a: {  	[sflag:s21] =	ssyncset.done $0x0  }
0x4b: {  	s29 =	sadd.s32 $0x80, s28;
	s28 =	sadd.s32 $0x100, s28;
	[sflag:s21] =	ssyncadd.s32 $0xFFFFC000  }
0x4c: {  	[spmem:s3] =	stream.indirect.scatter.add.f32 [tilespmem:s17], [sflag:$0x4], $0x80, s29, s19, $0xb8;
	[tilespmem:$0x1E800] =	vst v63  }
0x4d: {  	_ =	swait.ge [sflag:s22], $0x4000  }
0x4e: {  	[sflag:s22] =	ssyncset.done $0x0  }
0x4f: {  	[sflag:s22] =	ssyncadd.s32 $0xFFFFC000  }
0x50: {  	[tilespmem:s17], [sflag:$0x2] =	stream.linear.gather [hbm4b:s11+s4], $0x4000, $0x38;
	[tilespmem:$0x1E800] =	vst v63  }
0x51: {  	_ =	swait.ge [sflag:s18], $0x4000  }
0x52: {  	[sflag:s18] =	ssyncset.done $0x0  }
0x53: {  	[sflag:s18] =	ssyncadd.s32 $0xFFFFC000  }
0x54: {  	[spmem:s3] =	stream.indirect.scatter.add.f32 [tilespmem:s16], [sflag:$0x3], $0x80, s23, s19, $0xb8;
	[tilespmem:$0x1E800] =	vst v63  }
0x55: {  	_ =	swait.ge [sflag:s21], $0x4000  }
0x56: {  	[sflag:s21] =	ssyncset.done $0x0  }
0x57: {  	[sflag:s21] =	ssyncadd.s32 $0xFFFFC000  }
0x58: {  	[spmem:s3] =	stream.indirect.scatter.add.f32 [tilespmem:s17], [sflag:$0x4], $0x80, s24, s19, $0xb8;
	[tilespmem:$0x1E800] =	vst v63  }
0x59: {  	_ =	swait.ge [sflag:s20], $0x4000  }
0x5a: {  	[sflag:s20] =	ssyncset.done $0x0  }
0x5b: {  	[sflag:s20] =	ssyncadd.s32 $0xFFFFC000  }
0x5c: {  	_ =	swait.ge [sflag:s22], $0x4000  }
0x5d: {  	s25 =	sadd.s32 $0x1, s25;
	[sflag:s22] =	ssyncset.done $0x0  }
0x5e: {  	p0 =	sne.s32 s25, s9;
	[sflag:s22] =	ssyncadd.s32 $0xFFFFC000  }
.Ltmp1:
0x5f: {  	[bflag:$0x0] =	sbarrier.arrive $0xFFFF;
	(pc) =	sbr.rel @p0 .LBB2_1-.Ltmp1, $4  }
0x60: {  	[hbm:s8], [sflag:s14] =	dma.local [spmem:s15], $0x2800  }
0x61: {  	_ =	swait.ge [sflag:s13], $0x2800  }
0x62: {  	[sflag:s13] =	ssyncset.done $0x0  }
0x63: {  	[sflag:s13] =	ssyncadd.s32 $0xFFFFD800  }
0x64: {  	_ =	sfence.sel $0x180000  }
0x65: {  	[bflag:$0x0] =	sbarrier.arrive $0xFFFF  }
0x66: {  	p0 =	sne.s32 s1, $0x0;
	_ =	strace $0x9000004A  }
0x67: {  	s0 =	sadd.s32 @!p0 $0x100000, s0;
	[bflag:$0x2] =	sbarrier.arrive $0xFFFF  }
0x68: {  	[sflag:s0] =	ssyncadd.tile.s32 @!p0 $0x1;
	_ =	shalt  }
.Lfunc_end2:
_tile_overlayer_lowered:
.L_overlay_start_2:
0x69: {  	(tag) =	ssettag $0x2  }
0x6a: {  	s0 =	rddreg [dreg:$0x0];
	s2 =	stileid.u32  }
0x6b: {  	s1 =	rddreg [dreg:$0x1];
	p0 =	sne.s32 s2, $0x0  }
0x6c: {  	s3 =	rddreg [dreg:$0x2];
	[bflag:$0x3] =	sbarrier.arrive $0xFFFF;
	s2 =	simm.s32 @!p0 $0x1C05  }
0x6d: {  	[timem:s3], [sflag:s2] =	dma.local @!p0 [hbm:s0], s1  }
0x6e: {  	s0 =	simm.s32 @!p0 $0x5  }
0x6f: {  	_ =	swait.ge @!p0 [sflag:s0], s1  }
0x70: {  	s1 =	ssub.s32 @!p0 $0x0, s1;
	[sflag:s0] =	ssyncset.done @!p0 $0x0  }
0x71: {  	[sflag:s0] =	ssyncadd.s32 @!p0 s1  }
0x72: {  	[bflag:$0x3] =	sbarrier.arrive $0xFFFF  }
0x73: {  	_ =	shalt  }

// kernel: kernel.15.cloned.1.call-start
scs
__scs_entry_jumppad:
0x0: {  	(pc) =	sbr.rel $0x88, $3  }
0x1: {  	(tag) =	ssettag $0x0;
	lr =	simm.s32 $0x1  }
0x2: {  	[smem:$0x3F8C] =	sst lr;
	_ =	strace $0xD0000000  }
0x3: {  	_ = 	snop  }
0x4: {  	_ = 	snop  }
0x5: {  	_ = 	snop  }
0x6: {  	_ = 	snop  }
0x7: {  	_ = 	snop  }
__scs_overlays_trampoline_lowered:
0x8: {  	[smem:$0x3F9B] =	sst s0  }
0x9: {  	[smem:$0x3F9C] =	sst s1  }
0xa: {  	[smem:$0x3F9D] =	sst s2  }
0xb: {  	[smem:$0x3F9E] =	sst s3  }
0xc: {  	[smem:$0x3F9F] =	sst s4  }
0xd: {  	[smem:$0x3FA0] =	sst s5  }
0xe: {  	[smem:$0x3FA1] =	sst s6  }
0xf: {  	[smem:$0x3FA2] =	sst s7  }
0x10: {  	[smem:$0x3FA3] =	sst s8  }
0x11: {  	[smem:$0x3FA4] =	sst s9;
	s0 =	simm.s32 @!p0 $0x0  }
0x12: {  	s1 =	sld [smem:$0x3F8A];
	s0 =	simm.s32 @p0 $0x1  }
0x13: {  	[smem:$0x3FA5] =	sst s0;
	s0 =	simm.s32 @!p1 $0x0  }
0x14: {  	s2 =	sld [smem:$0x3F89];
	s0 =	simm.s32 @p1 $0x1  }
0x15: {  	[smem:$0x3FA6] =	sst s0;
	s0 =	simm.s32 @!p2 $0x0  }
0x16: {  	s3 =	sld [smem:$0x3FDB];
	s0 =	simm.s32 @p2 $0x1  }
0x17: {  	s4 =	simm.s32 $0x1BF5;
	[smem:$0x3FA8] =	sst s0  }
0x18: {  	s0 =	sld [smem:$0x3F8B];
	_ =	swait.ge [sflag:s4], $0x0  }
0x19: {  	s7 =	sld [smem:$0x3F8C]  }
0x1a: {  	s8 =	sadd.s32 $0xFFFFE003, lr  }
0x1b: {  	s9 =	sadd.s32 $0xFFFFFEF7, lr;
	s5 =	simm.s32 $0xFFFFFFFF;
	p2 =	slt.u32 s8, $0xFFFFF086  }
0x1c: {  	p1 =	slt.u32 s9, $0xF7A;
	s5 =	simm.s32 @!p2 $0x0  }
0x1d: {  	s5 =	simm.s32 @p1 $0x1;
	p0 =	seq.s32 s7, s2  }
0x1e: {  	s7 =	smul.u32 @!p0 $0xF7A, s2;
	p2 =	seq.s32 @!p0 s5, $0x0  }
0x1f: {  	s9 =	smul.u32 $0xF7A, s1;
	s8 =	simm.s32 @!p0 $0x1BF5;
	p2 =	por !p2, p0  }
0x20: {  	[sflag:s8] =	ssyncset.s32 @!p0 $0xFFFFF086;
	s6 =	sadd.s32 @!p0 s3, s7;
	s7 =	simm.s32 @!p0 $0x108  }
0x21: {  	s3 =	sadd.s32 s3, s9;
	s6 =	sadd.s32 @!p0 $0x88, s6;
	s7 =	simm.s32 @p2 $0x1082  }
0x22: {  	[simem:s7], [sflag:s8] =	dma.local @!p0 [hbm:s6], $0xF7A  }
0x23: {  	s9 =	sor.u32 $0xD0000000, s2;
	s6 =	simm.s32 $0x108;
	_ =	swait.ge @!p0 [sflag:s8], $0x0  }
0x24: {  	s3 =	sadd.s32 $0x88, s3;
	s6 =	simm.s32 @!p1 $0x1082;
	[sflag:s4] =	ssyncset.s32 $0xFFFFF086  }
0x25: {  	[simem:s6], [sflag:s4] =	dma.local [hbm:s3], $0xF7A  }
0x26: {  	[smem:$0x3F8C] =	sst s1;
	(tag) =	ssettag s2;
	_ =	strace s9  }
0x27: {  	s1 =	sld [smem:$0x3F9C]  }
0x28: {  	s2 =	sld [smem:$0x3F9D]  }
0x29: {  	s4 =	sld [smem:$0x3F9F]  }
0x2a: {  	p0 =	seq.s32 s5, $0x0;
	s5 =	sld [smem:$0x3FA0]  }
0x2b: {  	s6 =	sld [smem:$0x3FA1]  }
0x2c: {  	s7 =	sld [smem:$0x3FA2]  }
0x2d: {  	s3 =	simm.s32 $0x108;
	s8 =	sld [smem:$0x3FA3]  }
0x2e: {  	s3 =	simm.s32 @!p0 $0x1082;
	s9 =	sld [smem:$0x3FA4]  }
0x2f: {  	lr =	sadd.s32 s0, s3;
	s0 =	sld [smem:$0x3F9B]  }
0x30: {  	s3 =	sld [smem:$0x3F9E]  }
0x31: {  	[smem:$0x3FA7] =	sst s10  }
0x32: {  	s10 =	sld [smem:$0x3FA5];
	_ =	sdelay $0x3  }
0x33: {  	p0 =	seq.s32 s10, $0x1;
	s10 =	sld [smem:$0x3FA7];
	_ =	sdelay $0x3  }
0x34: {  	[smem:$0x3FA7] =	sst s10  }
0x35: {  	s10 =	sld [smem:$0x3FA6];
	_ =	sdelay $0x3  }
0x36: {  	p1 =	seq.s32 s10, $0x1;
	s10 =	sld [smem:$0x3FA7];
	_ =	sdelay $0x3  }
0x37: {  	[smem:$0x3FA7] =	sst s10  }
0x38: {  	s10 =	sld [smem:$0x3FA8]  }
0x39: {  	_ = 	snop;
	(pc) =	sbr.ind lr, $3  }
0x3a: {  	_ = 	snop  }
0x3b: {  	_ = 	snop  }
0x3c: {  	p2 =	seq.s32 s10, $0x1;
	s10 =	sld [smem:$0x3FA7]  }
0x3d: {  	_ =	shalt  }
0x3e: {  	_ =	shalt  }
0x3f: {  	_ =	shalt  }
0x40: {  	_ =	shalt  }
0x41: {  	_ =	shalt  }
0x42: {  	_ =	shalt  }
0x43: {  	_ =	shalt  }
0x44: {  	_ =	shalt  }
0x45: {  	_ =	shalt  }
0x46: {  	_ =	shalt  }
0x47: {  	_ =	shalt  }
0x48: {  	_ =	shalt  }
0x49: {  	_ =	shalt  }
0x4a: {  	_ =	shalt  }
0x4b: {  	_ =	shalt  }
0x4c: {  	_ =	shalt  }
0x4d: {  	_ =	shalt  }
0x4e: {  	_ =	shalt  }
0x4f: {  	_ =	shalt  }
0x50: {  	_ =	shalt  }
0x51: {  	_ =	shalt  }
0x52: {  	_ =	shalt  }
0x53: {  	_ =	shalt  }
0x54: {  	_ =	shalt  }
0x55: {  	_ =	shalt  }
0x56: {  	_ =	shalt  }
0x57: {  	_ =	shalt  }
0x58: {  	_ =	shalt  }
0x59: {  	_ =	shalt  }
0x5a: {  	_ =	shalt  }
0x5b: {  	_ =	shalt  }
0x5c: {  	_ =	shalt  }
0x5d: {  	_ =	shalt  }
0x5e: {  	_ =	shalt  }
0x5f: {  	_ =	shalt  }
0x60: {  	_ =	shalt  }
0x61: {  	_ =	shalt  }
0x62: {  	_ =	shalt  }
0x63: {  	_ =	shalt  }
0x64: {  	_ =	shalt  }
0x65: {  	_ =	shalt  }
0x66: {  	_ =	shalt  }
0x67: {  	_ =	shalt  }
0x68: {  	_ =	shalt  }
0x69: {  	_ =	shalt  }
0x6a: {  	_ =	shalt  }
0x6b: {  	_ =	shalt  }
0x6c: {  	_ =	shalt  }
0x6d: {  	_ =	shalt  }
0x6e: {  	_ =	shalt  }
0x6f: {  	_ =	shalt  }
0x70: {  	_ =	shalt  }
0x71: {  	_ =	shalt  }
0x72: {  	_ =	shalt  }
0x73: {  	_ =	shalt  }
0x74: {  	_ =	shalt  }
0x75: {  	_ =	shalt  }
0x76: {  	_ =	shalt  }
0x77: {  	_ =	shalt  }
0x78: {  	_ =	shalt  }
0x79: {  	_ =	shalt  }
0x7a: {  	_ =	shalt  }
0x7b: {  	_ =	shalt  }
0x7c: {  	_ =	shalt  }
0x7d: {  	_ =	shalt  }
0x7e: {  	_ =	shalt  }
0x7f: {  	_ =	shalt  }
0x80: {  	_ =	shalt  }
0x81: {  	_ =	shalt  }
0x82: {  	_ =	shalt  }
0x83: {  	_ =	shalt  }
0x84: {  	_ =	shalt  }
0x85: {  	_ =	shalt  }
0x86: {  	_ =	shalt  }
0x87: {  	_ =	shalt  }
.Lfunc_end0:
.L_simem_size_0:
called_computation.2_lowered:
.L_overlay_start_0:
0x88: {  	s2 =	sld [smem:$0x3FD9]  }
0x89: {  	s3 =	sld [smem:$0x3FFE];
	_ =	sdelay $0x1  }
0x8a: {  	s1 =	srdreg.scid  }
0x8b: {  	s0 =	sand.u32 $0x1, s1  }
0x8c: {  	s16 =	sshll.u32 s0, $0xA;
	s2 =	sadd.s32 s3, s2  }
0x8d: {  	s2 =	sadd.s32 s2, s16  }
0x8e: {  	[smem:$0x3FB3] =	sst s2  }
0x8f: {  	_ = 	snop  }
0x90: {  	(tm) =	ssettm $0x1  }
0x91: {  	s17 =	sld [smem:$0x3FFB];
	_ =	sdelay $0x3  }
0x92: {  	_ =	strace s17  }
0x93: {  	s2 =	sld [smem:$0x3FFC];
	_ =	sdelay $0x3  }
0x94: {  	_ =	strace s2  }
0x95: {  	s2 =	sld [smem:$0x3FFD];
	_ =	sdelay $0x3  }
0x96: {  	_ =	strace s2  }
0x97: {  	_ =	strace $0x8FFFFFFF  }
0x98: {  	s18 =	sld [smem:$0x3FDB];
	_ =	sdelay $0x1  }
0x99: {  	s19 =	simm.s32 $_scs_section_size  }
0x9a: {  	s4 =	simm.s32 $_size__tile_overlayer_lowered;
	s5 =	simm.s32 $_tile_overlayer_lowered  }
0x9b: {  	s22 =	simm.s32 $0x1BFF;
	s21 =	sshll.u32 s5, $0x1;
	s2 =	sadd.s32 s19, s18  }
0x9c: {  	s6 =	simm.s32 $0x0;
	s20 =	sshll.u32 s4, $0x1;
	s4 =	sadd.s32 s21, s2  }
0x9d: {  	[timem:s6], [sflag:s22] =	dma.local [hbm:s4], s20  }
0x9e: {  	_ =	swait.ge [sflag:s22], s20  }
0x9f: {  	s3 =	ssub.s32 $0x0, s20;
	[sflag:s22] =	ssyncset.done $0x0  }
0xa0: {  	[sflag:s22] =	ssyncadd.s32 s3;
	_ =	sdelay $0x1  }
0xa1: {  	s23 =	simm.s32 $0x1B8B  }
0xa2: {  	_ =	swait.ge [sflag:s23], $0x1  }
0xa3: {  	[sflag:s23] =	ssyncset.done $0x0  }
0xa4: {  	s25 =	simm.s32 $0x1B8E;
	s24 =	sld [smem:$0x3FFE];
	[sflag:s23] =	ssyncadd.s32 $0xFFFFFFFF  }
0xa5: {  	s26 =	simm.s32 $execute0_lowered;
	[smem:$0x3FD2] =	sst s25  }
0xa6: {  	s4 =	sshll.u32 s26, $0x1;
	_ =	strace $0x8000004C;
	[dreg:$0x1] =	wrdreg $0xFFFFFFFF  }
0xa7: {  	s28 =	simm.s32 $_size_execute0_lowered;
	s2 =	sadd.s32 s2, s4;
	[dreg:$0x0] =	wrdreg $0x0  }
0xa8: {  	s4 =	sshll.u32 s28, $0x1;
	[dreg:$0x2] =	wrdreg s2  }
0xa9: {  	[dreg:$0x3] =	wrdreg s4  }
0xaa: {  	[dreg:$0x4] =	wrdreg $0xC0  }
0xab: {  	_ =	task [dreg:s6], $0x5FFFF  }
0xac: {  	[dreg:$0x1] =	wrdreg $0xFFFFFFFF  }
0xad: {  	[dreg:$0x0] =	wrdreg $0x60  }
0xae: {  	[dreg:$0x2] =	wrdreg s24  }
0xaf: {  	[dreg:$0x3] =	wrdreg $0x9  }
0xb0: {  	_ =	task.clear_ibuf [dreg:s6], $0x4FFFF;
	_ =	strace $0x9000004C  }
0xb1: {  	s29 =	simm.s32 $0x9;
	_ =	strace $0x8000004E  }
0xb2: {  	_ =	swait.ge [sflag:s29], $0x1  }
0xb3: {  	[sflag:s29] =	ssyncadd.s32 $0xFFFFFFFF  }
0xb4: {  	_ =	strace $0x9000004E  }
0xb5: {  	_ =	sfence  }
0xb6: {  	s30 =	sld [smem:$0x0];
	_ =	sdelay $0x2  }
0xb7: {  	s31 =	sshll.u32 s1, $0xD;
	s1 =	sshrl.u32 s1, $0x2  }
0xb8: {  	s3 =	sand.u32 $0x4000, s31;
	s1 =	sadd.s32 s1, s30  }
0xb9: {  	s0 =	sor.u32 s3, s0;
	s1 =	sshll.u32 s1, $0x11  }
0xba: {  	s0 =	sor.u32 s1, s0  }
0xbb: {  	s0 =	sadd.s32 $0x8F2B, s0  }
0xbc: {  	[sflag:s0] =	ssyncadd.remote.s32 $0x1  }
0xbd: {  	_ =	sfence.sel $0xFFFF  }
0xbe: {  	[dreg:$0x0] =	wrdreg $0xFFFFFFFF;
	(pc) =	sbr.abs _section_cstart, $3  }
0xbf: {  	[dreg:$0x1] =	wrdreg $0xFFFFFFFF  }
0xc0: {  	_ =	task.clear_ibuf [dreg:s6], $0x2FFFF;
	_ =	strace $0x9FFFFFFF  }
0xc1: {  	(tm) =	ssettm $0x7FFFFFFF  }
tec
execute0_lowered:
.L_overlay_start_1:
0x0: {  	(tag) =	ssettag $0x1  }
0x1: {  	s0 =	srdreg.scid;
	s5 =	rddreg [dreg:$0x0];
	s2 =	simm.s32 $0x0  }
0x2: {  	s12 =	simm.s32 $0x400;
	s13 =	simm.s32 $0x5;
	s14 =	simm.s32 $0x2800  }
0x3: {  	s15 =	simm.s32 $0x6800;
	s16 =	simm.s32 $0x1;
	s17 =	simm.s32 $0x3  }
0x4: {  	s18 =	simm.s32 $0x100;
	s19 =	simm.s32 $0x2;
	s20 =	simm.s32 $0x4  }
0x5: {  	s21 =	simm.s32 $0x2780;
	s4 =	sand.u32 $0x1, s0;
	s0 =	stileid.u32  }
0x6: {  	s22 =	simm.s32 $0x0;
	s1 =	sshll.u32 s4, $0x4;
	s26 =	smul.u32 $0x2800, s0  }
0x7: {  	[smem:$0x7FF] =	sst s2;
	s8 =	smul.u32 $0x28000, s4;
	s1 =	sor.u32 s0, s1  }
0x8: {  	s10 =	sadd.s32 $0xC2800, s5;
	s31 =	smul.u32 $0x280000, s4;
	s1 =	sshrl.u32 s1, $0x3  }
0x9: {  	s6 =	sshll.u32 s0, $0x7;
	s9 =	ssub.s32 $0x2, s4;
	s3 =	smul.u32 $0x14000, s1  }
0xa: {  	s11 =	smul.u32 $0x28000, s0;
	s6 =	sand.u32 $0x380, s6;
	s28 =	sshrl.u32 s9, $0x1  }
0xb: {  	s29 =	ssub.s32 s9, s28;
	s1 =	rddreg [dreg:$0x1];
	s3 =	sor.u32 s6, s3  }
0xc: {  	_ =	strace $0x8000004D;
	s6 =	sadd.s32 s26, s8;
	s7 =	sshrl.u32 s3, $0x3  }
0xd: {  	s3 =	sadd.s32 $0x72800, s5;
	s30 =	sshll.u32 s6, $0x4;
	s6 =	smax.u32 s29, $0x1  }
0xe: {  	s7 =	sadd.s32 s7, s5;
	s5 =	sadd.s32 s10, s30;
	s10 =	sadd.s32 s31, s10  }
0xf: {  	s4 =	sadd.s32 $0x68800, s7;
	s7 =	sadd.s32 $0x800, s5;
	s8 =	sadd.s32 $0x27000, s5  }
0x10: {  	s9 =	sadd.s32 $0x27800, s5;
	s10 =	sadd.s32 s11, s10;
	s11 =	simm.s32 $0x80  }
.LBB2_1:
0x11: {  	[tilespmem:s2], [sflag:$0x5] =	stream.strided.gather [hbm4b:s4+s11], $0x2800, s12, s11, $0x38;
	[tilespmem:$0xA800] =	vst v63  }
0x12: {  	_ =	swait.ge [sflag:s13], $0x2800  }
0x13: {  	[sflag:s13] =	ssyncset.done $0x0  }
0x14: {  	[sflag:s13] =	ssyncadd.s32 $0xFFFFD800  }
0x15: {  	[tilespmem:s14], [sflag:$0x1] =	stream.indirect.gather [hbm4b:s3+s11], $0x80, s2, s11, $0xb8;
	[tilespmem:$0xA800] =	vst v63  }
0x16: {  	_ = 	snop  }
0x17: {  	[tilespmem:s15], [sflag:$0x2] =	stream.indirect.gather [hbm4b:s3+s11], $0x80, s11, s11, $0xb8;
	[tilespmem:$0xA800] =	vst v63  }
0x18: {  	_ =	swait.ge [sflag:s16], $0x4000  }
0x19: {  	[sflag:s16] =	ssyncset.done $0x0  }
0x1a: {  	[sflag:s16] =	ssyncadd.s32 $0xFFFFC000  }
0x1b: {  	[hbm4b:s5+s2] =	stream.linear.scatter [tilespmem:s14], [sflag:$0x3], $0x4000, $0x38;
	[tilespmem:$0xA800] =	vst v63  }
0x1c: {  	_ =	swait.ge [sflag:s17], $0x4000  }
0x1d: {  	[sflag:s17] =	ssyncset.done $0x0  }
0x1e: {  	[sflag:s17] =	ssyncadd.s32 $0xFFFFC000  }
0x1f: {  	[tilespmem:s14], [sflag:$0x1] =	stream.indirect.gather [hbm4b:s3+s11], $0x80, s18, s11, $0xb8;
	[tilespmem:$0xA800] =	vst v63  }
0x20: {  	_ =	swait.ge [sflag:s19], $0x4000  }
0x21: {  	[sflag:s19] =	ssyncset.done $0x0  }
0x22: {  	[sflag:s19] =	ssyncadd.s32 $0xFFFFC000  }
0x23: {  	[hbm4b:s7+s2] =	stream.linear.scatter [tilespmem:s15], [sflag:$0x4], $0x4000, $0x38;
	[tilespmem:$0xA800] =	vst v63  }
0x24: {  	_ =	swait.ge [sflag:s20], $0x4000  }
0x25: {  	[sflag:s20] =	ssyncset.done $0x0  }
0x26: {  	s23 =	simm.s32 $0x180;
	[sflag:s20] =	ssyncadd.s32 $0xFFFFC000  }
0x27: {  	[tilespmem:s15], [sflag:$0x2] =	stream.indirect.gather [hbm4b:s3+s11], $0x80, s23, s11, $0xb8;
	[tilespmem:$0xA800] =	vst v63  }
0x28: {  	_ =	swait.ge [sflag:s16], $0x4000  }
0x29: {  	s24 =	sadd.s32 $0x0, s10;
	[sflag:s16] =	ssyncset.done $0x0  }
0x2a: {  	s30 =	sadd.s32 $0x1000, s24;
	[sflag:s16] =	ssyncadd.s32 $0xFFFFC000  }
0x2b: {  	[hbm4b:s30+s2] =	stream.linear.scatter [tilespmem:s14], [sflag:$0x3], $0x4000, $0x38;
	[tilespmem:$0xA800] =	vst v63  }
0x2c: {  	_ =	swait.ge [sflag:s17], $0x4000  }
0x2d: {  	[sflag:s17] =	ssyncset.done $0x0  }
0x2e: {  	s31 =	simm.s32 $0x200;
	[sflag:s17] =	ssyncadd.s32 $0xFFFFC000  }
0x2f: {  	[tilespmem:s14], [sflag:$0x1] =	stream.indirect.gather [hbm4b:s3+s11], $0x80, s31, s11, $0xb8;
	[tilespmem:$0xA800] =	vst v63  }
0x30: {  	_ =	swait.ge [sflag:s19], $0x4000  }
0x31: {  	s25 =	sadd.s32 $0x1800, s24;
	[sflag:s19] =	ssyncset.done $0x0  }
0x32: {  	s24 =	simm.s32 $0x280;
	s23 =	simm.s32 $0x1000;
	[sflag:s19] =	ssyncadd.s32 $0xFFFFC000  }
.LBB2_2:
0x33: {  	[hbm4b:s25+s2] =	stream.linear.scatter [tilespmem:s15], [sflag:$0x4], $0x4000, $0x38;
	[tilespmem:$0xA800] =	vst v63  }
0x34: {  	s25 =	smov.u32 s23  }
0x35: {  	p0 =	sne.s32 s23, $0x25000;
	s23 =	sadd.s32 $0x1000, s23;
	_ =	swait.ge [sflag:s20], $0x4000  }
0x36: {  	[sflag:s20] =	ssyncset.done $0x0  }
0x37: {  	[sflag:s20] =	ssyncadd.s32 $0xFFFFC000  }
0x38: {  	[tilespmem:s15], [sflag:$0x2] =	stream.indirect.gather [hbm4b:s3+s11], $0x80, s24, s11, $0xb8;
	[tilespmem:$0xA800] =	vst v63  }
0x39: {  	_ =	swait.ge [sflag:s16], $0x4000  }
0x3a: {  	s25 =	sadd.s32 s25, s10;
	[sflag:s16] =	ssyncset.done $0x0  }
0x3b: {  	s26 =	sadd.s32 $0x1000, s25;
	[sflag:s16] =	ssyncadd.s32 $0xFFFFC000  }
0x3c: {  	[hbm4b:s26+s2] =	stream.linear.scatter [tilespmem:s14], [sflag:$0x3], $0x4000, $0x38;
	[tilespmem:$0xA800] =	vst v63  }
0x3d: {  	_ =	swait.ge [sflag:s17], $0x4000  }
0x3e: {  	[sflag:s17] =	ssyncset.done $0x0  }
.Ltmp0:
0x3f: {  	s26 =	sadd.s32 $0x80, s24;
	[sflag:s17] =	ssyncadd.s32 $0xFFFFC000;
	(pc) =	sbr.rel @p0 .LBB2_2-.Ltmp0, $4  }
0x40: {  	[tilespmem:s14], [sflag:$0x1] =	stream.indirect.gather [hbm4b:s3+s11], $0x80, s26, s11, $0xb8;
	[tilespmem:$0xA800] =	vst v63  }
0x41: {  	_ =	swait.ge [sflag:s19], $0x4000  }
0x42: {  	[sflag:s19] =	ssyncset.done $0x0  }
0x43: {  	s25 =	sadd.s32 $0x1800, s25;
	s24 =	sadd.s32 $0x100, s24;
	[sflag:s19] =	ssyncadd.s32 $0xFFFFC000  }
0x44: {  	[hbm4b:s25+s2] =	stream.linear.scatter [tilespmem:s15], [sflag:$0x4], $0x4000, $0x38;
	[tilespmem:$0xA800] =	vst v63  }
0x45: {  	_ =	swait.ge [sflag:s20], $0x4000  }
0x46: {  	[sflag:s20] =	ssyncset.done $0x0  }
0x47: {  	[sflag:s20] =	ssyncadd.s32 $0xFFFFC000  }
0x48: {  	[tilespmem:s15], [sflag:$0x2] =	stream.indirect.gather [hbm4b:s3+s11], $0x80, s21, s11, $0xb8;
	[tilespmem:$0xA800] =	vst v63  }
0x49: {  	_ =	swait.ge [sflag:s16], $0x4000  }
0x4a: {  	[sflag:s16] =	ssyncset.done $0x0  }
0x4b: {  	[sflag:s16] =	ssyncadd.s32 $0xFFFFC000  }
0x4c: {  	[hbm4b:s8+s2] =	stream.linear.scatter [tilespmem:s14], [sflag:$0x3], $0x4000, $0x38;
	[tilespmem:$0xA800] =	vst v63  }
0x4d: {  	_ =	swait.ge [sflag:s19], $0x4000  }
0x4e: {  	[sflag:s19] =	ssyncset.done $0x0  }
0x4f: {  	s22 =	sadd.s32 $0x1, s22;
	[sflag:s19] =	ssyncadd.s32 $0xFFFFC000  }
0x50: {  	[hbm4b:s9+s2] =	stream.linear.scatter [tilespmem:s15], [sflag:$0x4], $0x4000, $0x38;
	[tilespmem:$0xA800] =	vst v63  }
0x51: {  	p0 =	sne.s32 s22, s6;
	_ =	swait.ge [sflag:s17], $0x4000  }
.Ltmp1:
0x52: {  	[sflag:s17] =	ssyncset.done $0x0;
	(pc) =	sbr.rel @p0 .LBB2_1-.Ltmp1, $4  }
0x53: {  	[sflag:s17] =	ssyncadd.s32 $0xFFFFC000  }
0x54: {  	_ =	swait.ge [sflag:s20], $0x4000  }
0x55: {  	[sflag:s20] =	ssyncset.done $0x0  }
0x56: {  	[sflag:s20] =	ssyncadd.s32 $0xFFFFC000  }
0x57: {  	_ =	sfence.sel $0x180000  }
0x58: {  	[bflag:$0x0] =	sbarrier.arrive $0xFFFF  }
0x59: {  	p0 =	sne.s32 s0, $0x0;
	_ =	strace $0x9000004D  }
0x5a: {  	s0 =	sadd.s32 @!p0 $0x100000, s1;
	[bflag:$0x2] =	sbarrier.arrive $0xFFFF  }
0x5b: {  	[sflag:s0] =	ssyncadd.tile.s32 @!p0 $0x1;
	_ =	shalt  }
.Lfunc_end2:
_tile_overlayer_lowered:
.L_overlay_start_2:
0x5c: {  	(tag) =	ssettag $0x2  }
0x5d: {  	s0 =	rddreg [dreg:$0x0];
	s2 =	stileid.u32  }
0x5e: {  	s1 =	rddreg [dreg:$0x1];
	p0 =	sne.s32 s2, $0x0  }
0x5f: {  	s3 =	rddreg [dreg:$0x2];
	[bflag:$0x3] =	sbarrier.arrive $0xFFFF;
	s2 =	simm.s32 @!p0 $0x1C05  }
0x60: {  	[timem:s3], [sflag:s2] =	dma.local @!p0 [hbm:s0], s1  }
0x61: {  	s0 =	simm.s32 @!p0 $0x5  }
0x62: {  	_ =	swait.ge @!p0 [sflag:s0], s1  }
0x63: {  	s1 =	ssub.s32 @!p0 $0x0, s1;
	[sflag:s0] =	ssyncset.done @!p0 $0x0  }
0x64: {  	[sflag:s0] =	ssyncadd.s32 @!p0 s1  }
0x65: {  	[bflag:$0x3] =	sbarrier.arrive $0xFFFF  }
0x66: {  	_ =	shalt  }

// kernel: kernel.18.cloned.1.call-start
scs
__scs_entry_jumppad:
0x0: {  	(pc) =	sbr.rel $0x88, $3  }
0x1: {  	(tag) =	ssettag $0x0;
	lr =	simm.s32 $0x1  }
0x2: {  	[smem:$0x3F8C] =	sst lr;
	_ =	strace $0xD0000000  }
0x3: {  	_ = 	snop  }
0x4: {  	_ = 	snop  }
0x5: {  	_ = 	snop  }
0x6: {  	_ = 	snop  }
0x7: {  	_ = 	snop  }
__scs_overlays_trampoline_lowered:
0x8: {  	[smem:$0x3F9B] =	sst s0  }
0x9: {  	[smem:$0x3F9C] =	sst s1  }
0xa: {  	[smem:$0x3F9D] =	sst s2  }
0xb: {  	[smem:$0x3F9E] =	sst s3  }
0xc: {  	[smem:$0x3F9F] =	sst s4  }
0xd: {  	[smem:$0x3FA0] =	sst s5  }
0xe: {  	[smem:$0x3FA1] =	sst s6  }
0xf: {  	[smem:$0x3FA2] =	sst s7  }
0x10: {  	[smem:$0x3FA3] =	sst s8  }
0x11: {  	[smem:$0x3FA4] =	sst s9;
	s0 =	simm.s32 @!p0 $0x0  }
0x12: {  	s1 =	sld [smem:$0x3F8A];
	s0 =	simm.s32 @p0 $0x1  }
0x13: {  	[smem:$0x3FA5] =	sst s0;
	s0 =	simm.s32 @!p1 $0x0  }
0x14: {  	s2 =	sld [smem:$0x3F89];
	s0 =	simm.s32 @p1 $0x1  }
0x15: {  	[smem:$0x3FA6] =	sst s0;
	s0 =	simm.s32 @!p2 $0x0  }
0x16: {  	s3 =	sld [smem:$0x3FDB];
	s0 =	simm.s32 @p2 $0x1  }
0x17: {  	s4 =	simm.s32 $0x1BF5;
	[smem:$0x3FA8] =	sst s0  }
0x18: {  	s0 =	sld [smem:$0x3F8B];
	_ =	swait.ge [sflag:s4], $0x0  }
0x19: {  	s7 =	sld [smem:$0x3F8C]  }
0x1a: {  	s8 =	sadd.s32 $0xFFFFE003, lr  }
0x1b: {  	s9 =	sadd.s32 $0xFFFFFEF7, lr;
	s5 =	simm.s32 $0xFFFFFFFF;
	p2 =	slt.u32 s8, $0xFFFFF086  }
0x1c: {  	p1 =	slt.u32 s9, $0xF7A;
	s5 =	simm.s32 @!p2 $0x0  }
0x1d: {  	s5 =	simm.s32 @p1 $0x1;
	p0 =	seq.s32 s7, s2  }
0x1e: {  	s7 =	smul.u32 @!p0 $0xF7A, s2;
	p2 =	seq.s32 @!p0 s5, $0x0  }
0x1f: {  	s9 =	smul.u32 $0xF7A, s1;
	s8 =	simm.s32 @!p0 $0x1BF5;
	p2 =	por !p2, p0  }
0x20: {  	[sflag:s8] =	ssyncset.s32 @!p0 $0xFFFFF086;
	s6 =	sadd.s32 @!p0 s3, s7;
	s7 =	simm.s32 @!p0 $0x108  }
0x21: {  	s3 =	sadd.s32 s3, s9;
	s6 =	sadd.s32 @!p0 $0x88, s6;
	s7 =	simm.s32 @p2 $0x1082  }
0x22: {  	[simem:s7], [sflag:s8] =	dma.local @!p0 [hbm:s6], $0xF7A  }
0x23: {  	s9 =	sor.u32 $0xD0000000, s2;
	s6 =	simm.s32 $0x108;
	_ =	swait.ge @!p0 [sflag:s8], $0x0  }
0x24: {  	s3 =	sadd.s32 $0x88, s3;
	s6 =	simm.s32 @!p1 $0x1082;
	[sflag:s4] =	ssyncset.s32 $0xFFFFF086  }
0x25: {  	[simem:s6], [sflag:s4] =	dma.local [hbm:s3], $0xF7A  }
0x26: {  	[smem:$0x3F8C] =	sst s1;
	(tag) =	ssettag s2;
	_ =	strace s9  }
0x27: {  	s1 =	sld [smem:$0x3F9C]  }
0x28: {  	s2 =	sld [smem:$0x3F9D]  }
0x29: {  	s4 =	sld [smem:$0x3F9F]  }
0x2a: {  	p0 =	seq.s32 s5, $0x0;
	s5 =	sld [smem:$0x3FA0]  }
0x2b: {  	s6 =	sld [smem:$0x3FA1]  }
0x2c: {  	s7 =	sld [smem:$0x3FA2]  }
0x2d: {  	s3 =	simm.s32 $0x108;
	s8 =	sld [smem:$0x3FA3]  }
0x2e: {  	s3 =	simm.s32 @!p0 $0x1082;
	s9 =	sld [smem:$0x3FA4]  }
0x2f: {  	lr =	sadd.s32 s0, s3;
	s0 =	sld [smem:$0x3F9B]  }
0x30: {  	s3 =	sld [smem:$0x3F9E]  }
0x31: {  	[smem:$0x3FA7] =	sst s10  }
0x32: {  	s10 =	sld [smem:$0x3FA5];
	_ =	sdelay $0x3  }
0x33: {  	p0 =	seq.s32 s10, $0x1;
	s10 =	sld [smem:$0x3FA7];
	_ =	sdelay $0x3  }
0x34: {  	[smem:$0x3FA7] =	sst s10  }
0x35: {  	s10 =	sld [smem:$0x3FA6];
	_ =	sdelay $0x3  }
0x36: {  	p1 =	seq.s32 s10, $0x1;
	s10 =	sld [smem:$0x3FA7];
	_ =	sdelay $0x3  }
0x37: {  	[smem:$0x3FA7] =	sst s10  }
0x38: {  	s10 =	sld [smem:$0x3FA8]  }
0x39: {  	_ = 	snop;
	(pc) =	sbr.ind lr, $3  }
0x3a: {  	_ = 	snop  }
0x3b: {  	_ = 	snop  }
0x3c: {  	p2 =	seq.s32 s10, $0x1;
	s10 =	sld [smem:$0x3FA7]  }
0x3d: {  	_ =	shalt  }
0x3e: {  	_ =	shalt  }
0x3f: {  	_ =	shalt  }
0x40: {  	_ =	shalt  }
0x41: {  	_ =	shalt  }
0x42: {  	_ =	shalt  }
0x43: {  	_ =	shalt  }
0x44: {  	_ =	shalt  }
0x45: {  	_ =	shalt  }
0x46: {  	_ =	shalt  }
0x47: {  	_ =	shalt  }
0x48: {  	_ =	shalt  }
0x49: {  	_ =	shalt  }
0x4a: {  	_ =	shalt  }
0x4b: {  	_ =	shalt  }
0x4c: {  	_ =	shalt  }
0x4d: {  	_ =	shalt  }
0x4e: {  	_ =	shalt  }
0x4f: {  	_ =	shalt  }
0x50: {  	_ =	shalt  }
0x51: {  	_ =	shalt  }
0x52: {  	_ =	shalt  }
0x53: {  	_ =	shalt  }
0x54: {  	_ =	shalt  }
0x55: {  	_ =	shalt  }
0x56: {  	_ =	shalt  }
0x57: {  	_ =	shalt  }
0x58: {  	_ =	shalt  }
0x59: {  	_ =	shalt  }
0x5a: {  	_ =	shalt  }
0x5b: {  	_ =	shalt  }
0x5c: {  	_ =	shalt  }
0x5d: {  	_ =	shalt  }
0x5e: {  	_ =	shalt  }
0x5f: {  	_ =	shalt  }
0x60: {  	_ =	shalt  }
0x61: {  	_ =	shalt  }
0x62: {  	_ =	shalt  }
0x63: {  	_ =	shalt  }
0x64: {  	_ =	shalt  }
0x65: {  	_ =	shalt  }
0x66: {  	_ =	shalt  }
0x67: {  	_ =	shalt  }
0x68: {  	_ =	shalt  }
0x69: {  	_ =	shalt  }
0x6a: {  	_ =	shalt  }
0x6b: {  	_ =	shalt  }
0x6c: {  	_ =	shalt  }
0x6d: {  	_ =	shalt  }
0x6e: {  	_ =	shalt  }
0x6f: {  	_ =	shalt  }
0x70: {  	_ =	shalt  }
0x71: {  	_ =	shalt  }
0x72: {  	_ =	shalt  }
0x73: {  	_ =	shalt  }
0x74: {  	_ =	shalt  }
0x75: {  	_ =	shalt  }
0x76: {  	_ =	shalt  }
0x77: {  	_ =	shalt  }
0x78: {  	_ =	shalt  }
0x79: {  	_ =	shalt  }
0x7a: {  	_ =	shalt  }
0x7b: {  	_ =	shalt  }
0x7c: {  	_ =	shalt  }
0x7d: {  	_ =	shalt  }
0x7e: {  	_ =	shalt  }
0x7f: {  	_ =	shalt  }
0x80: {  	_ =	shalt  }
0x81: {  	_ =	shalt  }
0x82: {  	_ =	shalt  }
0x83: {  	_ =	shalt  }
0x84: {  	_ =	shalt  }
0x85: {  	_ =	shalt  }
0x86: {  	_ =	shalt  }
0x87: {  	_ =	shalt  }
.Lfunc_end0:
.L_simem_size_0:
called_computation.3_lowered:
.L_overlay_start_0:
0x88: {  	s2 =	sld [smem:$0x3FD9]  }
0x89: {  	s3 =	sld [smem:$0x3FFE];
	_ =	sdelay $0x1  }
0x8a: {  	s1 =	srdreg.scid  }
0x8b: {  	s0 =	sand.u32 $0x1, s1  }
0x8c: {  	s17 =	sshll.u32 s0, $0xA;
	s2 =	sadd.s32 s3, s2  }
0x8d: {  	s2 =	sadd.s32 s2, s17  }
0x8e: {  	[smem:$0x3FB3] =	sst s2  }
0x8f: {  	_ = 	snop  }
0x90: {  	s2 =	sld [smem:$0x3FD0];
	(tm) =	ssettm $0x1  }
0x91: {  	s18 =	sld [smem:$0x3FFB];
	_ =	sdelay $0x3  }
0x92: {  	_ =	strace s18  }
0x93: {  	s3 =	sld [smem:$0x3FFC];
	_ =	sdelay $0x3  }
0x94: {  	_ =	strace s3  }
0x95: {  	s3 =	sld [smem:$0x3FFD];
	_ =	sdelay $0x3  }
0x96: {  	_ =	strace s3  }
0x97: {  	_ =	strace $0x8FFFFFFF  }
0x98: {  	s19 =	sld [smem:$0x3FDB];
	_ =	sdelay $0x1  }
0x99: {  	s4 =	simm.s32 $_scs_section_size  }
0x9a: {  	s5 =	simm.s32 $_size__tile_overlayer_lowered;
	s6 =	simm.s32 $_tile_overlayer_lowered  }
0x9b: {  	s22 =	simm.s32 $0x1BFF;
	s21 =	sshll.u32 s6, $0x1;
	s3 =	sadd.s32 s4, s19  }
0x9c: {  	s7 =	simm.s32 $0x0;
	s20 =	sshll.u32 s5, $0x1;
	s5 =	sadd.s32 s21, s3  }
0x9d: {  	[timem:s7], [sflag:s22] =	dma.local [hbm:s5], s20  }
0x9e: {  	_ =	swait.ge [sflag:s22], s20  }
0x9f: {  	s4 =	ssub.s32 $0x0, s20;
	[sflag:s22] =	ssyncset.done $0x0  }
0xa0: {  	[sflag:s22] =	ssyncadd.s32 s4;
	_ =	sdelay $0x1  }
0xa1: {  	s23 =	simm.s32 $0x1B8B  }
0xa2: {  	_ =	swait.ge [sflag:s23], $0x1  }
0xa3: {  	[sflag:s23] =	ssyncset.done $0x0  }
0xa4: {  	s25 =	simm.s32 $0x1B8E;
	s24 =	sld [smem:$0x3FFE];
	[sflag:s23] =	ssyncadd.s32 $0xFFFFFFFF  }
0xa5: {  	s26 =	simm.s32 $execute0_lowered;
	[smem:$0x3FD2] =	sst s25  }
0xa6: {  	s5 =	sshll.u32 s26, $0x1;
	_ =	strace $0x8000004F;
	[dreg:$0x1] =	wrdreg $0xFFFFFFFF  }
0xa7: {  	s28 =	simm.s32 $_size_execute0_lowered;
	s3 =	sadd.s32 s3, s5;
	[dreg:$0x0] =	wrdreg $0x0  }
0xa8: {  	s5 =	sshll.u32 s28, $0x1;
	[dreg:$0x2] =	wrdreg s3  }
0xa9: {  	[dreg:$0x3] =	wrdreg s5  }
0xaa: {  	[dreg:$0x4] =	wrdreg $0xC0  }
0xab: {  	_ =	task [dreg:s7], $0x5FFFF  }
0xac: {  	[dreg:$0x1] =	wrdreg $0xFFFFFFFF  }
0xad: {  	[dreg:$0x0] =	wrdreg $0x60  }
0xae: {  	[dreg:$0x2] =	wrdreg s24  }
0xaf: {  	[dreg:$0x3] =	wrdreg s2  }
0xb0: {  	[dreg:$0x4] =	wrdreg $0xA8000  }
0xb1: {  	[dreg:$0x5] =	wrdreg $0x9  }
0xb2: {  	_ =	task.clear_ibuf [dreg:s7], $0x6FFFF;
	_ =	strace $0x9000004F  }
0xb3: {  	s29 =	simm.s32 $0x9;
	_ =	strace $0x80000051  }
0xb4: {  	_ =	swait.ge [sflag:s29], $0x1  }
0xb5: {  	[sflag:s29] =	ssyncadd.s32 $0xFFFFFFFF  }
0xb6: {  	_ =	strace $0x90000051  }
0xb7: {  	_ =	sfence  }
0xb8: {  	s30 =	sld [smem:$0x0];
	_ =	sdelay $0x2  }
0xb9: {  	s31 =	sshll.u32 s1, $0xD;
	s1 =	sshrl.u32 s1, $0x2  }
0xba: {  	s3 =	sand.u32 $0x4000, s31;
	s1 =	sadd.s32 s1, s30  }
0xbb: {  	s0 =	sor.u32 s3, s0;
	s1 =	sshll.u32 s1, $0x11  }
0xbc: {  	s0 =	sor.u32 s1, s0  }
0xbd: {  	s0 =	sadd.s32 $0x8F2B, s0  }
0xbe: {  	[sflag:s0] =	ssyncadd.remote.s32 $0x1  }
0xbf: {  	_ =	sfence.sel $0xFFFF  }
0xc0: {  	[dreg:$0x0] =	wrdreg $0xFFFFFFFF;
	(pc) =	sbr.abs _section_cstart, $3  }
0xc1: {  	[dreg:$0x1] =	wrdreg $0xFFFFFFFF  }
0xc2: {  	_ =	task.clear_ibuf [dreg:s7], $0x2FFFF;
	_ =	strace $0x9FFFFFFF  }
0xc3: {  	(tm) =	ssettm $0x7FFFFFFF  }
tec
execute0_lowered:
.L_overlay_start_1:
0x0: {  	(tag) =	ssettag $0x1  }
0x1: {  	s5 =	rddreg [dreg:$0x0]  }
0x2: {  	s2 =	rddreg [dreg:$0x1]  }
0x3: {  	s3 =	rddreg [dreg:$0x2]  }
0x4: {  	s0 =	rddreg [dreg:$0x3]  }
0x5: {  	s1 =	stileid.u32;
	s4 =	simm.s32 $0x0;
	s7 =	srdreg.scid  }
0x6: {  	s16 =	simm.s32 $0x2800;
	s17 =	simm.s32 $0x6800;
	s18 =	simm.s32 $0x1  }
0x7: {  	s19 =	simm.s32 $0x80;
	s20 =	simm.s32 $0x3;
	s21 =	simm.s32 $0x2  }
0x8: {  	s22 =	simm.s32 $0x4;
	s23 =	simm.s32 $0x2700;
	s6 =	smul.u32 $0x2800, s1  }
0x9: {  	s24 =	simm.s32 $0x2780;
	s25 =	simm.s32 $0x0;
	s11 =	smul.u32 $0x50000, s1  }
0xa: {  	[smem:$0x7FF] =	sst s4;
	s8 =	sand.u32 $0x1, s7;
	s30 =	smul.u32 $0x28000, s1  }
0xb: {  	s12 =	sadd.s32 $0x72800, s5;
	s31 =	sshll.u32 s1, $0x6;
	s9 =	smul.u32 $0x28000, s8  }
0xc: {  	_ =	strace $0x80000050;
	s10 =	ssub.s32 $0x2, s8;
	s14 =	smul.u32 $0x280000, s8  }
0xd: {  	s26 =	sshrl.u32 s6, $0x3;
	s28 =	sshrl.u32 s10, $0x1;
	s29 =	sshrl.u32 s11, $0x2  }
0xe: {  	s7 =	sadd.s32 s26, s5;
	s6 =	sadd.s32 s6, s9;
	s9 =	ssub.s32 s10, s28  }
0xf: {  	s15 =	sadd.s32 s29, s3;
	s13 =	sadd.s32 s6, s5;
	s6 =	sshll.u32 s6, $0x4  }
0x10: {  	s5 =	sadd.s32 $0x59800, s7;
	s9 =	smax.u32 s9, $0x1;
	s15 =	sshrl.u32 s15, $0x3  }
0x11: {  	s6 =	sadd.s32 s12, s6;
	s8 =	sadd.s32 $0x572800, s13;
	s12 =	sadd.s32 s14, s12  }
0x12: {  	s13 =	simm.s32 $0x5;
	s14 =	sor.u32 $0x1C05, s31;
	s7 =	sadd.s32 $0x1000, s6  }
0x13: {  	s10 =	sadd.s32 $0x800, s6;
	s11 =	sadd.s32 $0x27800, s6;
	s12 =	sadd.s32 s30, s12  }
.LBB2_1:
0x14: {  	[tilespmem:s4], [sflag:$0x5] =	stream.linear.gather [hbm4b:s5+s4], $0x2800, $0x38;
	[tilespmem:$0x1E800] =	vst v63  }
0x15: {  	_ =	swait.ge [sflag:s13], $0x2800  }
0x16: {  	[sflag:s13] =	ssyncset.done $0x0  }
0x17: {  	[sflag:s13] =	ssyncadd.s32 $0xFFFFD800  }
0x18: {  	[spmem:s15], [sflag:s14] =	dma.local [hbm:s2], $0x2800  }
0x19: {  	_ =	swait.ge [sflag:s13], $0x2800  }
0x1a: {  	[sflag:s13] =	ssyncset.done $0x0  }
0x1b: {  	[sflag:s13] =	ssyncadd.s32 $0xFFFFD800  }
0x1c: {  	[bflag:$0x0] =	sbarrier.arrive $0xFFFF  }
0x1d: {  	[tilespmem:s16], [sflag:$0x1] =	stream.linear.gather [hbm4b:s6+s4], $0x4000, $0x38;
	[tilespmem:$0x1E800] =	vst v63  }
0x1e: {  	_ = 	snop  }
0x1f: {  	[tilespmem:s17], [sflag:$0x2] =	stream.linear.gather [hbm4b:s10+s4], $0x4000, $0x38;
	[tilespmem:$0x1E800] =	vst v63  }
0x20: {  	_ =	swait.ge [sflag:s18], $0x4000  }
0x21: {  	[sflag:s18] =	ssyncset.done $0x0  }
0x22: {  	[sflag:s18] =	ssyncadd.s32 $0xFFFFC000  }
0x23: {  	[spmem:s3] =	stream.indirect.scatter.add.f32 [tilespmem:s16], [sflag:$0x3], $0x80, s4, s19, $0xb8;
	[tilespmem:$0x1E800] =	vst v63  }
0x24: {  	_ =	swait.ge [sflag:s20], $0x4000  }
0x25: {  	[sflag:s20] =	ssyncset.done $0x0  }
0x26: {  	[sflag:s20] =	ssyncadd.s32 $0xFFFFC000  }
0x27: {  	[tilespmem:s16], [sflag:$0x1] =	stream.linear.gather [hbm4b:s7+s4], $0x4000, $0x38;
	[tilespmem:$0x1E800] =	vst v63  }
0x28: {  	_ =	swait.ge [sflag:s21], $0x4000  }
0x29: {  	[sflag:s21] =	ssyncset.done $0x0  }
0x2a: {  	[sflag:s21] =	ssyncadd.s32 $0xFFFFC000  }
0x2b: {  	[spmem:s3] =	stream.indirect.scatter.add.f32 [tilespmem:s17], [sflag:$0x4], $0x80, s19, s19, $0xb8;
	[tilespmem:$0x1E800] =	vst v63  }
0x2c: {  	_ =	swait.ge [sflag:s22], $0x4000  }
0x2d: {  	s26 =	sadd.s32 $0x0, s12;
	[sflag:s22] =	ssyncset.done $0x0  }
0x2e: {  	s28 =	sadd.s32 $0x1800, s26;
	[sflag:s22] =	ssyncadd.s32 $0xFFFFC000  }
0x2f: {  	[tilespmem:s17], [sflag:$0x2] =	stream.linear.gather [hbm4b:s28+s4], $0x4000, $0x38;
	[tilespmem:$0x1E800] =	vst v63  }
0x30: {  	_ =	swait.ge [sflag:s18], $0x4000  }
0x31: {  	[sflag:s18] =	ssyncset.done $0x0  }
0x32: {  	s28 =	simm.s32 $0x100;
	[sflag:s18] =	ssyncadd.s32 $0xFFFFC000  }
0x33: {  	[spmem:s3] =	stream.indirect.scatter.add.f32 [tilespmem:s16], [sflag:$0x3], $0x80, s28, s19, $0xb8;
	[tilespmem:$0x1E800] =	vst v63  }
0x34: {  	_ =	swait.ge [sflag:s20], $0x4000  }
0x35: {  	[sflag:s20] =	ssyncset.done $0x0  }
0x36: {  	s26 =	sadd.s32 $0x2000, s26;
	[sflag:s20] =	ssyncadd.s32 $0xFFFFC000  }
0x37: {  	[tilespmem:s16], [sflag:$0x1] =	stream.linear.gather [hbm4b:s26+s4], $0x4000, $0x38;
	[tilespmem:$0x1E800] =	vst v63  }
0x38: {  	_ =	swait.ge [sflag:s21], $0x4000  }
0x39: {  	s29 =	simm.s32 $0x180;
	[sflag:s21] =	ssyncset.done $0x0  }
0x3a: {  	s28 =	simm.s32 $0x200;
	s26 =	simm.s32 $0x1000;
	[sflag:s21] =	ssyncadd.s32 $0xFFFFC000  }
.LBB2_2:
0x3b: {  	[spmem:s3] =	stream.indirect.scatter.add.f32 [tilespmem:s17], [sflag:$0x4], $0x80, s29, s19, $0xb8;
	[tilespmem:$0x1E800] =	vst v63  }
0x3c: {  	s29 =	smov.u32 s26  }
0x3d: {  	p0 =	sne.s32 s26, $0x25000;
	s26 =	sadd.s32 $0x1000, s26;
	_ =	swait.ge [sflag:s22], $0x4000  }
0x3e: {  	s29 =	sadd.s32 s29, s12;
	[sflag:s22] =	ssyncset.done $0x0  }
0x3f: {  	s30 =	sadd.s32 $0x1800, s29;
	[sflag:s22] =	ssyncadd.s32 $0xFFFFC000  }
0x40: {  	[tilespmem:s17], [sflag:$0x2] =	stream.linear.gather [hbm4b:s30+s4], $0x4000, $0x38;
	[tilespmem:$0x1E800] =	vst v63  }
0x41: {  	_ =	swait.ge [sflag:s18], $0x4000  }
0x42: {  	[sflag:s18] =	ssyncset.done $0x0  }
0x43: {  	[sflag:s18] =	ssyncadd.s32 $0xFFFFC000  }
0x44: {  	[spmem:s3] =	stream.indirect.scatter.add.f32 [tilespmem:s16], [sflag:$0x3], $0x80, s28, s19, $0xb8;
	[tilespmem:$0x1E800] =	vst v63  }
0x45: {  	_ =	swait.ge [sflag:s20], $0x4000  }
0x46: {  	[sflag:s20] =	ssyncset.done $0x0  }
.Ltmp0:
0x47: {  	s29 =	sadd.s32 $0x2000, s29;
	[sflag:s20] =	ssyncadd.s32 $0xFFFFC000;
	(pc) =	sbr.rel @p0 .LBB2_2-.Ltmp0, $4  }
0x48: {  	[tilespmem:s16], [sflag:$0x1] =	stream.linear.gather [hbm4b:s29+s4], $0x4000, $0x38;
	[tilespmem:$0x1E800] =	vst v63  }
0x49: {  	_ =	swait.ge [sflag:s21], $0x4000  }
0x4a: {  	[sflag:s21] =	ssyncset.done $0x0  }
0x4b: {  	s29 =	sadd.s32 $0x80, s28;
	s28 =	sadd.s32 $0x100, s28;
	[sflag:s21] =	ssyncadd.s32 $0xFFFFC000  }
0x4c: {  	[spmem:s3] =	stream.indirect.scatter.add.f32 [tilespmem:s17], [sflag:$0x4], $0x80, s29, s19, $0xb8;
	[tilespmem:$0x1E800] =	vst v63  }
0x4d: {  	_ =	swait.ge [sflag:s22], $0x4000  }
0x4e: {  	[sflag:s22] =	ssyncset.done $0x0  }
0x4f: {  	[sflag:s22] =	ssyncadd.s32 $0xFFFFC000  }
0x50: {  	[tilespmem:s17], [sflag:$0x2] =	stream.linear.gather [hbm4b:s11+s4], $0x4000, $0x38;
	[tilespmem:$0x1E800] =	vst v63  }
0x51: {  	_ =	swait.ge [sflag:s18], $0x4000  }
0x52: {  	[sflag:s18] =	ssyncset.done $0x0  }
0x53: {  	[sflag:s18] =	ssyncadd.s32 $0xFFFFC000  }
0x54: {  	[spmem:s3] =	stream.indirect.scatter.add.f32 [tilespmem:s16], [sflag:$0x3], $0x80, s23, s19, $0xb8;
	[tilespmem:$0x1E800] =	vst v63  }
0x55: {  	_ =	swait.ge [sflag:s21], $0x4000  }
0x56: {  	[sflag:s21] =	ssyncset.done $0x0  }
0x57: {  	[sflag:s21] =	ssyncadd.s32 $0xFFFFC000  }
0x58: {  	[spmem:s3] =	stream.indirect.scatter.add.f32 [tilespmem:s17], [sflag:$0x4], $0x80, s24, s19, $0xb8;
	[tilespmem:$0x1E800] =	vst v63  }
0x59: {  	_ =	swait.ge [sflag:s20], $0x4000  }
0x5a: {  	[sflag:s20] =	ssyncset.done $0x0  }
0x5b: {  	[sflag:s20] =	ssyncadd.s32 $0xFFFFC000  }
0x5c: {  	_ =	swait.ge [sflag:s22], $0x4000  }
0x5d: {  	s25 =	sadd.s32 $0x1, s25;
	[sflag:s22] =	ssyncset.done $0x0  }
0x5e: {  	p0 =	sne.s32 s25, s9;
	[sflag:s22] =	ssyncadd.s32 $0xFFFFC000  }
.Ltmp1:
0x5f: {  	[bflag:$0x0] =	sbarrier.arrive $0xFFFF;
	(pc) =	sbr.rel @p0 .LBB2_1-.Ltmp1, $4  }
0x60: {  	[hbm:s8], [sflag:s14] =	dma.local [spmem:s15], $0x2800  }
0x61: {  	_ =	swait.ge [sflag:s13], $0x2800  }
0x62: {  	[sflag:s13] =	ssyncset.done $0x0  }
0x63: {  	[sflag:s13] =	ssyncadd.s32 $0xFFFFD800  }
0x64: {  	_ =	sfence.sel $0x180000  }
0x65: {  	[bflag:$0x0] =	sbarrier.arrive $0xFFFF  }
0x66: {  	p0 =	sne.s32 s1, $0x0;
	_ =	strace $0x90000050  }
0x67: {  	s0 =	sadd.s32 @!p0 $0x100000, s0;
	[bflag:$0x2] =	sbarrier.arrive $0xFFFF  }
0x68: {  	[sflag:s0] =	ssyncadd.tile.s32 @!p0 $0x1;
	_ =	shalt  }
.Lfunc_end2:
_tile_overlayer_lowered:
.L_overlay_start_2:
0x69: {  	(tag) =	ssettag $0x2  }
0x6a: {  	s0 =	rddreg [dreg:$0x0];
	s2 =	stileid.u32  }
0x6b: {  	s1 =	rddreg [dreg:$0x1];
	p0 =	sne.s32 s2, $0x0  }
0x6c: {  	s3 =	rddreg [dreg:$0x2];
	[bflag:$0x3] =	sbarrier.arrive $0xFFFF;
	s2 =	simm.s32 @!p0 $0x1C05  }
0x6d: {  	[timem:s3], [sflag:s2] =	dma.local @!p0 [hbm:s0], s1  }
0x6e: {  	s0 =	simm.s32 @!p0 $0x5  }
0x6f: {  	_ =	swait.ge @!p0 [sflag:s0], s1  }
0x70: {  	s1 =	ssub.s32 @!p0 $0x0, s1;
	[sflag:s0] =	ssyncset.done @!p0 $0x0  }
0x71: {  	[sflag:s0] =	ssyncadd.s32 @!p0 s1  }
0x72: {  	[bflag:$0x3] =	sbarrier.arrive $0xFFFF  }
0x73: {  	_ =	shalt  }

// kernel: kernel.21.cloned.1.call-start
scs
__scs_entry_jumppad:
0x0: {  	(pc) =	sbr.rel $0x88, $3  }
0x1: {  	(tag) =	ssettag $0x0;
	lr =	simm.s32 $0x1  }
0x2: {  	[smem:$0x3F8C] =	sst lr;
	_ =	strace $0xD0000000  }
0x3: {  	_ = 	snop  }
0x4: {  	_ = 	snop  }
0x5: {  	_ = 	snop  }
0x6: {  	_ = 	snop  }
0x7: {  	_ = 	snop  }
__scs_overlays_trampoline_lowered:
0x8: {  	[smem:$0x3F9B] =	sst s0  }
0x9: {  	[smem:$0x3F9C] =	sst s1  }
0xa: {  	[smem:$0x3F9D] =	sst s2  }
0xb: {  	[smem:$0x3F9E] =	sst s3  }
0xc: {  	[smem:$0x3F9F] =	sst s4  }
0xd: {  	[smem:$0x3FA0] =	sst s5  }
0xe: {  	[smem:$0x3FA1] =	sst s6  }
0xf: {  	[smem:$0x3FA2] =	sst s7  }
0x10: {  	[smem:$0x3FA3] =	sst s8  }
0x11: {  	[smem:$0x3FA4] =	sst s9;
	s0 =	simm.s32 @!p0 $0x0  }
0x12: {  	s1 =	sld [smem:$0x3F8A];
	s0 =	simm.s32 @p0 $0x1  }
0x13: {  	[smem:$0x3FA5] =	sst s0;
	s0 =	simm.s32 @!p1 $0x0  }
0x14: {  	s2 =	sld [smem:$0x3F89];
	s0 =	simm.s32 @p1 $0x1  }
0x15: {  	[smem:$0x3FA6] =	sst s0;
	s0 =	simm.s32 @!p2 $0x0  }
0x16: {  	s3 =	sld [smem:$0x3FDB];
	s0 =	simm.s32 @p2 $0x1  }
0x17: {  	s4 =	simm.s32 $0x1BF5;
	[smem:$0x3FA8] =	sst s0  }
0x18: {  	s0 =	sld [smem:$0x3F8B];
	_ =	swait.ge [sflag:s4], $0x0  }
0x19: {  	s7 =	sld [smem:$0x3F8C]  }
0x1a: {  	s8 =	sadd.s32 $0xFFFFE003, lr  }
0x1b: {  	s9 =	sadd.s32 $0xFFFFFEF7, lr;
	s5 =	simm.s32 $0xFFFFFFFF;
	p2 =	slt.u32 s8, $0xFFFFF086  }
0x1c: {  	p1 =	slt.u32 s9, $0xF7A;
	s5 =	simm.s32 @!p2 $0x0  }
0x1d: {  	s5 =	simm.s32 @p1 $0x1;
	p0 =	seq.s32 s7, s2  }
0x1e: {  	s7 =	smul.u32 @!p0 $0xF7A, s2;
	p2 =	seq.s32 @!p0 s5, $0x0  }
0x1f: {  	s9 =	smul.u32 $0xF7A, s1;
	s8 =	simm.s32 @!p0 $0x1BF5;
	p2 =	por !p2, p0  }
0x20: {  	[sflag:s8] =	ssyncset.s32 @!p0 $0xFFFFF086;
	s6 =	sadd.s32 @!p0 s3, s7;
	s7 =	simm.s32 @!p0 $0x108  }
0x21: {  	s3 =	sadd.s32 s3, s9;
	s6 =	sadd.s32 @!p0 $0x88, s6;
	s7 =	simm.s32 @p2 $0x1082  }
0x22: {  	[simem:s7], [sflag:s8] =	dma.local @!p0 [hbm:s6], $0xF7A  }
0x23: {  	s9 =	sor.u32 $0xD0000000, s2;
	s6 =	simm.s32 $0x108;
	_ =	swait.ge @!p0 [sflag:s8], $0x0  }
0x24: {  	s3 =	sadd.s32 $0x88, s3;
	s6 =	simm.s32 @!p1 $0x1082;
	[sflag:s4] =	ssyncset.s32 $0xFFFFF086  }
0x25: {  	[simem:s6], [sflag:s4] =	dma.local [hbm:s3], $0xF7A  }
0x26: {  	[smem:$0x3F8C] =	sst s1;
	(tag) =	ssettag s2;
	_ =	strace s9  }
0x27: {  	s1 =	sld [smem:$0x3F9C]  }
0x28: {  	s2 =	sld [smem:$0x3F9D]  }
0x29: {  	s4 =	sld [smem:$0x3F9F]  }
0x2a: {  	p0 =	seq.s32 s5, $0x0;
	s5 =	sld [smem:$0x3FA0]  }
0x2b: {  	s6 =	sld [smem:$0x3FA1]  }
0x2c: {  	s7 =	sld [smem:$0x3FA2]  }
0x2d: {  	s3 =	simm.s32 $0x108;
	s8 =	sld [smem:$0x3FA3]  }
0x2e: {  	s3 =	simm.s32 @!p0 $0x1082;
	s9 =	sld [smem:$0x3FA4]  }
0x2f: {  	lr =	sadd.s32 s0, s3;
	s0 =	sld [smem:$0x3F9B]  }
0x30: {  	s3 =	sld [smem:$0x3F9E]  }
0x31: {  	[smem:$0x3FA7] =	sst s10  }
0x32: {  	s10 =	sld [smem:$0x3FA5];
	_ =	sdelay $0x3  }
0x33: {  	p0 =	seq.s32 s10, $0x1;
	s10 =	sld [smem:$0x3FA7];
	_ =	sdelay $0x3  }
0x34: {  	[smem:$0x3FA7] =	sst s10  }
0x35: {  	s10 =	sld [smem:$0x3FA6];
	_ =	sdelay $0x3  }
0x36: {  	p1 =	seq.s32 s10, $0x1;
	s10 =	sld [smem:$0x3FA7];
	_ =	sdelay $0x3  }
0x37: {  	[smem:$0x3FA7] =	sst s10  }
0x38: {  	s10 =	sld [smem:$0x3FA8]  }
0x39: {  	_ = 	snop;
	(pc) =	sbr.ind lr, $3  }
0x3a: {  	_ = 	snop  }
0x3b: {  	_ = 	snop  }
0x3c: {  	p2 =	seq.s32 s10, $0x1;
	s10 =	sld [smem:$0x3FA7]  }
0x3d: {  	_ =	shalt  }
0x3e: {  	_ =	shalt  }
0x3f: {  	_ =	shalt  }
0x40: {  	_ =	shalt  }
0x41: {  	_ =	shalt  }
0x42: {  	_ =	shalt  }
0x43: {  	_ =	shalt  }
0x44: {  	_ =	shalt  }
0x45: {  	_ =	shalt  }
0x46: {  	_ =	shalt  }
0x47: {  	_ =	shalt  }
0x48: {  	_ =	shalt  }
0x49: {  	_ =	shalt  }
0x4a: {  	_ =	shalt  }
0x4b: {  	_ =	shalt  }
0x4c: {  	_ =	shalt  }
0x4d: {  	_ =	shalt  }
0x4e: {  	_ =	shalt  }
0x4f: {  	_ =	shalt  }
0x50: {  	_ =	shalt  }
0x51: {  	_ =	shalt  }
0x52: {  	_ =	shalt  }
0x53: {  	_ =	shalt  }
0x54: {  	_ =	shalt  }
0x55: {  	_ =	shalt  }
0x56: {  	_ =	shalt  }
0x57: {  	_ =	shalt  }
0x58: {  	_ =	shalt  }
0x59: {  	_ =	shalt  }
0x5a: {  	_ =	shalt  }
0x5b: {  	_ =	shalt  }
0x5c: {  	_ =	shalt  }
0x5d: {  	_ =	shalt  }
0x5e: {  	_ =	shalt  }
0x5f: {  	_ =	shalt  }
0x60: {  	_ =	shalt  }
0x61: {  	_ =	shalt  }
0x62: {  	_ =	shalt  }
0x63: {  	_ =	shalt  }
0x64: {  	_ =	shalt  }
0x65: {  	_ =	shalt  }
0x66: {  	_ =	shalt  }
0x67: {  	_ =	shalt  }
0x68: {  	_ =	shalt  }
0x69: {  	_ =	shalt  }
0x6a: {  	_ =	shalt  }
0x6b: {  	_ =	shalt  }
0x6c: {  	_ =	shalt  }
0x6d: {  	_ =	shalt  }
0x6e: {  	_ =	shalt  }
0x6f: {  	_ =	shalt  }
0x70: {  	_ =	shalt  }
0x71: {  	_ =	shalt  }
0x72: {  	_ =	shalt  }
0x73: {  	_ =	shalt  }
0x74: {  	_ =	shalt  }
0x75: {  	_ =	shalt  }
0x76: {  	_ =	shalt  }
0x77: {  	_ =	shalt  }
0x78: {  	_ =	shalt  }
0x79: {  	_ =	shalt  }
0x7a: {  	_ =	shalt  }
0x7b: {  	_ =	shalt  }
0x7c: {  	_ =	shalt  }
0x7d: {  	_ =	shalt  }
0x7e: {  	_ =	shalt  }
0x7f: {  	_ =	shalt  }
0x80: {  	_ =	shalt  }
0x81: {  	_ =	shalt  }
0x82: {  	_ =	shalt  }
0x83: {  	_ =	shalt  }
0x84: {  	_ =	shalt  }
0x85: {  	_ =	shalt  }
0x86: {  	_ =	shalt  }
0x87: {  	_ =	shalt  }
.Lfunc_end0:
.L_simem_size_0:
called_computation.4_lowered:
.L_overlay_start_0:
0x88: {  	s2 =	sld [smem:$0x3FD9]  }
0x89: {  	s3 =	sld [smem:$0x3FFE];
	_ =	sdelay $0x1  }
0x8a: {  	s1 =	srdreg.scid  }
0x8b: {  	s0 =	sand.u32 $0x1, s1  }
0x8c: {  	s16 =	sshll.u32 s0, $0xA;
	s2 =	sadd.s32 s3, s2  }
0x8d: {  	s2 =	sadd.s32 s2, s16  }
0x8e: {  	[smem:$0x3FB3] =	sst s2  }
0x8f: {  	_ = 	snop  }
0x90: {  	(tm) =	ssettm $0x1  }
0x91: {  	s17 =	sld [smem:$0x3FFB];
	_ =	sdelay $0x3  }
0x92: {  	_ =	strace s17  }
0x93: {  	s2 =	sld [smem:$0x3FFC];
	_ =	sdelay $0x3  }
0x94: {  	_ =	strace s2  }
0x95: {  	s2 =	sld [smem:$0x3FFD];
	_ =	sdelay $0x3  }
0x96: {  	_ =	strace s2  }
0x97: {  	_ =	strace $0x8FFFFFFF  }
0x98: {  	s18 =	sld [smem:$0x3FDB];
	_ =	sdelay $0x1  }
0x99: {  	s19 =	simm.s32 $_scs_section_size  }
0x9a: {  	s4 =	simm.s32 $_size__tile_overlayer_lowered;
	s5 =	simm.s32 $_tile_overlayer_lowered  }
0x9b: {  	s22 =	simm.s32 $0x1BFF;
	s21 =	sshll.u32 s5, $0x1;
	s2 =	sadd.s32 s19, s18  }
0x9c: {  	s6 =	simm.s32 $0x0;
	s20 =	sshll.u32 s4, $0x1;
	s4 =	sadd.s32 s21, s2  }
0x9d: {  	[timem:s6], [sflag:s22] =	dma.local [hbm:s4], s20  }
0x9e: {  	_ =	swait.ge [sflag:s22], s20  }
0x9f: {  	s3 =	ssub.s32 $0x0, s20;
	[sflag:s22] =	ssyncset.done $0x0  }
0xa0: {  	[sflag:s22] =	ssyncadd.s32 s3;
	_ =	sdelay $0x1  }
0xa1: {  	s23 =	simm.s32 $0x1B8B  }
0xa2: {  	_ =	swait.ge [sflag:s23], $0x1  }
0xa3: {  	[sflag:s23] =	ssyncset.done $0x0  }
0xa4: {  	s25 =	simm.s32 $0x1B8E;
	s24 =	sld [smem:$0x3FFE];
	[sflag:s23] =	ssyncadd.s32 $0xFFFFFFFF  }
0xa5: {  	s26 =	simm.s32 $execute0_lowered;
	[smem:$0x3FD2] =	sst s25  }
0xa6: {  	s4 =	sshll.u32 s26, $0x1;
	_ =	strace $0x80000052;
	[dreg:$0x1] =	wrdreg $0xFFFFFFFF  }
0xa7: {  	s28 =	simm.s32 $_size_execute0_lowered;
	s2 =	sadd.s32 s2, s4;
	[dreg:$0x0] =	wrdreg $0x0  }
0xa8: {  	s4 =	sshll.u32 s28, $0x1;
	[dreg:$0x2] =	wrdreg s2  }
0xa9: {  	[dreg:$0x3] =	wrdreg s4  }
0xaa: {  	[dreg:$0x4] =	wrdreg $0xC0  }
0xab: {  	_ =	task [dreg:s6], $0x5FFFF  }
0xac: {  	[dreg:$0x1] =	wrdreg $0xFFFFFFFF  }
0xad: {  	[dreg:$0x0] =	wrdreg $0x60  }
0xae: {  	[dreg:$0x2] =	wrdreg s24  }
0xaf: {  	[dreg:$0x3] =	wrdreg $0x9  }
0xb0: {  	_ =	task.clear_ibuf [dreg:s6], $0x4FFFF;
	_ =	strace $0x90000052  }
0xb1: {  	s29 =	simm.s32 $0x9;
	_ =	strace $0x80000054  }
0xb2: {  	_ =	swait.ge [sflag:s29], $0x1  }
0xb3: {  	[sflag:s29] =	ssyncadd.s32 $0xFFFFFFFF  }
0xb4: {  	_ =	strace $0x90000054  }
0xb5: {  	_ =	sfence  }
0xb6: {  	s30 =	sld [smem:$0x0];
	_ =	sdelay $0x2  }
0xb7: {  	s31 =	sshll.u32 s1, $0xD;
	s1 =	sshrl.u32 s1, $0x2  }
0xb8: {  	s3 =	sand.u32 $0x4000, s31;
	s1 =	sadd.s32 s1, s30  }
0xb9: {  	s0 =	sor.u32 s3, s0;
	s1 =	sshll.u32 s1, $0x11  }
0xba: {  	s0 =	sor.u32 s1, s0  }
0xbb: {  	s0 =	sadd.s32 $0x8F2B, s0  }
0xbc: {  	[sflag:s0] =	ssyncadd.remote.s32 $0x1  }
0xbd: {  	_ =	sfence.sel $0xFFFF  }
0xbe: {  	[dreg:$0x0] =	wrdreg $0xFFFFFFFF;
	(pc) =	sbr.abs _section_cstart, $3  }
0xbf: {  	[dreg:$0x1] =	wrdreg $0xFFFFFFFF  }
0xc0: {  	_ =	task.clear_ibuf [dreg:s6], $0x2FFFF;
	_ =	strace $0x9FFFFFFF  }
0xc1: {  	(tm) =	ssettm $0x7FFFFFFF  }
tec
execute0_lowered:
.L_overlay_start_1:
0x0: {  	(tag) =	ssettag $0x1  }
0x1: {  	s0 =	srdreg.scid;
	s5 =	rddreg [dreg:$0x0];
	s2 =	simm.s32 $0x0  }
0x2: {  	s12 =	simm.s32 $0x400;
	s13 =	simm.s32 $0x5;
	s14 =	simm.s32 $0x2800  }
0x3: {  	s15 =	simm.s32 $0x6800;
	s16 =	simm.s32 $0x1;
	s17 =	simm.s32 $0x3  }
0x4: {  	s18 =	simm.s32 $0x100;
	s19 =	simm.s32 $0x2;
	s20 =	simm.s32 $0x4  }
0x5: {  	s21 =	simm.s32 $0x2780;
	s4 =	sand.u32 $0x1, s0;
	s0 =	stileid.u32  }
0x6: {  	s22 =	simm.s32 $0x0;
	s1 =	sshll.u32 s4, $0x4;
	s26 =	smul.u32 $0x2800, s0  }
0x7: {  	[smem:$0x7FF] =	sst s2;
	s8 =	smul.u32 $0x28000, s4;
	s1 =	sor.u32 s0, s1  }
0x8: {  	s10 =	sadd.s32 $0xC2800, s5;
	s31 =	smul.u32 $0x280000, s4;
	s1 =	sshrl.u32 s1, $0x3  }
0x9: {  	s6 =	sshll.u32 s0, $0x7;
	s9 =	ssub.s32 $0x2, s4;
	s3 =	smul.u32 $0x14000, s1  }
0xa: {  	s11 =	smul.u32 $0x28000, s0;
	s6 =	sand.u32 $0x380, s6;
	s28 =	sshrl.u32 s9, $0x1  }
0xb: {  	s29 =	ssub.s32 s9, s28;
	s1 =	rddreg [dreg:$0x1];
	s3 =	sor.u32 s6, s3  }
0xc: {  	_ =	strace $0x80000053;
	s6 =	sadd.s32 s26, s8;
	s7 =	sshrl.u32 s3, $0x3  }
0xd: {  	s3 =	sadd.s32 $0x72800, s5;
	s30 =	sshll.u32 s6, $0x4;
	s6 =	smax.u32 s29, $0x1  }
0xe: {  	s7 =	sadd.s32 s7, s5;
	s5 =	sadd.s32 s10, s30;
	s10 =	sadd.s32 s31, s10  }
0xf: {  	s4 =	sadd.s32 $0x68800, s7;
	s7 =	sadd.s32 $0x800, s5;
	s8 =	sadd.s32 $0x27000, s5  }
0x10: {  	s9 =	sadd.s32 $0x27800, s5;
	s10 =	sadd.s32 s11, s10;
	s11 =	simm.s32 $0x80  }
.LBB2_1:
0x11: {  	[tilespmem:s2], [sflag:$0x5] =	stream.strided.gather [hbm4b:s4+s11], $0x2800, s12, s11, $0x38;
	[tilespmem:$0xA800] =	vst v63  }
0x12: {  	_ =	swait.ge [sflag:s13], $0x2800  }
0x13: {  	[sflag:s13] =	ssyncset.done $0x0  }
0x14: {  	[sflag:s13] =	ssyncadd.s32 $0xFFFFD800  }
0x15: {  	[tilespmem:s14], [sflag:$0x1] =	stream.indirect.gather [hbm4b:s3+s11], $0x80, s2, s11, $0xb8;
	[tilespmem:$0xA800] =	vst v63  }
0x16: {  	_ = 	snop  }
0x17: {  	[tilespmem:s15], [sflag:$0x2] =	stream.indirect.gather [hbm4b:s3+s11], $0x80, s11, s11, $0xb8;
	[tilespmem:$0xA800] =	vst v63  }
0x18: {  	_ =	swait.ge [sflag:s16], $0x4000  }
0x19: {  	[sflag:s16] =	ssyncset.done $0x0  }
0x1a: {  	[sflag:s16] =	ssyncadd.s32 $0xFFFFC000  }
0x1b: {  	[hbm4b:s5+s2] =	stream.linear.scatter [tilespmem:s14], [sflag:$0x3], $0x4000, $0x38;
	[tilespmem:$0xA800] =	vst v63  }
0x1c: {  	_ =	swait.ge [sflag:s17], $0x4000  }
0x1d: {  	[sflag:s17] =	ssyncset.done $0x0  }
0x1e: {  	[sflag:s17] =	ssyncadd.s32 $0xFFFFC000  }
0x1f: {  	[tilespmem:s14], [sflag:$0x1] =	stream.indirect.gather [hbm4b:s3+s11], $0x80, s18, s11, $0xb8;
	[tilespmem:$0xA800] =	vst v63  }
0x20: {  	_ =	swait.ge [sflag:s19], $0x4000  }
0x21: {  	[sflag:s19] =	ssyncset.done $0x0  }
0x22: {  	[sflag:s19] =	ssyncadd.s32 $0xFFFFC000  }
0x23: {  	[hbm4b:s7+s2] =	stream.linear.scatter [tilespmem:s15], [sflag:$0x4], $0x4000, $0x38;
	[tilespmem:$0xA800] =	vst v63  }
0x24: {  	_ =	swait.ge [sflag:s20], $0x4000  }
0x25: {  	[sflag:s20] =	ssyncset.done $0x0  }
0x26: {  	s23 =	simm.s32 $0x180;
	[sflag:s20] =	ssyncadd.s32 $0xFFFFC000  }
0x27: {  	[tilespmem:s15], [sflag:$0x2] =	stream.indirect.gather [hbm4b:s3+s11], $0x80, s23, s11, $0xb8;
	[tilespmem:$0xA800] =	vst v63  }
0x28: {  	_ =	swait.ge [sflag:s16], $0x4000  }
0x29: {  	s24 =	sadd.s32 $0x0, s10;
	[sflag:s16] =	ssyncset.done $0x0  }
0x2a: {  	s30 =	sadd.s32 $0x1000, s24;
	[sflag:s16] =	ssyncadd.s32 $0xFFFFC000  }
0x2b: {  	[hbm4b:s30+s2] =	stream.linear.scatter [tilespmem:s14], [sflag:$0x3], $0x4000, $0x38;
	[tilespmem:$0xA800] =	vst v63  }
0x2c: {  	_ =	swait.ge [sflag:s17], $0x4000  }
0x2d: {  	[sflag:s17] =	ssyncset.done $0x0  }
0x2e: {  	s31 =	simm.s32 $0x200;
	[sflag:s17] =	ssyncadd.s32 $0xFFFFC000  }
0x2f: {  	[tilespmem:s14], [sflag:$0x1] =	stream.indirect.gather [hbm4b:s3+s11], $0x80, s31, s11, $0xb8;
	[tilespmem:$0xA800] =	vst v63  }
0x30: {  	_ =	swait.ge [sflag:s19], $0x4000  }
0x31: {  	s25 =	sadd.s32 $0x1800, s24;
	[sflag:s19] =	ssyncset.done $0x0  }
0x32: {  	s24 =	simm.s32 $0x280;
	s23 =	simm.s32 $0x1000;
	[sflag:s19] =	ssyncadd.s32 $0xFFFFC000  }
.LBB2_2:
0x33: {  	[hbm4b:s25+s2] =	stream.linear.scatter [tilespmem:s15], [sflag:$0x4], $0x4000, $0x38;
	[tilespmem:$0xA800] =	vst v63  }
0x34: {  	s25 =	smov.u32 s23  }
0x35: {  	p0 =	sne.s32 s23, $0x25000;
	s23 =	sadd.s32 $0x1000, s23;
	_ =	swait.ge [sflag:s20], $0x4000  }
0x36: {  	[sflag:s20] =	ssyncset.done $0x0  }
0x37: {  	[sflag:s20] =	ssyncadd.s32 $0xFFFFC000  }
0x38: {  	[tilespmem:s15], [sflag:$0x2] =	stream.indirect.gather [hbm4b:s3+s11], $0x80, s24, s11, $0xb8;
	[tilespmem:$0xA800] =	vst v63  }
0x39: {  	_ =	swait.ge [sflag:s16], $0x4000  }
0x3a: {  	s25 =	sadd.s32 s25, s10;
	[sflag:s16] =	ssyncset.done $0x0  }
0x3b: {  	s26 =	sadd.s32 $0x1000, s25;
	[sflag:s16] =	ssyncadd.s32 $0xFFFFC000  }
0x3c: {  	[hbm4b:s26+s2] =	stream.linear.scatter [tilespmem:s14], [sflag:$0x3], $0x4000, $0x38;
	[tilespmem:$0xA800] =	vst v63  }
0x3d: {  	_ =	swait.ge [sflag:s17], $0x4000  }
0x3e: {  	[sflag:s17] =	ssyncset.done $0x0  }
.Ltmp0:
0x3f: {  	s26 =	sadd.s32 $0x80, s24;
	[sflag:s17] =	ssyncadd.s32 $0xFFFFC000;
	(pc) =	sbr.rel @p0 .LBB2_2-.Ltmp0, $4  }
0x40: {  	[tilespmem:s14], [sflag:$0x1] =	stream.indirect.gather [hbm4b:s3+s11], $0x80, s26, s11, $0xb8;
	[tilespmem:$0xA800] =	vst v63  }
0x41: {  	_ =	swait.ge [sflag:s19], $0x4000  }
0x42: {  	[sflag:s19] =	ssyncset.done $0x0  }
0x43: {  	s25 =	sadd.s32 $0x1800, s25;
	s24 =	sadd.s32 $0x100, s24;
	[sflag:s19] =	ssyncadd.s32 $0xFFFFC000  }
0x44: {  	[hbm4b:s25+s2] =	stream.linear.scatter [tilespmem:s15], [sflag:$0x4], $0x4000, $0x38;
	[tilespmem:$0xA800] =	vst v63  }
0x45: {  	_ =	swait.ge [sflag:s20], $0x4000  }
0x46: {  	[sflag:s20] =	ssyncset.done $0x0  }
0x47: {  	[sflag:s20] =	ssyncadd.s32 $0xFFFFC000  }
0x48: {  	[tilespmem:s15], [sflag:$0x2] =	stream.indirect.gather [hbm4b:s3+s11], $0x80, s21, s11, $0xb8;
	[tilespmem:$0xA800] =	vst v63  }
0x49: {  	_ =	swait.ge [sflag:s16], $0x4000  }
0x4a: {  	[sflag:s16] =	ssyncset.done $0x0  }
0x4b: {  	[sflag:s16] =	ssyncadd.s32 $0xFFFFC000  }
0x4c: {  	[hbm4b:s8+s2] =	stream.linear.scatter [tilespmem:s14], [sflag:$0x3], $0x4000, $0x38;
	[tilespmem:$0xA800] =	vst v63  }
0x4d: {  	_ =	swait.ge [sflag:s19], $0x4000  }
0x4e: {  	[sflag:s19] =	ssyncset.done $0x0  }
0x4f: {  	s22 =	sadd.s32 $0x1, s22;
	[sflag:s19] =	ssyncadd.s32 $0xFFFFC000  }
0x50: {  	[hbm4b:s9+s2] =	stream.linear.scatter [tilespmem:s15], [sflag:$0x4], $0x4000, $0x38;
	[tilespmem:$0xA800] =	vst v63  }
0x51: {  	p0 =	sne.s32 s22, s6;
	_ =	swait.ge [sflag:s17], $0x4000  }
.Ltmp1:
0x52: {  	[sflag:s17] =	ssyncset.done $0x0;
	(pc) =	sbr.rel @p0 .LBB2_1-.Ltmp1, $4  }
0x53: {  	[sflag:s17] =	ssyncadd.s32 $0xFFFFC000  }
0x54: {  	_ =	swait.ge [sflag:s20], $0x4000  }
0x55: {  	[sflag:s20] =	ssyncset.done $0x0  }
0x56: {  	[sflag:s20] =	ssyncadd.s32 $0xFFFFC000  }
0x57: {  	_ =	sfence.sel $0x180000  }
0x58: {  	[bflag:$0x0] =	sbarrier.arrive $0xFFFF  }
0x59: {  	p0 =	sne.s32 s0, $0x0;
	_ =	strace $0x90000053  }
0x5a: {  	s0 =	sadd.s32 @!p0 $0x100000, s1;
	[bflag:$0x2] =	sbarrier.arrive $0xFFFF  }
0x5b: {  	[sflag:s0] =	ssyncadd.tile.s32 @!p0 $0x1;
	_ =	shalt  }
.Lfunc_end2:
_tile_overlayer_lowered:
.L_overlay_start_2:
0x5c: {  	(tag) =	ssettag $0x2  }
0x5d: {  	s0 =	rddreg [dreg:$0x0];
	s2 =	stileid.u32  }
0x5e: {  	s1 =	rddreg [dreg:$0x1];
	p0 =	sne.s32 s2, $0x0  }
0x5f: {  	s3 =	rddreg [dreg:$0x2];
	[bflag:$0x3] =	sbarrier.arrive $0xFFFF;
	s2 =	simm.s32 @!p0 $0x1C05  }
0x60: {  	[timem:s3], [sflag:s2] =	dma.local @!p0 [hbm:s0], s1  }
0x61: {  	s0 =	simm.s32 @!p0 $0x5  }
0x62: {  	_ =	swait.ge @!p0 [sflag:s0], s1  }
0x63: {  	s1 =	ssub.s32 @!p0 $0x0, s1;
	[sflag:s0] =	ssyncset.done @!p0 $0x0  }
0x64: {  	[sflag:s0] =	ssyncadd.s32 @!p0 s1  }
0x65: {  	[bflag:$0x3] =	sbarrier.arrive $0xFFFF  }
0x66: {  	_ =	shalt  }

// kernel: kernel.24.cloned.1.call-start
scs
__scs_entry_jumppad:
0x0: {  	(pc) =	sbr.rel $0x88, $3  }
0x1: {  	(tag) =	ssettag $0x0;
	lr =	simm.s32 $0x1  }
0x2: {  	[smem:$0x3F8C] =	sst lr;
	_ =	strace $0xD0000000  }
0x3: {  	_ = 	snop  }
0x4: {  	_ = 	snop  }
0x5: {  	_ = 	snop  }
0x6: {  	_ = 	snop  }
0x7: {  	_ = 	snop  }
__scs_overlays_trampoline_lowered:
0x8: {  	[smem:$0x3F9B] =	sst s0  }
0x9: {  	[smem:$0x3F9C] =	sst s1  }
0xa: {  	[smem:$0x3F9D] =	sst s2  }
0xb: {  	[smem:$0x3F9E] =	sst s3  }
0xc: {  	[smem:$0x3F9F] =	sst s4  }
0xd: {  	[smem:$0x3FA0] =	sst s5  }
0xe: {  	[smem:$0x3FA1] =	sst s6  }
0xf: {  	[smem:$0x3FA2] =	sst s7  }
0x10: {  	[smem:$0x3FA3] =	sst s8  }
0x11: {  	[smem:$0x3FA4] =	sst s9;
	s0 =	simm.s32 @!p0 $0x0  }
0x12: {  	s1 =	sld [smem:$0x3F8A];
	s0 =	simm.s32 @p0 $0x1  }
0x13: {  	[smem:$0x3FA5] =	sst s0;
	s0 =	simm.s32 @!p1 $0x0  }
0x14: {  	s2 =	sld [smem:$0x3F89];
	s0 =	simm.s32 @p1 $0x1  }
0x15: {  	[smem:$0x3FA6] =	sst s0;
	s0 =	simm.s32 @!p2 $0x0  }
0x16: {  	s3 =	sld [smem:$0x3FDB];
	s0 =	simm.s32 @p2 $0x1  }
0x17: {  	s4 =	simm.s32 $0x1BF5;
	[smem:$0x3FA8] =	sst s0  }
0x18: {  	s0 =	sld [smem:$0x3F8B];
	_ =	swait.ge [sflag:s4], $0x0  }
0x19: {  	s7 =	sld [smem:$0x3F8C]  }
0x1a: {  	s8 =	sadd.s32 $0xFFFFE003, lr  }
0x1b: {  	s9 =	sadd.s32 $0xFFFFFEF7, lr;
	s5 =	simm.s32 $0xFFFFFFFF;
	p2 =	slt.u32 s8, $0xFFFFF086  }
0x1c: {  	p1 =	slt.u32 s9, $0xF7A;
	s5 =	simm.s32 @!p2 $0x0  }
0x1d: {  	s5 =	simm.s32 @p1 $0x1;
	p0 =	seq.s32 s7, s2  }
0x1e: {  	s7 =	smul.u32 @!p0 $0xF7A, s2;
	p2 =	seq.s32 @!p0 s5, $0x0  }
0x1f: {  	s9 =	smul.u32 $0xF7A, s1;
	s8 =	simm.s32 @!p0 $0x1BF5;
	p2 =	por !p2, p0  }
0x20: {  	[sflag:s8] =	ssyncset.s32 @!p0 $0xFFFFF086;
	s6 =	sadd.s32 @!p0 s3, s7;
	s7 =	simm.s32 @!p0 $0x108  }
0x21: {  	s3 =	sadd.s32 s3, s9;
	s6 =	sadd.s32 @!p0 $0x88, s6;
	s7 =	simm.s32 @p2 $0x1082  }
0x22: {  	[simem:s7], [sflag:s8] =	dma.local @!p0 [hbm:s6], $0xF7A  }
0x23: {  	s9 =	sor.u32 $0xD0000000, s2;
	s6 =	simm.s32 $0x108;
	_ =	swait.ge @!p0 [sflag:s8], $0x0  }
0x24: {  	s3 =	sadd.s32 $0x88, s3;
	s6 =	simm.s32 @!p1 $0x1082;
	[sflag:s4] =	ssyncset.s32 $0xFFFFF086  }
0x25: {  	[simem:s6], [sflag:s4] =	dma.local [hbm:s3], $0xF7A  }
0x26: {  	[smem:$0x3F8C] =	sst s1;
	(tag) =	ssettag s2;
	_ =	strace s9  }
0x27: {  	s1 =	sld [smem:$0x3F9C]  }
0x28: {  	s2 =	sld [smem:$0x3F9D]  }
0x29: {  	s4 =	sld [smem:$0x3F9F]  }
0x2a: {  	p0 =	seq.s32 s5, $0x0;
	s5 =	sld [smem:$0x3FA0]  }
0x2b: {  	s6 =	sld [smem:$0x3FA1]  }
0x2c: {  	s7 =	sld [smem:$0x3FA2]  }
0x2d: {  	s3 =	simm.s32 $0x108;
	s8 =	sld [smem:$0x3FA3]  }
0x2e: {  	s3 =	simm.s32 @!p0 $0x1082;
	s9 =	sld [smem:$0x3FA4]  }
0x2f: {  	lr =	sadd.s32 s0, s3;
	s0 =	sld [smem:$0x3F9B]  }
0x30: {  	s3 =	sld [smem:$0x3F9E]  }
0x31: {  	[smem:$0x3FA7] =	sst s10  }
0x32: {  	s10 =	sld [smem:$0x3FA5];
	_ =	sdelay $0x3  }
0x33: {  	p0 =	seq.s32 s10, $0x1;
	s10 =	sld [smem:$0x3FA7];
	_ =	sdelay $0x3  }
0x34: {  	[smem:$0x3FA7] =	sst s10  }
0x35: {  	s10 =	sld [smem:$0x3FA6];
	_ =	sdelay $0x3  }
0x36: {  	p1 =	seq.s32 s10, $0x1;
	s10 =	sld [smem:$0x3FA7];
	_ =	sdelay $0x3  }
0x37: {  	[smem:$0x3FA7] =	sst s10  }
0x38: {  	s10 =	sld [smem:$0x3FA8]  }
0x39: {  	_ = 	snop;
	(pc) =	sbr.ind lr, $3  }
0x3a: {  	_ = 	snop  }
0x3b: {  	_ = 	snop  }
0x3c: {  	p2 =	seq.s32 s10, $0x1;
	s10 =	sld [smem:$0x3FA7]  }
0x3d: {  	_ =	shalt  }
0x3e: {  	_ =	shalt  }
0x3f: {  	_ =	shalt  }
0x40: {  	_ =	shalt  }
0x41: {  	_ =	shalt  }
0x42: {  	_ =	shalt  }
0x43: {  	_ =	shalt  }
0x44: {  	_ =	shalt  }
0x45: {  	_ =	shalt  }
0x46: {  	_ =	shalt  }
0x47: {  	_ =	shalt  }
0x48: {  	_ =	shalt  }
0x49: {  	_ =	shalt  }
0x4a: {  	_ =	shalt  }
0x4b: {  	_ =	shalt  }
0x4c: {  	_ =	shalt  }
0x4d: {  	_ =	shalt  }
0x4e: {  	_ =	shalt  }
0x4f: {  	_ =	shalt  }
0x50: {  	_ =	shalt  }
0x51: {  	_ =	shalt  }
0x52: {  	_ =	shalt  }
0x53: {  	_ =	shalt  }
0x54: {  	_ =	shalt  }
0x55: {  	_ =	shalt  }
0x56: {  	_ =	shalt  }
0x57: {  	_ =	shalt  }
0x58: {  	_ =	shalt  }
0x59: {  	_ =	shalt  }
0x5a: {  	_ =	shalt  }
0x5b: {  	_ =	shalt  }
0x5c: {  	_ =	shalt  }
0x5d: {  	_ =	shalt  }
0x5e: {  	_ =	shalt  }
0x5f: {  	_ =	shalt  }
0x60: {  	_ =	shalt  }
0x61: {  	_ =	shalt  }
0x62: {  	_ =	shalt  }
0x63: {  	_ =	shalt  }
0x64: {  	_ =	shalt  }
0x65: {  	_ =	shalt  }
0x66: {  	_ =	shalt  }
0x67: {  	_ =	shalt  }
0x68: {  	_ =	shalt  }
0x69: {  	_ =	shalt  }
0x6a: {  	_ =	shalt  }
0x6b: {  	_ =	shalt  }
0x6c: {  	_ =	shalt  }
0x6d: {  	_ =	shalt  }
0x6e: {  	_ =	shalt  }
0x6f: {  	_ =	shalt  }
0x70: {  	_ =	shalt  }
0x71: {  	_ =	shalt  }
0x72: {  	_ =	shalt  }
0x73: {  	_ =	shalt  }
0x74: {  	_ =	shalt  }
0x75: {  	_ =	shalt  }
0x76: {  	_ =	shalt  }
0x77: {  	_ =	shalt  }
0x78: {  	_ =	shalt  }
0x79: {  	_ =	shalt  }
0x7a: {  	_ =	shalt  }
0x7b: {  	_ =	shalt  }
0x7c: {  	_ =	shalt  }
0x7d: {  	_ =	shalt  }
0x7e: {  	_ =	shalt  }
0x7f: {  	_ =	shalt  }
0x80: {  	_ =	shalt  }
0x81: {  	_ =	shalt  }
0x82: {  	_ =	shalt  }
0x83: {  	_ =	shalt  }
0x84: {  	_ =	shalt  }
0x85: {  	_ =	shalt  }
0x86: {  	_ =	shalt  }
0x87: {  	_ =	shalt  }
.Lfunc_end0:
.L_simem_size_0:
called_computation.5_lowered:
.L_overlay_start_0:
0x88: {  	s2 =	sld [smem:$0x3FD9]  }
0x89: {  	s3 =	sld [smem:$0x3FFE];
	_ =	sdelay $0x1  }
0x8a: {  	s1 =	srdreg.scid  }
0x8b: {  	s0 =	sand.u32 $0x1, s1  }
0x8c: {  	s17 =	sshll.u32 s0, $0xA;
	s2 =	sadd.s32 s3, s2  }
0x8d: {  	s2 =	sadd.s32 s2, s17  }
0x8e: {  	[smem:$0x3FB3] =	sst s2  }
0x8f: {  	_ = 	snop  }
0x90: {  	s2 =	sld [smem:$0x3FD0];
	(tm) =	ssettm $0x1  }
0x91: {  	s18 =	sld [smem:$0x3FFB];
	_ =	sdelay $0x3  }
0x92: {  	_ =	strace s18  }
0x93: {  	s3 =	sld [smem:$0x3FFC];
	_ =	sdelay $0x3  }
0x94: {  	_ =	strace s3  }
0x95: {  	s3 =	sld [smem:$0x3FFD];
	_ =	sdelay $0x3  }
0x96: {  	_ =	strace s3  }
0x97: {  	_ =	strace $0x8FFFFFFF  }
0x98: {  	s19 =	sld [smem:$0x3FDB];
	_ =	sdelay $0x1  }
0x99: {  	s4 =	simm.s32 $_scs_section_size  }
0x9a: {  	s5 =	simm.s32 $_size__tile_overlayer_lowered;
	s6 =	simm.s32 $_tile_overlayer_lowered  }
0x9b: {  	s22 =	simm.s32 $0x1BFF;
	s21 =	sshll.u32 s6, $0x1;
	s3 =	sadd.s32 s4, s19  }
0x9c: {  	s7 =	simm.s32 $0x0;
	s20 =	sshll.u32 s5, $0x1;
	s5 =	sadd.s32 s21, s3  }
0x9d: {  	[timem:s7], [sflag:s22] =	dma.local [hbm:s5], s20  }
0x9e: {  	_ =	swait.ge [sflag:s22], s20  }
0x9f: {  	s4 =	ssub.s32 $0x0, s20;
	[sflag:s22] =	ssyncset.done $0x0  }
0xa0: {  	[sflag:s22] =	ssyncadd.s32 s4;
	_ =	sdelay $0x1  }
0xa1: {  	s23 =	simm.s32 $0x1B8B  }
0xa2: {  	_ =	swait.ge [sflag:s23], $0x1  }
0xa3: {  	[sflag:s23] =	ssyncset.done $0x0  }
0xa4: {  	s25 =	simm.s32 $0x1B8E;
	s24 =	sld [smem:$0x3FFE];
	[sflag:s23] =	ssyncadd.s32 $0xFFFFFFFF  }
0xa5: {  	s26 =	simm.s32 $execute0_lowered;
	[smem:$0x3FD2] =	sst s25  }
0xa6: {  	s5 =	sshll.u32 s26, $0x1;
	_ =	strace $0x80000055;
	[dreg:$0x1] =	wrdreg $0xFFFFFFFF  }
0xa7: {  	s28 =	simm.s32 $_size_execute0_lowered;
	s3 =	sadd.s32 s3, s5;
	[dreg:$0x0] =	wrdreg $0x0  }
0xa8: {  	s5 =	sshll.u32 s28, $0x1;
	[dreg:$0x2] =	wrdreg s3  }
0xa9: {  	[dreg:$0x3] =	wrdreg s5  }
0xaa: {  	[dreg:$0x4] =	wrdreg $0xC0  }
0xab: {  	_ =	task [dreg:s7], $0x5FFFF  }
0xac: {  	[dreg:$0x1] =	wrdreg $0xFFFFFFFF  }
0xad: {  	[dreg:$0x0] =	wrdreg $0x60  }
0xae: {  	[dreg:$0x2] =	wrdreg s24  }
0xaf: {  	[dreg:$0x3] =	wrdreg s2  }
0xb0: {  	[dreg:$0x4] =	wrdreg $0xA8000  }
0xb1: {  	[dreg:$0x5] =	wrdreg $0x9  }
0xb2: {  	_ =	task.clear_ibuf [dreg:s7], $0x6FFFF;
	_ =	strace $0x90000055  }
0xb3: {  	s29 =	simm.s32 $0x9;
	_ =	strace $0x80000057  }
0xb4: {  	_ =	swait.ge [sflag:s29], $0x1  }
0xb5: {  	[sflag:s29] =	ssyncadd.s32 $0xFFFFFFFF  }
0xb6: {  	_ =	strace $0x90000057  }
0xb7: {  	_ =	sfence  }
0xb8: {  	s30 =	sld [smem:$0x0];
	_ =	sdelay $0x2  }
0xb9: {  	s31 =	sshll.u32 s1, $0xD;
	s1 =	sshrl.u32 s1, $0x2  }
0xba: {  	s3 =	sand.u32 $0x4000, s31;
	s1 =	sadd.s32 s1, s30  }
0xbb: {  	s0 =	sor.u32 s3, s0;
	s1 =	sshll.u32 s1, $0x11  }
0xbc: {  	s0 =	sor.u32 s1, s0  }
0xbd: {  	s0 =	sadd.s32 $0x8F2B, s0  }
0xbe: {  	[sflag:s0] =	ssyncadd.remote.s32 $0x1  }
0xbf: {  	_ =	sfence.sel $0xFFFF  }
0xc0: {  	[dreg:$0x0] =	wrdreg $0xFFFFFFFF;
	(pc) =	sbr.abs _section_cstart, $3  }
0xc1: {  	[dreg:$0x1] =	wrdreg $0xFFFFFFFF  }
0xc2: {  	_ =	task.clear_ibuf [dreg:s7], $0x2FFFF;
	_ =	strace $0x9FFFFFFF  }
0xc3: {  	(tm) =	ssettm $0x7FFFFFFF  }
tec
execute0_lowered:
.L_overlay_start_1:
0x0: {  	(tag) =	ssettag $0x1  }
0x1: {  	s5 =	rddreg [dreg:$0x0]  }
0x2: {  	s2 =	rddreg [dreg:$0x1]  }
0x3: {  	s3 =	rddreg [dreg:$0x2]  }
0x4: {  	s0 =	rddreg [dreg:$0x3]  }
0x5: {  	s1 =	stileid.u32;
	s4 =	simm.s32 $0x0;
	s7 =	srdreg.scid  }
0x6: {  	s16 =	simm.s32 $0x2800;
	s17 =	simm.s32 $0x6800;
	s18 =	simm.s32 $0x1  }
0x7: {  	s19 =	simm.s32 $0x80;
	s20 =	simm.s32 $0x3;
	s21 =	simm.s32 $0x2  }
0x8: {  	s22 =	simm.s32 $0x4;
	s23 =	simm.s32 $0x2700;
	s6 =	smul.u32 $0x2800, s1  }
0x9: {  	s24 =	simm.s32 $0x2780;
	s25 =	simm.s32 $0x0;
	s11 =	smul.u32 $0x50000, s1  }
0xa: {  	[smem:$0x7FF] =	sst s4;
	s8 =	sand.u32 $0x1, s7;
	s30 =	smul.u32 $0x28000, s1  }
0xb: {  	s12 =	sadd.s32 $0x72800, s5;
	s31 =	sshll.u32 s1, $0x6;
	s9 =	smul.u32 $0x28000, s8  }
0xc: {  	_ =	strace $0x80000056;
	s10 =	ssub.s32 $0x2, s8;
	s14 =	smul.u32 $0x280000, s8  }
0xd: {  	s26 =	sshrl.u32 s6, $0x3;
	s28 =	sshrl.u32 s10, $0x1;
	s29 =	sshrl.u32 s11, $0x2  }
0xe: {  	s7 =	sadd.s32 s26, s5;
	s6 =	sadd.s32 s6, s9;
	s9 =	ssub.s32 s10, s28  }
0xf: {  	s15 =	sadd.s32 s29, s3;
	s13 =	sadd.s32 s6, s5;
	s6 =	sshll.u32 s6, $0x4  }
0x10: {  	s5 =	sadd.s32 $0x59800, s7;
	s9 =	smax.u32 s9, $0x1;
	s15 =	sshrl.u32 s15, $0x3  }
0x11: {  	s6 =	sadd.s32 s12, s6;
	s8 =	sadd.s32 $0x572800, s13;
	s12 =	sadd.s32 s14, s12  }
0x12: {  	s13 =	simm.s32 $0x5;
	s14 =	sor.u32 $0x1C05, s31;
	s7 =	sadd.s32 $0x1000, s6  }
0x13: {  	s10 =	sadd.s32 $0x800, s6;
	s11 =	sadd.s32 $0x27800, s6;
	s12 =	sadd.s32 s30, s12  }
.LBB2_1:
0x14: {  	[tilespmem:s4], [sflag:$0x5] =	stream.linear.gather [hbm4b:s5+s4], $0x2800, $0x38;
	[tilespmem:$0x1E800] =	vst v63  }
0x15: {  	_ =	swait.ge [sflag:s13], $0x2800  }
0x16: {  	[sflag:s13] =	ssyncset.done $0x0  }
0x17: {  	[sflag:s13] =	ssyncadd.s32 $0xFFFFD800  }
0x18: {  	[spmem:s15], [sflag:s14] =	dma.local [hbm:s2], $0x2800  }
0x19: {  	_ =	swait.ge [sflag:s13], $0x2800  }
0x1a: {  	[sflag:s13] =	ssyncset.done $0x0  }
0x1b: {  	[sflag:s13] =	ssyncadd.s32 $0xFFFFD800  }
0x1c: {  	[bflag:$0x0] =	sbarrier.arrive $0xFFFF  }
0x1d: {  	[tilespmem:s16], [sflag:$0x1] =	stream.linear.gather [hbm4b:s6+s4], $0x4000, $0x38;
	[tilespmem:$0x1E800] =	vst v63  }
0x1e: {  	_ = 	snop  }
0x1f: {  	[tilespmem:s17], [sflag:$0x2] =	stream.linear.gather [hbm4b:s10+s4], $0x4000, $0x38;
	[tilespmem:$0x1E800] =	vst v63  }
0x20: {  	_ =	swait.ge [sflag:s18], $0x4000  }
0x21: {  	[sflag:s18] =	ssyncset.done $0x0  }
0x22: {  	[sflag:s18] =	ssyncadd.s32 $0xFFFFC000  }
0x23: {  	[spmem:s3] =	stream.indirect.scatter.add.f32 [tilespmem:s16], [sflag:$0x3], $0x80, s4, s19, $0xb8;
	[tilespmem:$0x1E800] =	vst v63  }
0x24: {  	_ =	swait.ge [sflag:s20], $0x4000  }
0x25: {  	[sflag:s20] =	ssyncset.done $0x0  }
0x26: {  	[sflag:s20] =	ssyncadd.s32 $0xFFFFC000  }
0x27: {  	[tilespmem:s16], [sflag:$0x1] =	stream.linear.gather [hbm4b:s7+s4], $0x4000, $0x38;
	[tilespmem:$0x1E800] =	vst v63  }
0x28: {  	_ =	swait.ge [sflag:s21], $0x4000  }
0x29: {  	[sflag:s21] =	ssyncset.done $0x0  }
0x2a: {  	[sflag:s21] =	ssyncadd.s32 $0xFFFFC000  }
0x2b: {  	[spmem:s3] =	stream.indirect.scatter.add.f32 [tilespmem:s17], [sflag:$0x4], $0x80, s19, s19, $0xb8;
	[tilespmem:$0x1E800] =	vst v63  }
0x2c: {  	_ =	swait.ge [sflag:s22], $0x4000  }
0x2d: {  	s26 =	sadd.s32 $0x0, s12;
	[sflag:s22] =	ssyncset.done $0x0  }
0x2e: {  	s28 =	sadd.s32 $0x1800, s26;
	[sflag:s22] =	ssyncadd.s32 $0xFFFFC000  }
0x2f: {  	[tilespmem:s17], [sflag:$0x2] =	stream.linear.gather [hbm4b:s28+s4], $0x4000, $0x38;
	[tilespmem:$0x1E800] =	vst v63  }
0x30: {  	_ =	swait.ge [sflag:s18], $0x4000  }
0x31: {  	[sflag:s18] =	ssyncset.done $0x0  }
0x32: {  	s28 =	simm.s32 $0x100;
	[sflag:s18] =	ssyncadd.s32 $0xFFFFC000  }
0x33: {  	[spmem:s3] =	stream.indirect.scatter.add.f32 [tilespmem:s16], [sflag:$0x3], $0x80, s28, s19, $0xb8;
	[tilespmem:$0x1E800] =	vst v63  }
0x34: {  	_ =	swait.ge [sflag:s20], $0x4000  }
0x35: {  	[sflag:s20] =	ssyncset.done $0x0  }
0x36: {  	s26 =	sadd.s32 $0x2000, s26;
	[sflag:s20] =	ssyncadd.s32 $0xFFFFC000  }
0x37: {  	[tilespmem:s16], [sflag:$0x1] =	stream.linear.gather [hbm4b:s26+s4], $0x4000, $0x38;
	[tilespmem:$0x1E800] =	vst v63  }
0x38: {  	_ =	swait.ge [sflag:s21], $0x4000  }
0x39: {  	s29 =	simm.s32 $0x180;
	[sflag:s21] =	ssyncset.done $0x0  }
0x3a: {  	s28 =	simm.s32 $0x200;
	s26 =	simm.s32 $0x1000;
	[sflag:s21] =	ssyncadd.s32 $0xFFFFC000  }
.LBB2_2:
0x3b: {  	[spmem:s3] =	stream.indirect.scatter.add.f32 [tilespmem:s17], [sflag:$0x4], $0x80, s29, s19, $0xb8;
	[tilespmem:$0x1E800] =	vst v63  }
0x3c: {  	s29 =	smov.u32 s26  }
0x3d: {  	p0 =	sne.s32 s26, $0x25000;
	s26 =	sadd.s32 $0x1000, s26;
	_ =	swait.ge [sflag:s22], $0x4000  }
0x3e: {  	s29 =	sadd.s32 s29, s12;
	[sflag:s22] =	ssyncset.done $0x0  }
0x3f: {  	s30 =	sadd.s32 $0x1800, s29;
	[sflag:s22] =	ssyncadd.s32 $0xFFFFC000  }
0x40: {  	[tilespmem:s17], [sflag:$0x2] =	stream.linear.gather [hbm4b:s30+s4], $0x4000, $0x38;
	[tilespmem:$0x1E800] =	vst v63  }
0x41: {  	_ =	swait.ge [sflag:s18], $0x4000  }
0x42: {  	[sflag:s18] =	ssyncset.done $0x0  }
0x43: {  	[sflag:s18] =	ssyncadd.s32 $0xFFFFC000  }
0x44: {  	[spmem:s3] =	stream.indirect.scatter.add.f32 [tilespmem:s16], [sflag:$0x3], $0x80, s28, s19, $0xb8;
	[tilespmem:$0x1E800] =	vst v63  }
0x45: {  	_ =	swait.ge [sflag:s20], $0x4000  }
0x46: {  	[sflag:s20] =	ssyncset.done $0x0  }
.Ltmp0:
0x47: {  	s29 =	sadd.s32 $0x2000, s29;
	[sflag:s20] =	ssyncadd.s32 $0xFFFFC000;
	(pc) =	sbr.rel @p0 .LBB2_2-.Ltmp0, $4  }
0x48: {  	[tilespmem:s16], [sflag:$0x1] =	stream.linear.gather [hbm4b:s29+s4], $0x4000, $0x38;
	[tilespmem:$0x1E800] =	vst v63  }
0x49: {  	_ =	swait.ge [sflag:s21], $0x4000  }
0x4a: {  	[sflag:s21] =	ssyncset.done $0x0  }
0x4b: {  	s29 =	sadd.s32 $0x80, s28;
	s28 =	sadd.s32 $0x100, s28;
	[sflag:s21] =	ssyncadd.s32 $0xFFFFC000  }
0x4c: {  	[spmem:s3] =	stream.indirect.scatter.add.f32 [tilespmem:s17], [sflag:$0x4], $0x80, s29, s19, $0xb8;
	[tilespmem:$0x1E800] =	vst v63  }
0x4d: {  	_ =	swait.ge [sflag:s22], $0x4000  }
0x4e: {  	[sflag:s22] =	ssyncset.done $0x0  }
0x4f: {  	[sflag:s22] =	ssyncadd.s32 $0xFFFFC000  }
0x50: {  	[tilespmem:s17], [sflag:$0x2] =	stream.linear.gather [hbm4b:s11+s4], $0x4000, $0x38;
	[tilespmem:$0x1E800] =	vst v63  }
0x51: {  	_ =	swait.ge [sflag:s18], $0x4000  }
0x52: {  	[sflag:s18] =	ssyncset.done $0x0  }
0x53: {  	[sflag:s18] =	ssyncadd.s32 $0xFFFFC000  }
0x54: {  	[spmem:s3] =	stream.indirect.scatter.add.f32 [tilespmem:s16], [sflag:$0x3], $0x80, s23, s19, $0xb8;
	[tilespmem:$0x1E800] =	vst v63  }
0x55: {  	_ =	swait.ge [sflag:s21], $0x4000  }
0x56: {  	[sflag:s21] =	ssyncset.done $0x0  }
0x57: {  	[sflag:s21] =	ssyncadd.s32 $0xFFFFC000  }
0x58: {  	[spmem:s3] =	stream.indirect.scatter.add.f32 [tilespmem:s17], [sflag:$0x4], $0x80, s24, s19, $0xb8;
	[tilespmem:$0x1E800] =	vst v63  }
0x59: {  	_ =	swait.ge [sflag:s20], $0x4000  }
0x5a: {  	[sflag:s20] =	ssyncset.done $0x0  }
0x5b: {  	[sflag:s20] =	ssyncadd.s32 $0xFFFFC000  }
0x5c: {  	_ =	swait.ge [sflag:s22], $0x4000  }
0x5d: {  	s25 =	sadd.s32 $0x1, s25;
	[sflag:s22] =	ssyncset.done $0x0  }
0x5e: {  	p0 =	sne.s32 s25, s9;
	[sflag:s22] =	ssyncadd.s32 $0xFFFFC000  }
.Ltmp1:
0x5f: {  	[bflag:$0x0] =	sbarrier.arrive $0xFFFF;
	(pc) =	sbr.rel @p0 .LBB2_1-.Ltmp1, $4  }
0x60: {  	[hbm:s8], [sflag:s14] =	dma.local [spmem:s15], $0x2800  }
0x61: {  	_ =	swait.ge [sflag:s13], $0x2800  }
0x62: {  	[sflag:s13] =	ssyncset.done $0x0  }
0x63: {  	[sflag:s13] =	ssyncadd.s32 $0xFFFFD800  }
0x64: {  	_ =	sfence.sel $0x180000  }
0x65: {  	[bflag:$0x0] =	sbarrier.arrive $0xFFFF  }
0x66: {  	p0 =	sne.s32 s1, $0x0;
	_ =	strace $0x90000056  }
0x67: {  	s0 =	sadd.s32 @!p0 $0x100000, s0;
	[bflag:$0x2] =	sbarrier.arrive $0xFFFF  }
0x68: {  	[sflag:s0] =	ssyncadd.tile.s32 @!p0 $0x1;
	_ =	shalt  }
.Lfunc_end2:
_tile_overlayer_lowered:
.L_overlay_start_2:
0x69: {  	(tag) =	ssettag $0x2  }
0x6a: {  	s0 =	rddreg [dreg:$0x0];
	s2 =	stileid.u32  }
0x6b: {  	s1 =	rddreg [dreg:$0x1];
	p0 =	sne.s32 s2, $0x0  }
0x6c: {  	s3 =	rddreg [dreg:$0x2];
	[bflag:$0x3] =	sbarrier.arrive $0xFFFF;
	s2 =	simm.s32 @!p0 $0x1C05  }
0x6d: {  	[timem:s3], [sflag:s2] =	dma.local @!p0 [hbm:s0], s1  }
0x6e: {  	s0 =	simm.s32 @!p0 $0x5  }
0x6f: {  	_ =	swait.ge @!p0 [sflag:s0], s1  }
0x70: {  	s1 =	ssub.s32 @!p0 $0x0, s1;
	[sflag:s0] =	ssyncset.done @!p0 $0x0  }
0x71: {  	[sflag:s0] =	ssyncadd.s32 @!p0 s1  }
0x72: {  	[bflag:$0x3] =	sbarrier.arrive $0xFFFF  }
0x73: {  	_ =	shalt  }

// kernel: kernel.27.cloned.1.call-start
scs
__scs_entry_jumppad:
0x0: {  	(pc) =	sbr.rel $0x88, $3  }
0x1: {  	(tag) =	ssettag $0x0;
	lr =	simm.s32 $0x1  }
0x2: {  	[smem:$0x3F8C] =	sst lr;
	_ =	strace $0xD0000000  }
0x3: {  	_ = 	snop  }
0x4: {  	_ = 	snop  }
0x5: {  	_ = 	snop  }
0x6: {  	_ = 	snop  }
0x7: {  	_ = 	snop  }
__scs_overlays_trampoline_lowered:
0x8: {  	[smem:$0x3F9B] =	sst s0  }
0x9: {  	[smem:$0x3F9C] =	sst s1  }
0xa: {  	[smem:$0x3F9D] =	sst s2  }
0xb: {  	[smem:$0x3F9E] =	sst s3  }
0xc: {  	[smem:$0x3F9F] =	sst s4  }
0xd: {  	[smem:$0x3FA0] =	sst s5  }
0xe: {  	[smem:$0x3FA1] =	sst s6  }
0xf: {  	[smem:$0x3FA2] =	sst s7  }
0x10: {  	[smem:$0x3FA3] =	sst s8  }
0x11: {  	[smem:$0x3FA4] =	sst s9;
	s0 =	simm.s32 @!p0 $0x0  }
0x12: {  	s1 =	sld [smem:$0x3F8A];
	s0 =	simm.s32 @p0 $0x1  }
0x13: {  	[smem:$0x3FA5] =	sst s0;
	s0 =	simm.s32 @!p1 $0x0  }
0x14: {  	s2 =	sld [smem:$0x3F89];
	s0 =	simm.s32 @p1 $0x1  }
0x15: {  	[smem:$0x3FA6] =	sst s0;
	s0 =	simm.s32 @!p2 $0x0  }
0x16: {  	s3 =	sld [smem:$0x3FDB];
	s0 =	simm.s32 @p2 $0x1  }
0x17: {  	s4 =	simm.s32 $0x1BF5;
	[smem:$0x3FA8] =	sst s0  }
0x18: {  	s0 =	sld [smem:$0x3F8B];
	_ =	swait.ge [sflag:s4], $0x0  }
0x19: {  	s7 =	sld [smem:$0x3F8C]  }
0x1a: {  	s8 =	sadd.s32 $0xFFFFE003, lr  }
0x1b: {  	s9 =	sadd.s32 $0xFFFFFEF7, lr;
	s5 =	simm.s32 $0xFFFFFFFF;
	p2 =	slt.u32 s8, $0xFFFFF086  }
0x1c: {  	p1 =	slt.u32 s9, $0xF7A;
	s5 =	simm.s32 @!p2 $0x0  }
0x1d: {  	s5 =	simm.s32 @p1 $0x1;
	p0 =	seq.s32 s7, s2  }
0x1e: {  	s7 =	smul.u32 @!p0 $0xF7A, s2;
	p2 =	seq.s32 @!p0 s5, $0x0  }
0x1f: {  	s9 =	smul.u32 $0xF7A, s1;
	s8 =	simm.s32 @!p0 $0x1BF5;
	p2 =	por !p2, p0  }
0x20: {  	[sflag:s8] =	ssyncset.s32 @!p0 $0xFFFFF086;
	s6 =	sadd.s32 @!p0 s3, s7;
	s7 =	simm.s32 @!p0 $0x108  }
0x21: {  	s3 =	sadd.s32 s3, s9;
	s6 =	sadd.s32 @!p0 $0x88, s6;
	s7 =	simm.s32 @p2 $0x1082  }
0x22: {  	[simem:s7], [sflag:s8] =	dma.local @!p0 [hbm:s6], $0xF7A  }
0x23: {  	s9 =	sor.u32 $0xD0000000, s2;
	s6 =	simm.s32 $0x108;
	_ =	swait.ge @!p0 [sflag:s8], $0x0  }
0x24: {  	s3 =	sadd.s32 $0x88, s3;
	s6 =	simm.s32 @!p1 $0x1082;
	[sflag:s4] =	ssyncset.s32 $0xFFFFF086  }
0x25: {  	[simem:s6], [sflag:s4] =	dma.local [hbm:s3], $0xF7A  }
0x26: {  	[smem:$0x3F8C] =	sst s1;
	(tag) =	ssettag s2;
	_ =	strace s9  }
0x27: {  	s1 =	sld [smem:$0x3F9C]  }
0x28: {  	s2 =	sld [smem:$0x3F9D]  }
0x29: {  	s4 =	sld [smem:$0x3F9F]  }
0x2a: {  	p0 =	seq.s32 s5, $0x0;
	s5 =	sld [smem:$0x3FA0]  }
0x2b: {  	s6 =	sld [smem:$0x3FA1]  }
0x2c: {  	s7 =	sld [smem:$0x3FA2]  }
0x2d: {  	s3 =	simm.s32 $0x108;
	s8 =	sld [smem:$0x3FA3]  }
0x2e: {  	s3 =	simm.s32 @!p0 $0x1082;
	s9 =	sld [smem:$0x3FA4]  }
0x2f: {  	lr =	sadd.s32 s0, s3;
	s0 =	sld [smem:$0x3F9B]  }
0x30: {  	s3 =	sld [smem:$0x3F9E]  }
0x31: {  	[smem:$0x3FA7] =	sst s10  }
0x32: {  	s10 =	sld [smem:$0x3FA5];
	_ =	sdelay $0x3  }
0x33: {  	p0 =	seq.s32 s10, $0x1;
	s10 =	sld [smem:$0x3FA7];
	_ =	sdelay $0x3  }
0x34: {  	[smem:$0x3FA7] =	sst s10  }
0x35: {  	s10 =	sld [smem:$0x3FA6];
	_ =	sdelay $0x3  }
0x36: {  	p1 =	seq.s32 s10, $0x1;
	s10 =	sld [smem:$0x3FA7];
	_ =	sdelay $0x3  }
0x37: {  	[smem:$0x3FA7] =	sst s10  }
0x38: {  	s10 =	sld [smem:$0x3FA8]  }
0x39: {  	_ = 	snop;
	(pc) =	sbr.ind lr, $3  }
0x3a: {  	_ = 	snop  }
0x3b: {  	_ = 	snop  }
0x3c: {  	p2 =	seq.s32 s10, $0x1;
	s10 =	sld [smem:$0x3FA7]  }
0x3d: {  	_ =	shalt  }
0x3e: {  	_ =	shalt  }
0x3f: {  	_ =	shalt  }
0x40: {  	_ =	shalt  }
0x41: {  	_ =	shalt  }
0x42: {  	_ =	shalt  }
0x43: {  	_ =	shalt  }
0x44: {  	_ =	shalt  }
0x45: {  	_ =	shalt  }
0x46: {  	_ =	shalt  }
0x47: {  	_ =	shalt  }
0x48: {  	_ =	shalt  }
0x49: {  	_ =	shalt  }
0x4a: {  	_ =	shalt  }
0x4b: {  	_ =	shalt  }
0x4c: {  	_ =	shalt  }
0x4d: {  	_ =	shalt  }
0x4e: {  	_ =	shalt  }
0x4f: {  	_ =	shalt  }
0x50: {  	_ =	shalt  }
0x51: {  	_ =	shalt  }
0x52: {  	_ =	shalt  }
0x53: {  	_ =	shalt  }
0x54: {  	_ =	shalt  }
0x55: {  	_ =	shalt  }
0x56: {  	_ =	shalt  }
0x57: {  	_ =	shalt  }
0x58: {  	_ =	shalt  }
0x59: {  	_ =	shalt  }
0x5a: {  	_ =	shalt  }
0x5b: {  	_ =	shalt  }
0x5c: {  	_ =	shalt  }
0x5d: {  	_ =	shalt  }
0x5e: {  	_ =	shalt  }
0x5f: {  	_ =	shalt  }
0x60: {  	_ =	shalt  }
0x61: {  	_ =	shalt  }
0x62: {  	_ =	shalt  }
0x63: {  	_ =	shalt  }
0x64: {  	_ =	shalt  }
0x65: {  	_ =	shalt  }
0x66: {  	_ =	shalt  }
0x67: {  	_ =	shalt  }
0x68: {  	_ =	shalt  }
0x69: {  	_ =	shalt  }
0x6a: {  	_ =	shalt  }
0x6b: {  	_ =	shalt  }
0x6c: {  	_ =	shalt  }
0x6d: {  	_ =	shalt  }
0x6e: {  	_ =	shalt  }
0x6f: {  	_ =	shalt  }
0x70: {  	_ =	shalt  }
0x71: {  	_ =	shalt  }
0x72: {  	_ =	shalt  }
0x73: {  	_ =	shalt  }
0x74: {  	_ =	shalt  }
0x75: {  	_ =	shalt  }
0x76: {  	_ =	shalt  }
0x77: {  	_ =	shalt  }
0x78: {  	_ =	shalt  }
0x79: {  	_ =	shalt  }
0x7a: {  	_ =	shalt  }
0x7b: {  	_ =	shalt  }
0x7c: {  	_ =	shalt  }
0x7d: {  	_ =	shalt  }
0x7e: {  	_ =	shalt  }
0x7f: {  	_ =	shalt  }
0x80: {  	_ =	shalt  }
0x81: {  	_ =	shalt  }
0x82: {  	_ =	shalt  }
0x83: {  	_ =	shalt  }
0x84: {  	_ =	shalt  }
0x85: {  	_ =	shalt  }
0x86: {  	_ =	shalt  }
0x87: {  	_ =	shalt  }
.Lfunc_end0:
.L_simem_size_0:
called_computation.6_lowered:
.L_overlay_start_0:
0x88: {  	s2 =	sld [smem:$0x3FD9]  }
0x89: {  	s3 =	sld [smem:$0x3FFE];
	_ =	sdelay $0x1  }
0x8a: {  	s1 =	srdreg.scid  }
0x8b: {  	s0 =	sand.u32 $0x1, s1  }
0x8c: {  	s16 =	sshll.u32 s0, $0xA;
	s2 =	sadd.s32 s3, s2  }
0x8d: {  	s2 =	sadd.s32 s2, s16  }
0x8e: {  	[smem:$0x3FB3] =	sst s2  }
0x8f: {  	_ = 	snop  }
0x90: {  	(tm) =	ssettm $0x1  }
0x91: {  	s17 =	sld [smem:$0x3FFB];
	_ =	sdelay $0x3  }
0x92: {  	_ =	strace s17  }
0x93: {  	s2 =	sld [smem:$0x3FFC];
	_ =	sdelay $0x3  }
0x94: {  	_ =	strace s2  }
0x95: {  	s2 =	sld [smem:$0x3FFD];
	_ =	sdelay $0x3  }
0x96: {  	_ =	strace s2  }
0x97: {  	_ =	strace $0x8FFFFFFF  }
0x98: {  	s18 =	sld [smem:$0x3FDB];
	_ =	sdelay $0x1  }
0x99: {  	s19 =	simm.s32 $_scs_section_size  }
0x9a: {  	s4 =	simm.s32 $_size__tile_overlayer_lowered;
	s5 =	simm.s32 $_tile_overlayer_lowered  }
0x9b: {  	s22 =	simm.s32 $0x1BFF;
	s21 =	sshll.u32 s5, $0x1;
	s2 =	sadd.s32 s19, s18  }
0x9c: {  	s6 =	simm.s32 $0x0;
	s20 =	sshll.u32 s4, $0x1;
	s4 =	sadd.s32 s21, s2  }
0x9d: {  	[timem:s6], [sflag:s22] =	dma.local [hbm:s4], s20  }
0x9e: {  	_ =	swait.ge [sflag:s22], s20  }
0x9f: {  	s3 =	ssub.s32 $0x0, s20;
	[sflag:s22] =	ssyncset.done $0x0  }
0xa0: {  	[sflag:s22] =	ssyncadd.s32 s3;
	_ =	sdelay $0x1  }
0xa1: {  	s23 =	simm.s32 $0x1B8B  }
0xa2: {  	_ =	swait.ge [sflag:s23], $0x1  }
0xa3: {  	[sflag:s23] =	ssyncset.done $0x0  }
0xa4: {  	s25 =	simm.s32 $0x1B8E;
	s24 =	sld [smem:$0x3FFE];
	[sflag:s23] =	ssyncadd.s32 $0xFFFFFFFF  }
0xa5: {  	s26 =	simm.s32 $execute0_lowered;
	[smem:$0x3FD2] =	sst s25  }
0xa6: {  	s4 =	sshll.u32 s26, $0x1;
	_ =	strace $0x80000058;
	[dreg:$0x1] =	wrdreg $0xFFFFFFFF  }
0xa7: {  	s28 =	simm.s32 $_size_execute0_lowered;
	s2 =	sadd.s32 s2, s4;
	[dreg:$0x0] =	wrdreg $0x0  }
0xa8: {  	s4 =	sshll.u32 s28, $0x1;
	[dreg:$0x2] =	wrdreg s2  }
0xa9: {  	[dreg:$0x3] =	wrdreg s4  }
0xaa: {  	[dreg:$0x4] =	wrdreg $0xC0  }
0xab: {  	_ =	task [dreg:s6], $0x5FFFF  }
0xac: {  	[dreg:$0x1] =	wrdreg $0xFFFFFFFF  }
0xad: {  	[dreg:$0x0] =	wrdreg $0x60  }
0xae: {  	[dreg:$0x2] =	wrdreg s24  }
0xaf: {  	[dreg:$0x3] =	wrdreg $0x9  }
0xb0: {  	_ =	task.clear_ibuf [dreg:s6], $0x4FFFF;
	_ =	strace $0x90000058  }
0xb1: {  	s29 =	simm.s32 $0x9;
	_ =	strace $0x8000005A  }
0xb2: {  	_ =	swait.ge [sflag:s29], $0x1  }
0xb3: {  	[sflag:s29] =	ssyncadd.s32 $0xFFFFFFFF  }
0xb4: {  	_ =	strace $0x9000005A  }
0xb5: {  	_ =	sfence  }
0xb6: {  	s30 =	sld [smem:$0x0];
	_ =	sdelay $0x2  }
0xb7: {  	s31 =	sshll.u32 s1, $0xD;
	s1 =	sshrl.u32 s1, $0x2  }
0xb8: {  	s3 =	sand.u32 $0x4000, s31;
	s1 =	sadd.s32 s1, s30  }
0xb9: {  	s0 =	sor.u32 s3, s0;
	s1 =	sshll.u32 s1, $0x11  }
0xba: {  	s0 =	sor.u32 s1, s0  }
0xbb: {  	s0 =	sadd.s32 $0x8F2B, s0  }
0xbc: {  	[sflag:s0] =	ssyncadd.remote.s32 $0x1  }
0xbd: {  	_ =	sfence.sel $0xFFFF  }
0xbe: {  	[dreg:$0x0] =	wrdreg $0xFFFFFFFF;
	(pc) =	sbr.abs _section_cstart, $3  }
0xbf: {  	[dreg:$0x1] =	wrdreg $0xFFFFFFFF  }
0xc0: {  	_ =	task.clear_ibuf [dreg:s6], $0x2FFFF;
	_ =	strace $0x9FFFFFFF  }
0xc1: {  	(tm) =	ssettm $0x7FFFFFFF  }
tec
execute0_lowered:
.L_overlay_start_1:
0x0: {  	(tag) =	ssettag $0x1  }
0x1: {  	s0 =	srdreg.scid;
	s14 =	stileid.u32  }
0x2: {  	s5 =	rddreg [dreg:$0x0];
	s2 =	simm.s32 $0x0;
	s19 =	simm.s32 $0x400  }
0x3: {  	s20 =	simm.s32 $0x5;
	s21 =	simm.s32 $0x2800;
	s22 =	simm.s32 $0x6800  }
0x4: {  	s23 =	simm.s32 $0x1;
	s28 =	simm.s32 $0x4;
	s29 =	simm.s32 $0x2780  }
0x5: {  	s30 =	simm.s32 $0x0;
	s0 =	sand.u32 $0x1, s0;
	[smem:$0x7FF] =	sst s2  }
0x6: {  	s3 =	sshll.u32 s14, $0x7;
	s6 =	smul.u32 $0x2800, s14;
	s15 =	sadd.s32 $0xC2800, s5  }
0x7: {  	s16 =	sadd.s32 $0x663000, s5;
	s17 =	smul.u32 $0x28000, s14;
	s1 =	sshll.u32 s0, $0x4  }
0x8: {  	_ =	strace $0x80000059;
	s4 =	sand.u32 $0x380, s3;
	s7 =	smul.u32 $0x28000, s0  }
0x9: {  	s8 =	ssub.s32 $0x2, s0;
	s0 =	smul.u32 $0x280000, s0;
	s1 =	sor.u32 s14, s1  }
0xa: {  	s3 =	sadd.s32 $0x72800, s5;
	s24 =	sshrl.u32 s8, $0x1;
	s1 =	sshrl.u32 s1, $0x3  }
0xb: {  	s6 =	sadd.s32 s6, s7;
	s9 =	ssub.s32 s8, s24;
	s18 =	sadd.s32 s0, s15  }
0xc: {  	s0 =	sadd.s32 s0, s16;
	s24 =	simm.s32 $0x3;
	s12 =	sshll.u32 s6, $0x4  }
0xd: {  	s1 =	smul.u32 $0x14000, s1;
	s9 =	smax.u32 s9, $0x1;
	s6 =	sadd.s32 s15, s12  }
0xe: {  	s26 =	sor.u32 $0x800, s12;
	s8 =	sadd.s32 s16, s12;
	s31 =	sadd.s32 $0x27800, s12  }
0xf: {  	s1 =	sor.u32 s4, s1;
	s4 =	sadd.s32 $0x9800, s5;
	s10 =	sadd.s32 s15, s26  }
0x10: {  	s11 =	sadd.s32 s16, s26;
	s12 =	sadd.s32 $0x27000, s6;
	s13 =	sadd.s32 s15, s31  }
0x11: {  	s14 =	sadd.s32 $0x27000, s8;
	s15 =	sadd.s32 s16, s31;
	s1 =	sshrl.u32 s1, $0x3  }
0x12: {  	s16 =	sadd.s32 s17, s18;
	s17 =	sadd.s32 s17, s0;
	s1 =	sadd.s32 s1, s5  }
0x13: {  	s18 =	simm.s32 $0x80;
	s26 =	simm.s32 $0x2;
	s25 =	sadd.s32 $0x68800, s1  }
0x14: {  	s7 =	sadd.s32 $0x5E800, s1;
	[dreg:$0x2] =	wrdreg s25;
	s25 =	simm.s32 $0x100  }
.LBB2_1:
0x15: {  	s0 =	rddreg [dreg:$0x2]  }
0x16: {  	[tilespmem:s2], [sflag:$0x5] =	stream.strided.gather [hbm4b:s0+s18], $0x2800, s19, s18, $0x38;
	[tilespmem:$0xA800] =	vst v63  }
0x17: {  	_ =	swait.ge [sflag:s20], $0x2800  }
0x18: {  	[sflag:s20] =	ssyncset.done $0x0  }
0x19: {  	[sflag:s20] =	ssyncadd.s32 $0xFFFFD800  }
0x1a: {  	[tilespmem:s21], [sflag:$0x1] =	stream.indirect.gather [hbm4b:s3+s18], $0x80, s2, s18, $0xb8;
	[tilespmem:$0xA800] =	vst v63  }
0x1b: {  	_ = 	snop  }
0x1c: {  	[tilespmem:s22], [sflag:$0x2] =	stream.indirect.gather [hbm4b:s3+s18], $0x80, s18, s18, $0xb8;
	[tilespmem:$0xA800] =	vst v63  }
0x1d: {  	_ =	swait.ge [sflag:s23], $0x4000  }
0x1e: {  	[sflag:s23] =	ssyncset.done $0x0  }
0x1f: {  	[sflag:s23] =	ssyncadd.s32 $0xFFFFC000  }
0x20: {  	[hbm4b:s6+s2] =	stream.linear.scatter [tilespmem:s21], [sflag:$0x3], $0x4000, $0x38;
	[tilespmem:$0xA800] =	vst v63  }
0x21: {  	_ =	swait.ge [sflag:s24], $0x4000  }
0x22: {  	[sflag:s24] =	ssyncset.done $0x0  }
0x23: {  	[sflag:s24] =	ssyncadd.s32 $0xFFFFC000  }
0x24: {  	[tilespmem:s21], [sflag:$0x1] =	stream.indirect.gather [hbm4b:s3+s18], $0x80, s25, s18, $0xb8;
	[tilespmem:$0xA800] =	vst v63  }
0x25: {  	_ =	swait.ge [sflag:s26], $0x4000  }
0x26: {  	[sflag:s26] =	ssyncset.done $0x0  }
0x27: {  	[sflag:s26] =	ssyncadd.s32 $0xFFFFC000  }
0x28: {  	[hbm4b:s10+s2] =	stream.linear.scatter [tilespmem:s22], [sflag:$0x4], $0x4000, $0x38;
	[tilespmem:$0xA800] =	vst v63  }
0x29: {  	_ =	swait.ge [sflag:s28], $0x4000  }
0x2a: {  	[sflag:s28] =	ssyncset.done $0x0  }
0x2b: {  	s1 =	simm.s32 $0x180;
	[sflag:s28] =	ssyncadd.s32 $0xFFFFC000  }
0x2c: {  	[tilespmem:s22], [sflag:$0x2] =	stream.indirect.gather [hbm4b:s3+s18], $0x80, s1, s18, $0xb8;
	[tilespmem:$0xA800] =	vst v63  }
0x2d: {  	_ =	swait.ge [sflag:s23], $0x4000  }
0x2e: {  	s0 =	sadd.s32 $0x0, s16;
	[sflag:s23] =	ssyncset.done $0x0  }
0x2f: {  	s1 =	sadd.s32 $0x1000, s0;
	[sflag:s23] =	ssyncadd.s32 $0xFFFFC000  }
0x30: {  	[hbm4b:s1+s2] =	stream.linear.scatter [tilespmem:s21], [sflag:$0x3], $0x4000, $0x38;
	[tilespmem:$0xA800] =	vst v63  }
0x31: {  	_ =	swait.ge [sflag:s24], $0x4000  }
0x32: {  	[sflag:s24] =	ssyncset.done $0x0  }
0x33: {  	s5 =	simm.s32 $0x200;
	[sflag:s24] =	ssyncadd.s32 $0xFFFFC000  }
0x34: {  	[tilespmem:s21], [sflag:$0x1] =	stream.indirect.gather [hbm4b:s3+s18], $0x80, s5, s18, $0xb8;
	[tilespmem:$0xA800] =	vst v63  }
0x35: {  	_ =	swait.ge [sflag:s26], $0x4000  }
0x36: {  	s31 =	simm.s32 $0x1000;
	[sflag:s26] =	ssyncset.done $0x0  }
0x37: {  	s0 =	sadd.s32 $0x1800, s0;
	s1 =	simm.s32 $0x280;
	[sflag:s26] =	ssyncadd.s32 $0xFFFFC000  }
.LBB2_2:
0x38: {  	[hbm4b:s0+s2] =	stream.linear.scatter [tilespmem:s22], [sflag:$0x4], $0x4000, $0x38;
	[tilespmem:$0xA800] =	vst v63  }
0x39: {  	s0 =	smov.u32 s31  }
0x3a: {  	p0 =	sne.s32 s31, $0x25000;
	s31 =	sadd.s32 $0x1000, s31;
	_ =	swait.ge [sflag:s28], $0x4000  }
0x3b: {  	[sflag:s28] =	ssyncset.done $0x0  }
0x3c: {  	[sflag:s28] =	ssyncadd.s32 $0xFFFFC000  }
0x3d: {  	[tilespmem:s22], [sflag:$0x2] =	stream.indirect.gather [hbm4b:s3+s18], $0x80, s1, s18, $0xb8;
	[tilespmem:$0xA800] =	vst v63  }
0x3e: {  	_ =	swait.ge [sflag:s23], $0x4000  }
0x3f: {  	s0 =	sadd.s32 s0, s16;
	[sflag:s23] =	ssyncset.done $0x0  }
0x40: {  	s5 =	sadd.s32 $0x1000, s0;
	[sflag:s23] =	ssyncadd.s32 $0xFFFFC000  }
0x41: {  	[hbm4b:s5+s2] =	stream.linear.scatter [tilespmem:s21], [sflag:$0x3], $0x4000, $0x38;
	[tilespmem:$0xA800] =	vst v63  }
0x42: {  	_ =	swait.ge [sflag:s24], $0x4000  }
0x43: {  	[sflag:s24] =	ssyncset.done $0x0  }
.Ltmp0:
0x44: {  	s5 =	sadd.s32 $0x80, s1;
	[sflag:s24] =	ssyncadd.s32 $0xFFFFC000;
	(pc) =	sbr.rel @p0 .LBB2_2-.Ltmp0, $4  }
0x45: {  	[tilespmem:s21], [sflag:$0x1] =	stream.indirect.gather [hbm4b:s3+s18], $0x80, s5, s18, $0xb8;
	[tilespmem:$0xA800] =	vst v63  }
0x46: {  	_ =	swait.ge [sflag:s26], $0x4000  }
0x47: {  	[sflag:s26] =	ssyncset.done $0x0  }
0x48: {  	s0 =	sadd.s32 $0x1800, s0;
	s1 =	sadd.s32 $0x100, s1;
	[sflag:s26] =	ssyncadd.s32 $0xFFFFC000  }
0x49: {  	[hbm4b:s0+s2] =	stream.linear.scatter [tilespmem:s22], [sflag:$0x4], $0x4000, $0x38;
	[tilespmem:$0xA800] =	vst v63  }
0x4a: {  	_ =	swait.ge [sflag:s28], $0x4000  }
0x4b: {  	[sflag:s28] =	ssyncset.done $0x0  }
0x4c: {  	[sflag:s28] =	ssyncadd.s32 $0xFFFFC000  }
0x4d: {  	[tilespmem:s22], [sflag:$0x2] =	stream.indirect.gather [hbm4b:s3+s18], $0x80, s29, s18, $0xb8;
	[tilespmem:$0xA800] =	vst v63  }
0x4e: {  	_ =	swait.ge [sflag:s23], $0x4000  }
0x4f: {  	[sflag:s23] =	ssyncset.done $0x0  }
0x50: {  	s5 =	simm.s32 $0x0;
	[sflag:s23] =	ssyncadd.s32 $0xFFFFC000  }
0x51: {  	[hbm4b:s12+s5] =	stream.linear.scatter [tilespmem:s21], [sflag:$0x3], $0x4000, $0x38;
	[tilespmem:$0xA800] =	vst v63  }
0x52: {  	_ =	swait.ge [sflag:s26], $0x4000  }
0x53: {  	[sflag:s26] =	ssyncset.done $0x0  }
0x54: {  	[sflag:s26] =	ssyncadd.s32 $0xFFFFC000  }
0x55: {  	[hbm4b:s13+s5] =	stream.linear.scatter [tilespmem:s22], [sflag:$0x4], $0x4000, $0x38;
	[tilespmem:$0xA800] =	vst v63  }
0x56: {  	_ =	swait.ge [sflag:s24], $0x4000  }
0x57: {  	[sflag:s24] =	ssyncset.done $0x0  }
0x58: {  	[sflag:s24] =	ssyncadd.s32 $0xFFFFC000  }
0x59: {  	_ =	swait.ge [sflag:s28], $0x4000  }
0x5a: {  	[sflag:s28] =	ssyncset.done $0x0  }
0x5b: {  	[sflag:s28] =	ssyncadd.s32 $0xFFFFC000  }
0x5c: {  	[tilespmem:s5], [sflag:$0x5] =	stream.strided.gather [hbm4b:s7+s18], $0x2800, s19, s18, $0x38;
	[tilespmem:$0xA800] =	vst v63  }
0x5d: {  	_ =	swait.ge [sflag:s20], $0x2800  }
0x5e: {  	[sflag:s20] =	ssyncset.done $0x0  }
0x5f: {  	[sflag:s20] =	ssyncadd.s32 $0xFFFFD800  }
0x60: {  	[tilespmem:s21], [sflag:$0x1] =	stream.indirect.gather [hbm4b:s4+s18], $0x80, s5, s18, $0xb8;
	[tilespmem:$0xA800] =	vst v63  }
0x61: {  	_ = 	snop  }
0x62: {  	[tilespmem:s22], [sflag:$0x2] =	stream.indirect.gather [hbm4b:s4+s18], $0x80, s18, s18, $0xb8;
	[tilespmem:$0xA800] =	vst v63  }
0x63: {  	_ =	swait.ge [sflag:s23], $0x4000  }
0x64: {  	[sflag:s23] =	ssyncset.done $0x0  }
0x65: {  	[sflag:s23] =	ssyncadd.s32 $0xFFFFC000  }
0x66: {  	[hbm4b:s8+s5] =	stream.linear.scatter [tilespmem:s21], [sflag:$0x3], $0x4000, $0x38;
	[tilespmem:$0xA800] =	vst v63  }
0x67: {  	_ =	swait.ge [sflag:s24], $0x4000  }
0x68: {  	[sflag:s24] =	ssyncset.done $0x0  }
0x69: {  	[sflag:s24] =	ssyncadd.s32 $0xFFFFC000  }
0x6a: {  	[tilespmem:s21], [sflag:$0x1] =	stream.indirect.gather [hbm4b:s4+s18], $0x80, s25, s18, $0xb8;
	[tilespmem:$0xA800] =	vst v63  }
0x6b: {  	_ =	swait.ge [sflag:s26], $0x4000  }
0x6c: {  	[sflag:s26] =	ssyncset.done $0x0  }
0x6d: {  	[sflag:s26] =	ssyncadd.s32 $0xFFFFC000  }
0x6e: {  	[hbm4b:s11+s5] =	stream.linear.scatter [tilespmem:s22], [sflag:$0x4], $0x4000, $0x38;
	[tilespmem:$0xA800] =	vst v63  }
0x6f: {  	_ =	swait.ge [sflag:s28], $0x4000  }
0x70: {  	[sflag:s28] =	ssyncset.done $0x0  }
0x71: {  	s1 =	simm.s32 $0x180;
	[sflag:s28] =	ssyncadd.s32 $0xFFFFC000  }
0x72: {  	[tilespmem:s22], [sflag:$0x2] =	stream.indirect.gather [hbm4b:s4+s18], $0x80, s1, s18, $0xb8;
	[tilespmem:$0xA800] =	vst v63  }
0x73: {  	_ =	swait.ge [sflag:s23], $0x4000  }
0x74: {  	s0 =	sadd.s32 $0x0, s17;
	[sflag:s23] =	ssyncset.done $0x0  }
0x75: {  	s1 =	sadd.s32 $0x1000, s0;
	[sflag:s23] =	ssyncadd.s32 $0xFFFFC000  }
0x76: {  	[hbm4b:s1+s2] =	stream.linear.scatter [tilespmem:s21], [sflag:$0x3], $0x4000, $0x38;
	[tilespmem:$0xA800] =	vst v63  }
0x77: {  	_ =	swait.ge [sflag:s24], $0x4000  }
0x78: {  	[sflag:s24] =	ssyncset.done $0x0  }
0x79: {  	s5 =	simm.s32 $0x200;
	[sflag:s24] =	ssyncadd.s32 $0xFFFFC000  }
0x7a: {  	[tilespmem:s21], [sflag:$0x1] =	stream.indirect.gather [hbm4b:s4+s18], $0x80, s5, s18, $0xb8;
	[tilespmem:$0xA800] =	vst v63  }
0x7b: {  	_ =	swait.ge [sflag:s26], $0x4000  }
0x7c: {  	s31 =	simm.s32 $0x1000;
	[sflag:s26] =	ssyncset.done $0x0  }
0x7d: {  	s0 =	sadd.s32 $0x1800, s0;
	s1 =	simm.s32 $0x280;
	[sflag:s26] =	ssyncadd.s32 $0xFFFFC000  }
.LBB2_4:
0x7e: {  	[hbm4b:s0+s2] =	stream.linear.scatter [tilespmem:s22], [sflag:$0x4], $0x4000, $0x38;
	[tilespmem:$0xA800] =	vst v63  }
0x7f: {  	s0 =	smov.u32 s31  }
0x80: {  	p0 =	sne.s32 s31, $0x25000;
	s31 =	sadd.s32 $0x1000, s31;
	_ =	swait.ge [sflag:s28], $0x4000  }
0x81: {  	[sflag:s28] =	ssyncset.done $0x0  }
0x82: {  	[sflag:s28] =	ssyncadd.s32 $0xFFFFC000  }
0x83: {  	[tilespmem:s22], [sflag:$0x2] =	stream.indirect.gather [hbm4b:s4+s18], $0x80, s1, s18, $0xb8;
	[tilespmem:$0xA800] =	vst v63  }
0x84: {  	_ =	swait.ge [sflag:s23], $0x4000  }
0x85: {  	s0 =	sadd.s32 s0, s17;
	[sflag:s23] =	ssyncset.done $0x0  }
0x86: {  	s5 =	sadd.s32 $0x1000, s0;
	[sflag:s23] =	ssyncadd.s32 $0xFFFFC000  }
0x87: {  	[hbm4b:s5+s2] =	stream.linear.scatter [tilespmem:s21], [sflag:$0x3], $0x4000, $0x38;
	[tilespmem:$0xA800] =	vst v63  }
0x88: {  	_ =	swait.ge [sflag:s24], $0x4000  }
0x89: {  	[sflag:s24] =	ssyncset.done $0x0  }
.Ltmp1:
0x8a: {  	s5 =	sadd.s32 $0x80, s1;
	[sflag:s24] =	ssyncadd.s32 $0xFFFFC000;
	(pc) =	sbr.rel @p0 .LBB2_4-.Ltmp1, $4  }
0x8b: {  	[tilespmem:s21], [sflag:$0x1] =	stream.indirect.gather [hbm4b:s4+s18], $0x80, s5, s18, $0xb8;
	[tilespmem:$0xA800] =	vst v63  }
0x8c: {  	_ =	swait.ge [sflag:s26], $0x4000  }
0x8d: {  	[sflag:s26] =	ssyncset.done $0x0  }
0x8e: {  	s0 =	sadd.s32 $0x1800, s0;
	s1 =	sadd.s32 $0x100, s1;
	[sflag:s26] =	ssyncadd.s32 $0xFFFFC000  }
0x8f: {  	[hbm4b:s0+s2] =	stream.linear.scatter [tilespmem:s22], [sflag:$0x4], $0x4000, $0x38;
	[tilespmem:$0xA800] =	vst v63  }
0x90: {  	_ =	swait.ge [sflag:s28], $0x4000  }
0x91: {  	[sflag:s28] =	ssyncset.done $0x0  }
0x92: {  	[sflag:s28] =	ssyncadd.s32 $0xFFFFC000  }
0x93: {  	[tilespmem:s22], [sflag:$0x2] =	stream.indirect.gather [hbm4b:s4+s18], $0x80, s29, s18, $0xb8;
	[tilespmem:$0xA800] =	vst v63  }
0x94: {  	_ =	swait.ge [sflag:s23], $0x4000  }
0x95: {  	[sflag:s23] =	ssyncset.done $0x0  }
0x96: {  	[sflag:s23] =	ssyncadd.s32 $0xFFFFC000  }
0x97: {  	[hbm4b:s14+s2] =	stream.linear.scatter [tilespmem:s21], [sflag:$0x3], $0x4000, $0x38;
	[tilespmem:$0xA800] =	vst v63  }
0x98: {  	_ =	swait.ge [sflag:s26], $0x4000  }
0x99: {  	[sflag:s26] =	ssyncset.done $0x0  }
0x9a: {  	s30 =	sadd.s32 $0x1, s30;
	[sflag:s26] =	ssyncadd.s32 $0xFFFFC000  }
0x9b: {  	[hbm4b:s15+s2] =	stream.linear.scatter [tilespmem:s22], [sflag:$0x4], $0x4000, $0x38;
	[tilespmem:$0xA800] =	vst v63  }
0x9c: {  	p0 =	sne.s32 s30, s9;
	_ =	swait.ge [sflag:s24], $0x4000  }
.Ltmp2:
0x9d: {  	[sflag:s24] =	ssyncset.done $0x0;
	(pc) =	sbr.rel @p0 .LBB2_1-.Ltmp2, $4  }
0x9e: {  	[sflag:s24] =	ssyncadd.s32 $0xFFFFC000  }
0x9f: {  	_ =	swait.ge [sflag:s28], $0x4000  }
0xa0: {  	[sflag:s28] =	ssyncset.done $0x0  }
0xa1: {  	[sflag:s28] =	ssyncadd.s32 $0xFFFFC000  }
0xa2: {  	_ =	sfence.sel $0x180000  }
0xa3: {  	[bflag:$0x0] =	sbarrier.arrive $0xFFFF  }
0xa4: {  	_ =	strace $0x90000059  }
0xa5: {  	s0 =	stileid.u32;
	[bflag:$0x2] =	sbarrier.arrive $0xFFFF  }
0xa6: {  	p0 =	sne.s32 s0, $0x0;
	s0 =	rddreg [dreg:$0x1]  }
0xa7: {  	s0 =	sadd.s32 @!p0 $0x100000, s0  }
0xa8: {  	[sflag:s0] =	ssyncadd.tile.s32 @!p0 $0x1;
	_ =	shalt  }
.Lfunc_end2:
_tile_overlayer_lowered:
.L_overlay_start_2:
0xa9: {  	(tag) =	ssettag $0x2  }
0xaa: {  	s0 =	rddreg [dreg:$0x0];
	s2 =	stileid.u32  }
0xab: {  	s1 =	rddreg [dreg:$0x1];
	p0 =	sne.s32 s2, $0x0  }
0xac: {  	s3 =	rddreg [dreg:$0x2];
	[bflag:$0x3] =	sbarrier.arrive $0xFFFF;
	s2 =	simm.s32 @!p0 $0x1C05  }
0xad: {  	[timem:s3], [sflag:s2] =	dma.local @!p0 [hbm:s0], s1  }
0xae: {  	s0 =	simm.s32 @!p0 $0x5  }
0xaf: {  	_ =	swait.ge @!p0 [sflag:s0], s1  }
0xb0: {  	s1 =	ssub.s32 @!p0 $0x0, s1;
	[sflag:s0] =	ssyncset.done @!p0 $0x0  }
0xb1: {  	[sflag:s0] =	ssyncadd.s32 @!p0 s1  }
0xb2: {  	[bflag:$0x3] =	sbarrier.arrive $0xFFFF  }
0xb3: {  	_ =	shalt  }

// kernel: kernel.9.cloned.1.call-start
scs
__scs_entry_jumppad:
0x0: {  	(pc) =	sbr.rel $0x88, $3  }
0x1: {  	(tag) =	ssettag $0x0;
	lr =	simm.s32 $0x1  }
0x2: {  	[smem:$0x3F8C] =	sst lr;
	_ =	strace $0xD0000000  }
0x3: {  	_ = 	snop  }
0x4: {  	_ = 	snop  }
0x5: {  	_ = 	snop  }
0x6: {  	_ = 	snop  }
0x7: {  	_ = 	snop  }
__scs_overlays_trampoline_lowered:
0x8: {  	[smem:$0x3F9B] =	sst s0  }
0x9: {  	[smem:$0x3F9C] =	sst s1  }
0xa: {  	[smem:$0x3F9D] =	sst s2  }
0xb: {  	[smem:$0x3F9E] =	sst s3  }
0xc: {  	[smem:$0x3F9F] =	sst s4  }
0xd: {  	[smem:$0x3FA0] =	sst s5  }
0xe: {  	[smem:$0x3FA1] =	sst s6  }
0xf: {  	[smem:$0x3FA2] =	sst s7  }
0x10: {  	[smem:$0x3FA3] =	sst s8  }
0x11: {  	[smem:$0x3FA4] =	sst s9;
	s0 =	simm.s32 @!p0 $0x0  }
0x12: {  	s1 =	sld [smem:$0x3F8A];
	s0 =	simm.s32 @p0 $0x1  }
0x13: {  	[smem:$0x3FA5] =	sst s0;
	s0 =	simm.s32 @!p1 $0x0  }
0x14: {  	s2 =	sld [smem:$0x3F89];
	s0 =	simm.s32 @p1 $0x1  }
0x15: {  	[smem:$0x3FA6] =	sst s0;
	s0 =	simm.s32 @!p2 $0x0  }
0x16: {  	s3 =	sld [smem:$0x3FDB];
	s0 =	simm.s32 @p2 $0x1  }
0x17: {  	s4 =	simm.s32 $0x1BF5;
	[smem:$0x3FA8] =	sst s0  }
0x18: {  	s0 =	sld [smem:$0x3F8B];
	_ =	swait.ge [sflag:s4], $0x0  }
0x19: {  	s7 =	sld [smem:$0x3F8C]  }
0x1a: {  	s8 =	sadd.s32 $0xFFFFE003, lr  }
0x1b: {  	s9 =	sadd.s32 $0xFFFFFEF7, lr;
	s5 =	simm.s32 $0xFFFFFFFF;
	p2 =	slt.u32 s8, $0xFFFFF086  }
0x1c: {  	p1 =	slt.u32 s9, $0xF7A;
	s5 =	simm.s32 @!p2 $0x0  }
0x1d: {  	s5 =	simm.s32 @p1 $0x1;
	p0 =	seq.s32 s7, s2  }
0x1e: {  	s7 =	smul.u32 @!p0 $0xF7A, s2;
	p2 =	seq.s32 @!p0 s5, $0x0  }
0x1f: {  	s9 =	smul.u32 $0xF7A, s1;
	s8 =	simm.s32 @!p0 $0x1BF5;
	p2 =	por !p2, p0  }
0x20: {  	[sflag:s8] =	ssyncset.s32 @!p0 $0xFFFFF086;
	s6 =	sadd.s32 @!p0 s3, s7;
	s7 =	simm.s32 @!p0 $0x108  }
0x21: {  	s3 =	sadd.s32 s3, s9;
	s6 =	sadd.s32 @!p0 $0x88, s6;
	s7 =	simm.s32 @p2 $0x1082  }
0x22: {  	[simem:s7], [sflag:s8] =	dma.local @!p0 [hbm:s6], $0xF7A  }
0x23: {  	s9 =	sor.u32 $0xD0000000, s2;
	s6 =	simm.s32 $0x108;
	_ =	swait.ge @!p0 [sflag:s8], $0x0  }
0x24: {  	s3 =	sadd.s32 $0x88, s3;
	s6 =	simm.s32 @!p1 $0x1082;
	[sflag:s4] =	ssyncset.s32 $0xFFFFF086  }
0x25: {  	[simem:s6], [sflag:s4] =	dma.local [hbm:s3], $0xF7A  }
0x26: {  	[smem:$0x3F8C] =	sst s1;
	(tag) =	ssettag s2;
	_ =	strace s9  }
0x27: {  	s1 =	sld [smem:$0x3F9C]  }
0x28: {  	s2 =	sld [smem:$0x3F9D]  }
0x29: {  	s4 =	sld [smem:$0x3F9F]  }
0x2a: {  	p0 =	seq.s32 s5, $0x0;
	s5 =	sld [smem:$0x3FA0]  }
0x2b: {  	s6 =	sld [smem:$0x3FA1]  }
0x2c: {  	s7 =	sld [smem:$0x3FA2]  }
0x2d: {  	s3 =	simm.s32 $0x108;
	s8 =	sld [smem:$0x3FA3]  }
0x2e: {  	s3 =	simm.s32 @!p0 $0x1082;
	s9 =	sld [smem:$0x3FA4]  }
0x2f: {  	lr =	sadd.s32 s0, s3;
	s0 =	sld [smem:$0x3F9B]  }
0x30: {  	s3 =	sld [smem:$0x3F9E]  }
0x31: {  	[smem:$0x3FA7] =	sst s10  }
0x32: {  	s10 =	sld [smem:$0x3FA5];
	_ =	sdelay $0x3  }
0x33: {  	p0 =	seq.s32 s10, $0x1;
	s10 =	sld [smem:$0x3FA7];
	_ =	sdelay $0x3  }
0x34: {  	[smem:$0x3FA7] =	sst s10  }
0x35: {  	s10 =	sld [smem:$0x3FA6];
	_ =	sdelay $0x3  }
0x36: {  	p1 =	seq.s32 s10, $0x1;
	s10 =	sld [smem:$0x3FA7];
	_ =	sdelay $0x3  }
0x37: {  	[smem:$0x3FA7] =	sst s10  }
0x38: {  	s10 =	sld [smem:$0x3FA8]  }
0x39: {  	_ = 	snop;
	(pc) =	sbr.ind lr, $3  }
0x3a: {  	_ = 	snop  }
0x3b: {  	_ = 	snop  }
0x3c: {  	p2 =	seq.s32 s10, $0x1;
	s10 =	sld [smem:$0x3FA7]  }
0x3d: {  	_ =	shalt  }
0x3e: {  	_ =	shalt  }
0x3f: {  	_ =	shalt  }
0x40: {  	_ =	shalt  }
0x41: {  	_ =	shalt  }
0x42: {  	_ =	shalt  }
0x43: {  	_ =	shalt  }
0x44: {  	_ =	shalt  }
0x45: {  	_ =	shalt  }
0x46: {  	_ =	shalt  }
0x47: {  	_ =	shalt  }
0x48: {  	_ =	shalt  }
0x49: {  	_ =	shalt  }
0x4a: {  	_ =	shalt  }
0x4b: {  	_ =	shalt  }
0x4c: {  	_ =	shalt  }
0x4d: {  	_ =	shalt  }
0x4e: {  	_ =	shalt  }
0x4f: {  	_ =	shalt  }
0x50: {  	_ =	shalt  }
0x51: {  	_ =	shalt  }
0x52: {  	_ =	shalt  }
0x53: {  	_ =	shalt  }
0x54: {  	_ =	shalt  }
0x55: {  	_ =	shalt  }
0x56: {  	_ =	shalt  }
0x57: {  	_ =	shalt  }
0x58: {  	_ =	shalt  }
0x59: {  	_ =	shalt  }
0x5a: {  	_ =	shalt  }
0x5b: {  	_ =	shalt  }
0x5c: {  	_ =	shalt  }
0x5d: {  	_ =	shalt  }
0x5e: {  	_ =	shalt  }
0x5f: {  	_ =	shalt  }
0x60: {  	_ =	shalt  }
0x61: {  	_ =	shalt  }
0x62: {  	_ =	shalt  }
0x63: {  	_ =	shalt  }
0x64: {  	_ =	shalt  }
0x65: {  	_ =	shalt  }
0x66: {  	_ =	shalt  }
0x67: {  	_ =	shalt  }
0x68: {  	_ =	shalt  }
0x69: {  	_ =	shalt  }
0x6a: {  	_ =	shalt  }
0x6b: {  	_ =	shalt  }
0x6c: {  	_ =	shalt  }
0x6d: {  	_ =	shalt  }
0x6e: {  	_ =	shalt  }
0x6f: {  	_ =	shalt  }
0x70: {  	_ =	shalt  }
0x71: {  	_ =	shalt  }
0x72: {  	_ =	shalt  }
0x73: {  	_ =	shalt  }
0x74: {  	_ =	shalt  }
0x75: {  	_ =	shalt  }
0x76: {  	_ =	shalt  }
0x77: {  	_ =	shalt  }
0x78: {  	_ =	shalt  }
0x79: {  	_ =	shalt  }
0x7a: {  	_ =	shalt  }
0x7b: {  	_ =	shalt  }
0x7c: {  	_ =	shalt  }
0x7d: {  	_ =	shalt  }
0x7e: {  	_ =	shalt  }
0x7f: {  	_ =	shalt  }
0x80: {  	_ =	shalt  }
0x81: {  	_ =	shalt  }
0x82: {  	_ =	shalt  }
0x83: {  	_ =	shalt  }
0x84: {  	_ =	shalt  }
0x85: {  	_ =	shalt  }
0x86: {  	_ =	shalt  }
0x87: {  	_ =	shalt  }
.Lfunc_end0:
.L_simem_size_0:
called_computation_lowered:
.L_overlay_start_0:
0x88: {  	s2 =	sld [smem:$0x3FD9]  }
0x89: {  	s3 =	sld [smem:$0x3FFE];
	_ =	sdelay $0x1  }
0x8a: {  	s1 =	srdreg.scid  }
0x8b: {  	s0 =	sand.u32 $0x1, s1  }
0x8c: {  	s16 =	sshll.u32 s0, $0xA;
	s2 =	sadd.s32 s3, s2  }
0x8d: {  	s2 =	sadd.s32 s2, s16  }
0x8e: {  	[smem:$0x3FB3] =	sst s2  }
0x8f: {  	_ = 	snop  }
0x90: {  	(tm) =	ssettm $0x1  }
0x91: {  	s17 =	sld [smem:$0x3FFB];
	_ =	sdelay $0x3  }
0x92: {  	_ =	strace s17  }
0x93: {  	s2 =	sld [smem:$0x3FFC];
	_ =	sdelay $0x3  }
0x94: {  	_ =	strace s2  }
0x95: {  	s2 =	sld [smem:$0x3FFD];
	_ =	sdelay $0x3  }
0x96: {  	_ =	strace s2  }
0x97: {  	_ =	strace $0x8FFFFFFF  }
0x98: {  	s18 =	sld [smem:$0x3FDB];
	_ =	sdelay $0x1  }
0x99: {  	s19 =	simm.s32 $_scs_section_size  }
0x9a: {  	s4 =	simm.s32 $_size__tile_overlayer_lowered;
	s5 =	simm.s32 $_tile_overlayer_lowered  }
0x9b: {  	s22 =	simm.s32 $0x1BFF;
	s21 =	sshll.u32 s5, $0x1;
	s2 =	sadd.s32 s19, s18  }
0x9c: {  	s6 =	simm.s32 $0x0;
	s20 =	sshll.u32 s4, $0x1;
	s4 =	sadd.s32 s21, s2  }
0x9d: {  	[timem:s6], [sflag:s22] =	dma.local [hbm:s4], s20  }
0x9e: {  	_ =	swait.ge [sflag:s22], s20  }
0x9f: {  	s3 =	ssub.s32 $0x0, s20;
	[sflag:s22] =	ssyncset.done $0x0  }
0xa0: {  	[sflag:s22] =	ssyncadd.s32 s3;
	_ =	sdelay $0x1  }
0xa1: {  	s23 =	simm.s32 $0x1B8B  }
0xa2: {  	_ =	swait.ge [sflag:s23], $0x1  }
0xa3: {  	[sflag:s23] =	ssyncset.done $0x0  }
0xa4: {  	s25 =	simm.s32 $0x1B8E;
	s24 =	sld [smem:$0x3FFE];
	[sflag:s23] =	ssyncadd.s32 $0xFFFFFFFF  }
0xa5: {  	s26 =	simm.s32 $execute0_lowered;
	[smem:$0x3FD2] =	sst s25  }
0xa6: {  	s4 =	sshll.u32 s26, $0x1;
	_ =	strace $0x80000046;
	[dreg:$0x1] =	wrdreg $0xFFFFFFFF  }
0xa7: {  	s28 =	simm.s32 $_size_execute0_lowered;
	s2 =	sadd.s32 s2, s4;
	[dreg:$0x0] =	wrdreg $0x0  }
0xa8: {  	s4 =	sshll.u32 s28, $0x1;
	[dreg:$0x2] =	wrdreg s2  }
0xa9: {  	[dreg:$0x3] =	wrdreg s4  }
0xaa: {  	[dreg:$0x4] =	wrdreg $0xC0  }
0xab: {  	_ =	task [dreg:s6], $0x5FFFF  }
0xac: {  	[dreg:$0x1] =	wrdreg $0xFFFFFFFF  }
0xad: {  	[dreg:$0x0] =	wrdreg $0x60  }
0xae: {  	[dreg:$0x2] =	wrdreg s24  }
0xaf: {  	[dreg:$0x3] =	wrdreg $0x9  }
0xb0: {  	_ =	task.clear_ibuf [dreg:s6], $0x4FFFF;
	_ =	strace $0x90000046  }
0xb1: {  	s29 =	simm.s32 $0x9;
	_ =	strace $0x80000048  }
0xb2: {  	_ =	swait.ge [sflag:s29], $0x1  }
0xb3: {  	[sflag:s29] =	ssyncadd.s32 $0xFFFFFFFF  }
0xb4: {  	_ =	strace $0x90000048  }
0xb5: {  	_ =	sfence  }
0xb6: {  	s30 =	sld [smem:$0x0];
	_ =	sdelay $0x2  }
0xb7: {  	s31 =	sshll.u32 s1, $0xD;
	s1 =	sshrl.u32 s1, $0x2  }
0xb8: {  	s3 =	sand.u32 $0x4000, s31;
	s1 =	sadd.s32 s1, s30  }
0xb9: {  	s0 =	sor.u32 s3, s0;
	s1 =	sshll.u32 s1, $0x11  }
0xba: {  	s0 =	sor.u32 s1, s0  }
0xbb: {  	s0 =	sadd.s32 $0x8F2B, s0  }
0xbc: {  	[sflag:s0] =	ssyncadd.remote.s32 $0x1  }
0xbd: {  	_ =	sfence.sel $0xFFFF  }
0xbe: {  	[dreg:$0x0] =	wrdreg $0xFFFFFFFF;
	(pc) =	sbr.abs _section_cstart, $3  }
0xbf: {  	[dreg:$0x1] =	wrdreg $0xFFFFFFFF  }
0xc0: {  	_ =	task.clear_ibuf [dreg:s6], $0x2FFFF;
	_ =	strace $0x9FFFFFFF  }
0xc1: {  	(tm) =	ssettm $0x7FFFFFFF  }
tec
execute0_lowered:
.L_overlay_start_1:
0x0: {  	(tag) =	ssettag $0x1  }
0x1: {  	s0 =	srdreg.scid;
	s5 =	rddreg [dreg:$0x0];
	s2 =	simm.s32 $0x0  }
0x2: {  	s12 =	simm.s32 $0x400;
	s13 =	simm.s32 $0x5;
	s14 =	simm.s32 $0x2800  }
0x3: {  	s15 =	simm.s32 $0x6800;
	s16 =	simm.s32 $0x1;
	s17 =	simm.s32 $0x3  }
0x4: {  	s18 =	simm.s32 $0x100;
	s19 =	simm.s32 $0x2;
	s20 =	simm.s32 $0x4  }
0x5: {  	s21 =	simm.s32 $0x2780;
	s4 =	sand.u32 $0x1, s0;
	s0 =	stileid.u32  }
0x6: {  	s22 =	simm.s32 $0x0;
	s1 =	sshll.u32 s4, $0x4;
	s26 =	smul.u32 $0x2800, s0  }
0x7: {  	[smem:$0x7FF] =	sst s2;
	s8 =	smul.u32 $0x28000, s4;
	s1 =	sor.u32 s0, s1  }
0x8: {  	s10 =	sadd.s32 $0xC2800, s5;
	s31 =	smul.u32 $0x280000, s4;
	s1 =	sshrl.u32 s1, $0x3  }
0x9: {  	s6 =	sshll.u32 s0, $0x7;
	s9 =	ssub.s32 $0x2, s4;
	s3 =	smul.u32 $0x14000, s1  }
0xa: {  	s11 =	smul.u32 $0x28000, s0;
	s6 =	sand.u32 $0x380, s6;
	s28 =	sshrl.u32 s9, $0x1  }
0xb: {  	s29 =	ssub.s32 s9, s28;
	s1 =	rddreg [dreg:$0x1];
	s3 =	sor.u32 s6, s3  }
0xc: {  	_ =	strace $0x80000047;
	s6 =	sadd.s32 s26, s8;
	s7 =	sshrl.u32 s3, $0x3  }
0xd: {  	s3 =	sadd.s32 $0x72800, s5;
	s30 =	sshll.u32 s6, $0x4;
	s6 =	smax.u32 s29, $0x1  }
0xe: {  	s7 =	sadd.s32 s7, s5;
	s5 =	sadd.s32 s10, s30;
	s10 =	sadd.s32 s31, s10  }
0xf: {  	s4 =	sadd.s32 $0x68800, s7;
	s7 =	sadd.s32 $0x800, s5;
	s8 =	sadd.s32 $0x27000, s5  }
0x10: {  	s9 =	sadd.s32 $0x27800, s5;
	s10 =	sadd.s32 s11, s10;
	s11 =	simm.s32 $0x80  }
.LBB2_1:
0x11: {  	[tilespmem:s2], [sflag:$0x5] =	stream.strided.gather [hbm4b:s4+s11], $0x2800, s12, s11, $0x38;
	[tilespmem:$0xA800] =	vst v63  }
0x12: {  	_ =	swait.ge [sflag:s13], $0x2800  }
0x13: {  	[sflag:s13] =	ssyncset.done $0x0  }
0x14: {  	[sflag:s13] =	ssyncadd.s32 $0xFFFFD800  }
0x15: {  	[tilespmem:s14], [sflag:$0x1] =	stream.indirect.gather [hbm4b:s3+s11], $0x80, s2, s11, $0xb8;
	[tilespmem:$0xA800] =	vst v63  }
0x16: {  	_ = 	snop  }
0x17: {  	[tilespmem:s15], [sflag:$0x2] =	stream.indirect.gather [hbm4b:s3+s11], $0x80, s11, s11, $0xb8;
	[tilespmem:$0xA800] =	vst v63  }
0x18: {  	_ =	swait.ge [sflag:s16], $0x4000  }
0x19: {  	[sflag:s16] =	ssyncset.done $0x0  }
0x1a: {  	[sflag:s16] =	ssyncadd.s32 $0xFFFFC000  }
0x1b: {  	[hbm4b:s5+s2] =	stream.linear.scatter [tilespmem:s14], [sflag:$0x3], $0x4000, $0x38;
	[tilespmem:$0xA800] =	vst v63  }
0x1c: {  	_ =	swait.ge [sflag:s17], $0x4000  }
0x1d: {  	[sflag:s17] =	ssyncset.done $0x0  }
0x1e: {  	[sflag:s17] =	ssyncadd.s32 $0xFFFFC000  }
0x1f: {  	[tilespmem:s14], [sflag:$0x1] =	stream.indirect.gather [hbm4b:s3+s11], $0x80, s18, s11, $0xb8;
	[tilespmem:$0xA800] =	vst v63  }
0x20: {  	_ =	swait.ge [sflag:s19], $0x4000  }
0x21: {  	[sflag:s19] =	ssyncset.done $0x0  }
0x22: {  	[sflag:s19] =	ssyncadd.s32 $0xFFFFC000  }
0x23: {  	[hbm4b:s7+s2] =	stream.linear.scatter [tilespmem:s15], [sflag:$0x4], $0x4000, $0x38;
	[tilespmem:$0xA800] =	vst v63  }
0x24: {  	_ =	swait.ge [sflag:s20], $0x4000  }
0x25: {  	[sflag:s20] =	ssyncset.done $0x0  }
0x26: {  	s23 =	simm.s32 $0x180;
	[sflag:s20] =	ssyncadd.s32 $0xFFFFC000  }
0x27: {  	[tilespmem:s15], [sflag:$0x2] =	stream.indirect.gather [hbm4b:s3+s11], $0x80, s23, s11, $0xb8;
	[tilespmem:$0xA800] =	vst v63  }
0x28: {  	_ =	swait.ge [sflag:s16], $0x4000  }
0x29: {  	s24 =	sadd.s32 $0x0, s10;
	[sflag:s16] =	ssyncset.done $0x0  }
0x2a: {  	s30 =	sadd.s32 $0x1000, s24;
	[sflag:s16] =	ssyncadd.s32 $0xFFFFC000  }
0x2b: {  	[hbm4b:s30+s2] =	stream.linear.scatter [tilespmem:s14], [sflag:$0x3], $0x4000, $0x38;
	[tilespmem:$0xA800] =	vst v63  }
0x2c: {  	_ =	swait.ge [sflag:s17], $0x4000  }
0x2d: {  	[sflag:s17] =	ssyncset.done $0x0  }
0x2e: {  	s31 =	simm.s32 $0x200;
	[sflag:s17] =	ssyncadd.s32 $0xFFFFC000  }
0x2f: {  	[tilespmem:s14], [sflag:$0x1] =	stream.indirect.gather [hbm4b:s3+s11], $0x80, s31, s11, $0xb8;
	[tilespmem:$0xA800] =	vst v63  }
0x30: {  	_ =	swait.ge [sflag:s19], $0x4000  }
0x31: {  	s25 =	sadd.s32 $0x1800, s24;
	[sflag:s19] =	ssyncset.done $0x0  }
0x32: {  	s24 =	simm.s32 $0x280;
	s23 =	simm.s32 $0x1000;
	[sflag:s19] =	ssyncadd.s32 $0xFFFFC000  }
.LBB2_2:
0x33: {  	[hbm4b:s25+s2] =	stream.linear.scatter [tilespmem:s15], [sflag:$0x4], $0x4000, $0x38;
	[tilespmem:$0xA800] =	vst v63  }
0x34: {  	s25 =	smov.u32 s23  }
0x35: {  	p0 =	sne.s32 s23, $0x25000;
	s23 =	sadd.s32 $0x1000, s23;
	_ =	swait.ge [sflag:s20], $0x4000  }
0x36: {  	[sflag:s20] =	ssyncset.done $0x0  }
0x37: {  	[sflag:s20] =	ssyncadd.s32 $0xFFFFC000  }
0x38: {  	[tilespmem:s15], [sflag:$0x2] =	stream.indirect.gather [hbm4b:s3+s11], $0x80, s24, s11, $0xb8;
	[tilespmem:$0xA800] =	vst v63  }
0x39: {  	_ =	swait.ge [sflag:s16], $0x4000  }
0x3a: {  	s25 =	sadd.s32 s25, s10;
	[sflag:s16] =	ssyncset.done $0x0  }
0x3b: {  	s26 =	sadd.s32 $0x1000, s25;
	[sflag:s16] =	ssyncadd.s32 $0xFFFFC000  }
0x3c: {  	[hbm4b:s26+s2] =	stream.linear.scatter [tilespmem:s14], [sflag:$0x3], $0x4000, $0x38;
	[tilespmem:$0xA800] =	vst v63  }
0x3d: {  	_ =	swait.ge [sflag:s17], $0x4000  }
0x3e: {  	[sflag:s17] =	ssyncset.done $0x0  }
.Ltmp0:
0x3f: {  	s26 =	sadd.s32 $0x80, s24;
	[sflag:s17] =	ssyncadd.s32 $0xFFFFC000;
	(pc) =	sbr.rel @p0 .LBB2_2-.Ltmp0, $4  }
0x40: {  	[tilespmem:s14], [sflag:$0x1] =	stream.indirect.gather [hbm4b:s3+s11], $0x80, s26, s11, $0xb8;
	[tilespmem:$0xA800] =	vst v63  }
0x41: {  	_ =	swait.ge [sflag:s19], $0x4000  }
0x42: {  	[sflag:s19] =	ssyncset.done $0x0  }
0x43: {  	s25 =	sadd.s32 $0x1800, s25;
	s24 =	sadd.s32 $0x100, s24;
	[sflag:s19] =	ssyncadd.s32 $0xFFFFC000  }
0x44: {  	[hbm4b:s25+s2] =	stream.linear.scatter [tilespmem:s15], [sflag:$0x4], $0x4000, $0x38;
	[tilespmem:$0xA800] =	vst v63  }
0x45: {  	_ =	swait.ge [sflag:s20], $0x4000  }
0x46: {  	[sflag:s20] =	ssyncset.done $0x0  }
0x47: {  	[sflag:s20] =	ssyncadd.s32 $0xFFFFC000  }
0x48: {  	[tilespmem:s15], [sflag:$0x2] =	stream.indirect.gather [hbm4b:s3+s11], $0x80, s21, s11, $0xb8;
	[tilespmem:$0xA800] =	vst v63  }
0x49: {  	_ =	swait.ge [sflag:s16], $0x4000  }
0x4a: {  	[sflag:s16] =	ssyncset.done $0x0  }
0x4b: {  	[sflag:s16] =	ssyncadd.s32 $0xFFFFC000  }
0x4c: {  	[hbm4b:s8+s2] =	stream.linear.scatter [tilespmem:s14], [sflag:$0x3], $0x4000, $0x38;
	[tilespmem:$0xA800] =	vst v63  }
0x4d: {  	_ =	swait.ge [sflag:s19], $0x4000  }
0x4e: {  	[sflag:s19] =	ssyncset.done $0x0  }
0x4f: {  	s22 =	sadd.s32 $0x1, s22;
	[sflag:s19] =	ssyncadd.s32 $0xFFFFC000  }
0x50: {  	[hbm4b:s9+s2] =	stream.linear.scatter [tilespmem:s15], [sflag:$0x4], $0x4000, $0x38;
	[tilespmem:$0xA800] =	vst v63  }
0x51: {  	p0 =	sne.s32 s22, s6;
	_ =	swait.ge [sflag:s17], $0x4000  }
.Ltmp1:
0x52: {  	[sflag:s17] =	ssyncset.done $0x0;
	(pc) =	sbr.rel @p0 .LBB2_1-.Ltmp1, $4  }
0x53: {  	[sflag:s17] =	ssyncadd.s32 $0xFFFFC000  }
0x54: {  	_ =	swait.ge [sflag:s20], $0x4000  }
0x55: {  	[sflag:s20] =	ssyncset.done $0x0  }
0x56: {  	[sflag:s20] =	ssyncadd.s32 $0xFFFFC000  }
0x57: {  	_ =	sfence.sel $0x180000  }
0x58: {  	[bflag:$0x0] =	sbarrier.arrive $0xFFFF  }
0x59: {  	p0 =	sne.s32 s0, $0x0;
	_ =	strace $0x90000047  }
0x5a: {  	s0 =	sadd.s32 @!p0 $0x100000, s1;
	[bflag:$0x2] =	sbarrier.arrive $0xFFFF  }
0x5b: {  	[sflag:s0] =	ssyncadd.tile.s32 @!p0 $0x1;
	_ =	shalt  }
.Lfunc_end2:
_tile_overlayer_lowered:
.L_overlay_start_2:
0x5c: {  	(tag) =	ssettag $0x2  }
0x5d: {  	s0 =	rddreg [dreg:$0x0];
	s2 =	stileid.u32  }
0x5e: {  	s1 =	rddreg [dreg:$0x1];
	p0 =	sne.s32 s2, $0x0  }
0x5f: {  	s3 =	rddreg [dreg:$0x2];
	[bflag:$0x3] =	sbarrier.arrive $0xFFFF;
	s2 =	simm.s32 @!p0 $0x1C05  }
0x60: {  	[timem:s3], [sflag:s2] =	dma.local @!p0 [hbm:s0], s1  }
0x61: {  	s0 =	simm.s32 @!p0 $0x5  }
0x62: {  	_ =	swait.ge @!p0 [sflag:s0], s1  }
0x63: {  	s1 =	ssub.s32 @!p0 $0x0, s1;
	[sflag:s0] =	ssyncset.done @!p0 $0x0  }
0x64: {  	[sflag:s0] =	ssyncadd.s32 @!p0 s1  }
0x65: {  	[bflag:$0x3] =	sbarrier.arrive $0xFFFF  }
0x66: {  	_ =	shalt  }

</sc_bundles>
